<compile_context>
chip_gen: v7x
topology: tpu7x:2x2x1
jax: 0.10.2.dev20260603
libtpu: 0.0.44.dev20260713+nightly
codegen_flags: <defaults>
</compile_context>

<pallas_src>
import functools

import jax
import jax.numpy as jnp
from jax import lax
from jax.experimental import pallas as pl
from jax.experimental.pallas import tpu as pltpu
from jax.experimental.pallas import tpu_sc as plsc

_B = 16384
_N = 1000
_NPAD = 1024

_R_TC = 8192

_BRH = 512

_NC = 2
_NS = 16
_NW = _NC * _NS
_R_SC = _B - _R_TC
_RPW = _R_SC // _NW
_CH = 16
_NG = _RPW // _CH
_NFULL = _N // 16
_TBASE = _N - 16



def _tau_rows(xv, tab):
    m = jnp.max(xv, axis=1, keepdims=True)
    cols = jax.lax.broadcasted_iota(jnp.int32, xv.shape, 1)
    idx = jnp.min(jnp.where(xv == m, cols, _N), axis=1)
    onehot = cols == idx[:, None]
    return jnp.sum(jnp.where(onehot, tab, 0.0), axis=1)


def _tc_body(xa_ref, xb_ref, lt_ref, o_ref):
    tab = jnp.exp(lt_ref[...])
    o_ref[:_BRH, :] = _tau_rows(xa_ref[...], tab)[:, None]
    o_ref[_BRH:, :] = _tau_rows(xb_ref[...], tab)[:, None]


def _tc_part(x, lt2):
    return pl.pallas_call(
        _tc_body,
        grid=(_R_TC // (2 * _BRH),),
        in_specs=[
            pl.BlockSpec((_BRH, _N), lambda i: (2 * i, 0)),
            pl.BlockSpec((_BRH, _N), lambda i: (2 * i + 1, 0)),
            pl.BlockSpec((1, _N), lambda i: (0, 0)),
        ],
        out_specs=pl.BlockSpec((2 * _BRH, 1), lambda i: (i, 0)),
        out_shape=jax.ShapeDtypeStruct((_R_TC, 1), jnp.float32),
    )(x, x, lt2)



def _sc_body(x_hbm, lt_hbm, out_hbm, buf, tab, out_v, sem0, sem1):
    cix = lax.axis_index("c")
    six = lax.axis_index("s")
    wid = six * _NC + cix
    base_row = _R_TC + wid * _RPW
    lane = lax.iota(jnp.int32, 16)

    pltpu.sync_copy(lt_hbm, tab)
    for k in range(_NPAD // 16):
        tab[pl.ds(k * 16, 16)] = jnp.exp(tab[pl.ds(k * 16, 16)])

    def issue(g, b, sem):
        pltpu.async_copy(
            x_hbm.at[pl.ds(base_row + g * _CH, _CH), :],
            buf.at[pl.ds(b * _CH, _CH), :],
            sem)

    def drain(b, sem):
        pltpu.make_async_copy(
            x_hbm.at[pl.ds(0, _CH), :],
            buf.at[pl.ds(b * _CH, _CH), :],
            sem).wait()

    def compute_group(g, b):

        def row_body(r, acc):
            row = b * _CH + r
            ms = [buf[row, pl.ds(a * 16, 16)] for a in range(4)]
            cis = [jnp.full((16,), a, jnp.int32) for a in range(4)]
            for c in range(4, _NFULL):
                a = c % 4
                v = buf[row, pl.ds(c * 16, 16)]
                gt = v > ms[a]
                ms[a] = jnp.where(gt, v, ms[a])
                cis[a] = jnp.where(gt, c, cis[a])

            def merge(m1, c1, m2, c2):
                take = jnp.logical_or(
                    m2 > m1, jnp.logical_and(m2 == m1, c2 < c1))
                return jnp.where(take, m2, m1), jnp.where(take, c2, c1)

            m, ci = merge(*merge(ms[0], cis[0], ms[1], cis[1]),
                          *merge(ms[2], cis[2], ms[3], cis[3]))
            col = ci * 16 + lane
            tl0 = buf[row, pl.ds(_TBASE, 16)]
            tl = tl0.at[lane ^ 8].get(mode="promise_in_bounds")
            gt2 = tl > m
            m = jnp.where(gt2, tl, m)
            col = jnp.where(gt2, _NFULL * 16 + lane, col)
            for s in (8, 4, 2, 1):
                p = lane ^ s
                m2 = m.at[p].get(mode="promise_in_bounds")
                c2 = col.at[p].get(mode="promise_in_bounds")
                take = jnp.logical_or(
                    m2 > m, jnp.logical_and(m2 == m, c2 < col))
                m = jnp.where(take, m2, m)
                col = jnp.where(take, c2, col)
            tv = tab[pl.ds(col[0], 16)]
            return jnp.where(lane == r, tv[0], acc)

        rowvals = lax.fori_loop(0, _CH, row_body,
                                jnp.zeros((16,), jnp.float32))
        out_v[pl.ds(g * _CH, _CH)] = rowvals

    def pair_body(p, carry):
        g0 = 2 * p
        drain(0, sem0)
        compute_group(g0, 0)
        @pl.when(g0 + 2 < _NG)
        def _():
            issue(g0 + 2, 0, sem0)
        drain(1, sem1)
        compute_group(g0 + 1, 1)
        @pl.when(g0 + 3 < _NG)
        def _():
            issue(g0 + 3, 1, sem1)
        return carry

    issue(0, 0, sem0)
    issue(1, 1, sem1)
    lax.fori_loop(0, _NG // 2, pair_body, 0)
    pltpu.sync_copy(out_v, out_hbm.at[pl.ds(wid * _RPW, _RPW)])


def _sc_part(x, lt_pad):
    mesh = plsc.VectorSubcoreMesh(core_axis_name="c", subcore_axis_name="s")
    f = functools.partial(
        pl.kernel,
        out_type=jax.ShapeDtypeStruct((_R_SC,), jnp.float32),
        mesh=mesh,
        scratch_types=[
            pltpu.VMEM((2 * _CH, _N), jnp.float32),
            pltpu.VMEM((_NPAD,), jnp.float32),
            pltpu.VMEM((_RPW,), jnp.float32),
            pltpu.SemaphoreType.DMA,
            pltpu.SemaphoreType.DMA,
        ],
    )(_sc_body)
    return f(x, lt_pad)


def kernel(x, log_tau):
    lt_pad = jnp.pad(log_tau, (0, _NPAD - _N))
    parts = []
    if _R_TC:
        parts.append(_tc_part(x, log_tau.reshape(1, _N)))
    if _R_SC:
        parts.append(_sc_part(x, lt_pad)[:, None])
    if len(parts) == 1:
        return parts[0]
    return jnp.concatenate(parts, axis=0)

# --- scband reference (transcript-rebuilt; emitter-appended) ---
"""Pipeline reference for scband-tau-tabular-85572928405704 (READ-ONLY COPY).

The authoritative reference and input builder live on the scoring server;
editing this copy changes nothing except your own understanding.
"""

import jax, jax.numpy as jnp
import numpy as np

B = 16384
N = 1000

def setup_inputs(seed: int = 0) -> dict:
    key = jax.random.key(seed)
    k1, _ = jax.random.split(key)
    x = jax.random.normal(k1, (B, N), dtype=jnp.float32)
    # learned parameter, initialized to zeros as in the torch module
    log_tau = jnp.zeros((N,), dtype=jnp.float32)
    return {"x": x, "log_tau": log_tau}

def reference(x, log_tau):
    idx = jnp.argmax(x, axis=1)
    tau = jnp.exp(jnp.take(log_tau, idx, axis=0))
    return tau[:, None]

if __name__ == "__main__":
    import jax
    _d = setup_inputs()
    print(jax.jit(kernel)(*tuple(_d.values())))

</pallas_src>

<mosaic_0001>
#map = affine_map<(d0, d1) -> (0, 0)>
#map1 = affine_map<(d0, d1) -> (0)>
module attributes {stable_mosaic.version = 14 : i64} {
  func.func @_sc_body(%arg0: i32, %arg1: i32, %arg2: memref<16384x1000xf32, #tpu.memory_space<hbm>>, %arg3: memref<1024xf32, #tpu.memory_space<hbm>>, %arg4: memref<8192xf32, #tpu.memory_space<hbm>>, %arg5: memref<32x1000xf32, #tpu.memory_space<vmem>>, %arg6: memref<1024xf32, #tpu.memory_space<vmem>>, %arg7: memref<256xf32, #tpu.memory_space<vmem>>, %arg8: memref<!tpu.dma_semaphore, #tpu.memory_space<semaphore_mem>>, %arg9: memref<!tpu.dma_semaphore, #tpu.memory_space<semaphore_mem>>) attributes {dimension_semantics = [#tpu.dimension_semantics<core_parallel>, #tpu.dimension_semantics<subcore_parallel>], iteration_bounds = array<i64: 2, 16>, scalar_prefetch = 0 : i64, scratch_operands = 5 : i64, tpu.core_type = #tpu.core_type<sc_vector_subcore>, window_params = [{transform_indices = #map}, {transform_indices = #map1}, {transform_indices = #map1}]} {
    %mul3A = arith.constant 2 : i32
    %mul3A_0 = arith.muli %arg1, %mul3A : i32
    %add3A = arith.addi %mul3A_0, %arg0 : i32
    %mul3A_1 = arith.constant 256 : i32
    %mul3A_2 = arith.muli %add3A, %mul3A_1 : i32
    %add3A_3 = arith.constant 8192 : i32
    %add3A_4 = arith.addi %add3A_3, %mul3A_2 : i32
    %iota3A = tpu.iota {dimensions = array<i32: 0>} : vector<16xi32>
    "tpu.region"() ({
      %run_scoped3A = tpu.sem_alloc : memref<!tpu.dma_semaphore, #tpu.memory_space<semaphore_mem>>
      tpu.enqueue_dma source(%arg3 : memref<1024xf32, #tpu.memory_space<hbm>>) target(%arg6 : memref<1024xf32, #tpu.memory_space<vmem>>) target_semaphore(%run_scoped3A : memref<!tpu.dma_semaphore, #tpu.memory_space<semaphore_mem>>)
      tpu.wait_dma2 semaphore(%run_scoped3A : memref<!tpu.dma_semaphore, #tpu.memory_space<semaphore_mem>>) src(%arg3 : memref<1024xf32, #tpu.memory_space<hbm>>) dst(%arg6 : memref<1024xf32, #tpu.memory_space<vmem>>)
      tpu.yield
    }) : () -> ()
    %get3A = arith.constant 0 : index
    %get3A_5 = tpu.vector_load %arg6[%get3A] {strides = array<i32>} : memref<1024xf32, #tpu.memory_space<vmem>>, vector<16xf32>,
    %get3A_6 = vector.shape_cast %get3A_5 : vector<16xf32> to vector<16xf32>
    %exp3A = math.exp %get3A_6 : vector<16xf32>
    %swap3A = arith.constant 0 : index
    %swap3A_7 = tpu.vector_load %arg6[%swap3A] {strides = array<i32>} : memref<1024xf32, #tpu.memory_space<vmem>>, vector<16xf32>,
    %swap3A_8 = vector.shape_cast %swap3A_7 : vector<16xf32> to vector<16xf32>
    %swap3A_9 = vector.shape_cast %exp3A : vector<16xf32> to vector<16xf32>
    tpu.vector_store %arg6[%swap3A], %swap3A_9 {strides = array<i32>} : memref<1024xf32, #tpu.memory_space<vmem>>, vector<16xf32>,
    %get3A_10 = arith.constant 16 : index
    %get3A_11 = tpu.vector_load %arg6[%get3A_10] {strides = array<i32>} : memref<1024xf32, #tpu.memory_space<vmem>>, vector<16xf32>,
    %get3A_12 = vector.shape_cast %get3A_11 : vector<16xf32> to vector<16xf32>
    %exp3A_13 = math.exp %get3A_12 : vector<16xf32>
    %swap3A_14 = arith.constant 16 : index
    %swap3A_15 = tpu.vector_load %arg6[%swap3A_14] {strides = array<i32>} : memref<1024xf32, #tpu.memory_space<vmem>>, vector<16xf32>,
    %swap3A_16 = vector.shape_cast %swap3A_15 : vector<16xf32> to vector<16xf32>
    %swap3A_17 = vector.shape_cast %exp3A_13 : vector<16xf32> to vector<16xf32>
    tpu.vector_store %arg6[%swap3A_14], %swap3A_17 {strides = array<i32>} : memref<1024xf32, #tpu.memory_space<vmem>>, vector<16xf32>,
    %get3A_18 = arith.constant 32 : index
    %get3A_19 = tpu.vector_load %arg6[%get3A_18] {strides = array<i32>} : memref<1024xf32, #tpu.memory_space<vmem>>, vector<16xf32>,
    %get3A_20 = vector.shape_cast %get3A_19 : vector<16xf32> to vector<16xf32>
    %exp3A_21 = math.exp %get3A_20 : vector<16xf32>
    %swap3A_22 = arith.constant 32 : index
    %swap3A_23 = tpu.vector_load %arg6[%swap3A_22] {strides = array<i32>} : memref<1024xf32, #tpu.memory_space<vmem>>, vector<16xf32>,
    %swap3A_24 = vector.shape_cast %swap3A_23 : vector<16xf32> to vector<16xf32>
    %swap3A_25 = vector.shape_cast %exp3A_21 : vector<16xf32> to vector<16xf32>
    tpu.vector_store %arg6[%swap3A_22], %swap3A_25 {strides = array<i32>} : memref<1024xf32, #tpu.memory_space<vmem>>, vector<16xf32>,
    %get3A_26 = arith.constant 48 : index
    %get3A_27 = tpu.vector_load %arg6[%get3A_26] {strides = array<i32>} : memref<1024xf32, #tpu.memory_space<vmem>>, vector<16xf32>,
    %get3A_28 = vector.shape_cast %get3A_27 : vector<16xf32> to vector<16xf32>
    %exp3A_29 = math.exp %get3A_28 : vector<16xf32>
    %swap3A_30 = arith.constant 48 : index
    %swap3A_31 = tpu.vector_load %arg6[%swap3A_30] {strides = array<i32>} : memref<1024xf32, #tpu.memory_space<vmem>>, vector<16xf32>,
    %swap3A_32 = vector.shape_cast %swap3A_31 : vector<16xf32> to vector<16xf32>
    %swap3A_33 = vector.shape_cast %exp3A_29 : vector<16xf32> to vector<16xf32>
    tpu.vector_store %arg6[%swap3A_30], %swap3A_33 {strides = array<i32>} : memref<1024xf32, #tpu.memory_space<vmem>>, vector<16xf32>,
    %get3A_34 = arith.constant 64 : index
    %get3A_35 = tpu.vector_load %arg6[%get3A_34] {strides = array<i32>} : memref<1024xf32, #tpu.memory_space<vmem>>, vector<16xf32>,
    %get3A_36 = vector.shape_cast %get3A_35 : vector<16xf32> to vector<16xf32>
    %exp3A_37 = math.exp %get3A_36 : vector<16xf32>
    %swap3A_38 = arith.constant 64 : index
    %swap3A_39 = tpu.vector_load %arg6[%swap3A_38] {strides = array<i32>} : memref<1024xf32, #tpu.memory_space<vmem>>, vector<16xf32>,
    %swap3A_40 = vector.shape_cast %swap3A_39 : vector<16xf32> to vector<16xf32>
    %swap3A_41 = vector.shape_cast %exp3A_37 : vector<16xf32> to vector<16xf32>
    tpu.vector_store %arg6[%swap3A_38], %swap3A_41 {strides = array<i32>} : memref<1024xf32, #tpu.memory_space<vmem>>, vector<16xf32>,
    %get3A_42 = arith.constant 80 : index
    %get3A_43 = tpu.vector_load %arg6[%get3A_42] {strides = array<i32>} : memref<1024xf32, #tpu.memory_space<vmem>>, vector<16xf32>,
    %get3A_44 = vector.shape_cast %get3A_43 : vector<16xf32> to vector<16xf32>
    %exp3A_45 = math.exp %get3A_44 : vector<16xf32>
    %swap3A_46 = arith.constant 80 : index
    %swap3A_47 = tpu.vector_load %arg6[%swap3A_46] {strides = array<i32>} : memref<1024xf32, #tpu.memory_space<vmem>>, vector<16xf32>,
    %swap3A_48 = vector.shape_cast %swap3A_47 : vector<16xf32> to vector<16xf32>
    %swap3A_49 = vector.shape_cast %exp3A_45 : vector<16xf32> to vector<16xf32>
    tpu.vector_store %arg6[%swap3A_46], %swap3A_49 {strides = array<i32>} : memref<1024xf32, #tpu.memory_space<vmem>>, vector<16xf32>,
    %get3A_50 = arith.constant 96 : index
    %get3A_51 = tpu.vector_load %arg6[%get3A_50] {strides = array<i32>} : memref<1024xf32, #tpu.memory_space<vmem>>, vector<16xf32>,
    %get3A_52 = vector.shape_cast %get3A_51 : vector<16xf32> to vector<16xf32>
    %exp3A_53 = math.exp %get3A_52 : vector<16xf32>
    %swap3A_54 = arith.constant 96 : index
    %swap3A_55 = tpu.vector_load %arg6[%swap3A_54] {strides = array<i32>} : memref<1024xf32, #tpu.memory_space<vmem>>, vector<16xf32>,
    %swap3A_56 = vector.shape_cast %swap3A_55 : vector<16xf32> to vector<16xf32>
    %swap3A_57 = vector.shape_cast %exp3A_53 : vector<16xf32> to vector<16xf32>
    tpu.vector_store %arg6[%swap3A_54], %swap3A_57 {strides = array<i32>} : memref<1024xf32, #tpu.memory_space<vmem>>, vector<16xf32>,
    %get3A_58 = arith.constant 112 : index
    %get3A_59 = tpu.vector_load %arg6[%get3A_58] {strides = array<i32>} : memref<1024xf32, #tpu.memory_space<vmem>>, vector<16xf32>,
    %get3A_60 = vector.shape_cast %get3A_59 : vector<16xf32> to vector<16xf32>
    %exp3A_61 = math.exp %get3A_60 : vector<16xf32>
    %swap3A_62 = arith.constant 112 : index
    %swap3A_63 = tpu.vector_load %arg6[%swap3A_62] {strides = array<i32>} : memref<1024xf32, #tpu.memory_space<vmem>>, vector<16xf32>,
    %swap3A_64 = vector.shape_cast %swap3A_63 : vector<16xf32> to vector<16xf32>
    %swap3A_65 = vector.shape_cast %exp3A_61 : vector<16xf32> to vector<16xf32>
    tpu.vector_store %arg6[%swap3A_62], %swap3A_65 {strides = array<i32>} : memref<1024xf32, #tpu.memory_space<vmem>>, vector<16xf32>,
    %get3A_66 = arith.constant 128 : index
    %get3A_67 = tpu.vector_load %arg6[%get3A_66] {strides = array<i32>} : memref<1024xf32, #tpu.memory_space<vmem>>, vector<16xf32>,
    %get3A_68 = vector.shape_cast %get3A_67 : vector<16xf32> to vector<16xf32>
    %exp3A_69 = math.exp %get3A_68 : vector<16xf32>
    %swap3A_70 = arith.constant 128 : index
    %swap3A_71 = tpu.vector_load %arg6[%swap3A_70] {strides = array<i32>} : memref<1024xf32, #tpu.memory_space<vmem>>, vector<16xf32>,
    %swap3A_72 = vector.shape_cast %swap3A_71 : vector<16xf32> to vector<16xf32>
    %swap3A_73 = vector.shape_cast %exp3A_69 : vector<16xf32> to vector<16xf32>
    tpu.vector_store %arg6[%swap3A_70], %swap3A_73 {strides = array<i32>} : memref<1024xf32, #tpu.memory_space<vmem>>, vector<16xf32>,
    %get3A_74 = arith.constant 144 : index
    %get3A_75 = tpu.vector_load %arg6[%get3A_74] {strides = array<i32>} : memref<1024xf32, #tpu.memory_space<vmem>>, vector<16xf32>,
    %get3A_76 = vector.shape_cast %get3A_75 : vector<16xf32> to vector<16xf32>
    %exp3A_77 = math.exp %get3A_76 : vector<16xf32>
    %swap3A_78 = arith.constant 144 : index
    %swap3A_79 = tpu.vector_load %arg6[%swap3A_78] {strides = array<i32>} : memref<1024xf32, #tpu.memory_space<vmem>>, vector<16xf32>,
    %swap3A_80 = vector.shape_cast %swap3A_79 : vector<16xf32> to vector<16xf32>
    %swap3A_81 = vector.shape_cast %exp3A_77 : vector<16xf32> to vector<16xf32>
    tpu.vector_store %arg6[%swap3A_78], %swap3A_81 {strides = array<i32>} : memref<1024xf32, #tpu.memory_space<vmem>>, vector<16xf32>,
    %get3A_82 = arith.constant 160 : index
    %get3A_83 = tpu.vector_load %arg6[%get3A_82] {strides = array<i32>} : memref<1024xf32, #tpu.memory_space<vmem>>, vector<16xf32>,
    %get3A_84 = vector.shape_cast %get3A_83 : vector<16xf32> to vector<16xf32>
    %exp3A_85 = math.exp %get3A_84 : vector<16xf32>
    %swap3A_86 = arith.constant 160 : index
    %swap3A_87 = tpu.vector_load %arg6[%swap3A_86] {strides = array<i32>} : memref<1024xf32, #tpu.memory_space<vmem>>, vector<16xf32>,
    %swap3A_88 = vector.shape_cast %swap3A_87 : vector<16xf32> to vector<16xf32>
    %swap3A_89 = vector.shape_cast %exp3A_85 : vector<16xf32> to vector<16xf32>
    tpu.vector_store %arg6[%swap3A_86], %swap3A_89 {strides = array<i32>} : memref<1024xf32, #tpu.memory_space<vmem>>, vector<16xf32>,
    %get3A_90 = arith.constant 176 : index
    %get3A_91 = tpu.vector_load %arg6[%get3A_90] {strides = array<i32>} : memref<1024xf32, #tpu.memory_space<vmem>>, vector<16xf32>,
    %get3A_92 = vector.shape_cast %get3A_91 : vector<16xf32> to vector<16xf32>
    %exp3A_93 = math.exp %get3A_92 : vector<16xf32>
    %swap3A_94 = arith.constant 176 : index
    %swap3A_95 = tpu.vector_load %arg6[%swap3A_94] {strides = array<i32>} : memref<1024xf32, #tpu.memory_space<vmem>>, vector<16xf32>,
    %swap3A_96 = vector.shape_cast %swap3A_95 : vector<16xf32> to vector<16xf32>
    %swap3A_97 = vector.shape_cast %exp3A_93 : vector<16xf32> to vector<16xf32>
    tpu.vector_store %arg6[%swap3A_94], %swap3A_97 {strides = array<i32>} : memref<1024xf32, #tpu.memory_space<vmem>>, vector<16xf32>,
    %get3A_98 = arith.constant 192 : index
    %get3A_99 = tpu.vector_load %arg6[%get3A_98] {strides = array<i32>} : memref<1024xf32, #tpu.memory_space<vmem>>, vector<16xf32>,
    %get3A_100 = vector.shape_cast %get3A_99 : vector<16xf32> to vector<16xf32>
    %exp3A_101 = math.exp %get3A_100 : vector<16xf32>
    %swap3A_102 = arith.constant 192 : index
    %swap3A_103 = tpu.vector_load %arg6[%swap3A_102] {strides = array<i32>} : memref<1024xf32, #tpu.memory_space<vmem>>, vector<16xf32>,
    %swap3A_104 = vector.shape_cast %swap3A_103 : vector<16xf32> to vector<16xf32>
    %swap3A_105 = vector.shape_cast %exp3A_101 : vector<16xf32> to vector<16xf32>
    tpu.vector_store %arg6[%swap3A_102], %swap3A_105 {strides = array<i32>} : memref<1024xf32, #tpu.memory_space<vmem>>, vector<16xf32>,
    %get3A_106 = arith.constant 208 : index
    %get3A_107 = tpu.vector_load %arg6[%get3A_106] {strides = array<i32>} : memref<1024xf32, #tpu.memory_space<vmem>>, vector<16xf32>,
    %get3A_108 = vector.shape_cast %get3A_107 : vector<16xf32> to vector<16xf32>
    %exp3A_109 = math.exp %get3A_108 : vector<16xf32>
    %swap3A_110 = arith.constant 208 : index
    %swap3A_111 = tpu.vector_load %arg6[%swap3A_110] {strides = array<i32>} : memref<1024xf32, #tpu.memory_space<vmem>>, vector<16xf32>,
    %swap3A_112 = vector.shape_cast %swap3A_111 : vector<16xf32> to vector<16xf32>
    %swap3A_113 = vector.shape_cast %exp3A_109 : vector<16xf32> to vector<16xf32>
    tpu.vector_store %arg6[%swap3A_110], %swap3A_113 {strides = array<i32>} : memref<1024xf32, #tpu.memory_space<vmem>>, vector<16xf32>,
    %get3A_114 = arith.constant 224 : index
    %get3A_115 = tpu.vector_load %arg6[%get3A_114] {strides = array<i32>} : memref<1024xf32, #tpu.memory_space<vmem>>, vector<16xf32>,
    %get3A_116 = vector.shape_cast %get3A_115 : vector<16xf32> to vector<16xf32>
    %exp3A_117 = math.exp %get3A_116 : vector<16xf32>
    %swap3A_118 = arith.constant 224 : index
    %swap3A_119 = tpu.vector_load %arg6[%swap3A_118] {strides = array<i32>} : memref<1024xf32, #tpu.memory_space<vmem>>, vector<16xf32>,
    %swap3A_120 = vector.shape_cast %swap3A_119 : vector<16xf32> to vector<16xf32>
    %swap3A_121 = vector.shape_cast %exp3A_117 : vector<16xf32> to vector<16xf32>
    tpu.vector_store %arg6[%swap3A_118], %swap3A_121 {strides = array<i32>} : memref<1024xf32, #tpu.memory_space<vmem>>, vector<16xf32>,
    %get3A_122 = arith.constant 240 : index
    %get3A_123 = tpu.vector_load %arg6[%get3A_122] {strides = array<i32>} : memref<1024xf32, #tpu.memory_space<vmem>>, vector<16xf32>,
    %get3A_124 = vector.shape_cast %get3A_123 : vector<16xf32> to vector<16xf32>
    %exp3A_125 = math.exp %get3A_124 : vector<16xf32>
    %swap3A_126 = arith.constant 240 : index
    %swap3A_127 = tpu.vector_load %arg6[%swap3A_126] {strides = array<i32>} : memref<1024xf32, #tpu.memory_space<vmem>>, vector<16xf32>,
    %swap3A_128 = vector.shape_cast %swap3A_127 : vector<16xf32> to vector<16xf32>
    %swap3A_129 = vector.shape_cast %exp3A_125 : vector<16xf32> to vector<16xf32>
    tpu.vector_store %arg6[%swap3A_126], %swap3A_129 {strides = array<i32>} : memref<1024xf32, #tpu.memory_space<vmem>>, vector<16xf32>,
    %get3A_130 = arith.constant 256 : index
    %get3A_131 = tpu.vector_load %arg6[%get3A_130] {strides = array<i32>} : memref<1024xf32, #tpu.memory_space<vmem>>, vector<16xf32>,
    %get3A_132 = vector.shape_cast %get3A_131 : vector<16xf32> to vector<16xf32>
    %exp3A_133 = math.exp %get3A_132 : vector<16xf32>
    %swap3A_134 = arith.constant 256 : index
    %swap3A_135 = tpu.vector_load %arg6[%swap3A_134] {strides = array<i32>} : memref<1024xf32, #tpu.memory_space<vmem>>, vector<16xf32>,
    %swap3A_136 = vector.shape_cast %swap3A_135 : vector<16xf32> to vector<16xf32>
    %swap3A_137 = vector.shape_cast %exp3A_133 : vector<16xf32> to vector<16xf32>
    tpu.vector_store %arg6[%swap3A_134], %swap3A_137 {strides = array<i32>} : memref<1024xf32, #tpu.memory_space<vmem>>, vector<16xf32>,
    %get3A_138 = arith.constant 272 : index
    %get3A_139 = tpu.vector_load %arg6[%get3A_138] {strides = array<i32>} : memref<1024xf32, #tpu.memory_space<vmem>>, vector<16xf32>,
    %get3A_140 = vector.shape_cast %get3A_139 : vector<16xf32> to vector<16xf32>
    %exp3A_141 = math.exp %get3A_140 : vector<16xf32>
    %swap3A_142 = arith.constant 272 : index
    %swap3A_143 = tpu.vector_load %arg6[%swap3A_142] {strides = array<i32>} : memref<1024xf32, #tpu.memory_space<vmem>>, vector<16xf32>,
    %swap3A_144 = vector.shape_cast %swap3A_143 : vector<16xf32> to vector<16xf32>
    %swap3A_145 = vector.shape_cast %exp3A_141 : vector<16xf32> to vector<16xf32>
    tpu.vector_store %arg6[%swap3A_142], %swap3A_145 {strides = array<i32>} : memref<1024xf32, #tpu.memory_space<vmem>>, vector<16xf32>,
    %get3A_146 = arith.constant 288 : index
    %get3A_147 = tpu.vector_load %arg6[%get3A_146] {strides = array<i32>} : memref<1024xf32, #tpu.memory_space<vmem>>, vector<16xf32>,
    %get3A_148 = vector.shape_cast %get3A_147 : vector<16xf32> to vector<16xf32>
    %exp3A_149 = math.exp %get3A_148 : vector<16xf32>
    %swap3A_150 = arith.constant 288 : index
    %swap3A_151 = tpu.vector_load %arg6[%swap3A_150] {strides = array<i32>} : memref<1024xf32, #tpu.memory_space<vmem>>, vector<16xf32>,
    %swap3A_152 = vector.shape_cast %swap3A_151 : vector<16xf32> to vector<16xf32>
    %swap3A_153 = vector.shape_cast %exp3A_149 : vector<16xf32> to vector<16xf32>
    tpu.vector_store %arg6[%swap3A_150], %swap3A_153 {strides = array<i32>} : memref<1024xf32, #tpu.memory_space<vmem>>, vector<16xf32>,
    %get3A_154 = arith.constant 304 : index
    %get3A_155 = tpu.vector_load %arg6[%get3A_154] {strides = array<i32>} : memref<1024xf32, #tpu.memory_space<vmem>>, vector<16xf32>,
    %get3A_156 = vector.shape_cast %get3A_155 : vector<16xf32> to vector<16xf32>
    %exp3A_157 = math.exp %get3A_156 : vector<16xf32>
    %swap3A_158 = arith.constant 304 : index
    %swap3A_159 = tpu.vector_load %arg6[%swap3A_158] {strides = array<i32>} : memref<1024xf32, #tpu.memory_space<vmem>>, vector<16xf32>,
    %swap3A_160 = vector.shape_cast %swap3A_159 : vector<16xf32> to vector<16xf32>
    %swap3A_161 = vector.shape_cast %exp3A_157 : vector<16xf32> to vector<16xf32>
    tpu.vector_store %arg6[%swap3A_158], %swap3A_161 {strides = array<i32>} : memref<1024xf32, #tpu.memory_space<vmem>>, vector<16xf32>,
    %get3A_162 = arith.constant 320 : index
    %get3A_163 = tpu.vector_load %arg6[%get3A_162] {strides = array<i32>} : memref<1024xf32, #tpu.memory_space<vmem>>, vector<16xf32>,
    %get3A_164 = vector.shape_cast %get3A_163 : vector<16xf32> to vector<16xf32>
    %exp3A_165 = math.exp %get3A_164 : vector<16xf32>
    %swap3A_166 = arith.constant 320 : index
    %swap3A_167 = tpu.vector_load %arg6[%swap3A_166] {strides = array<i32>} : memref<1024xf32, #tpu.memory_space<vmem>>, vector<16xf32>,
    %swap3A_168 = vector.shape_cast %swap3A_167 : vector<16xf32> to vector<16xf32>
    %swap3A_169 = vector.shape_cast %exp3A_165 : vector<16xf32> to vector<16xf32>
    tpu.vector_store %arg6[%swap3A_166], %swap3A_169 {strides = array<i32>} : memref<1024xf32, #tpu.memory_space<vmem>>, vector<16xf32>,
    %get3A_170 = arith.constant 336 : index
    %get3A_171 = tpu.vector_load %arg6[%get3A_170] {strides = array<i32>} : memref<1024xf32, #tpu.memory_space<vmem>>, vector<16xf32>,
    %get3A_172 = vector.shape_cast %get3A_171 : vector<16xf32> to vector<16xf32>
    %exp3A_173 = math.exp %get3A_172 : vector<16xf32>
    %swap3A_174 = arith.constant 336 : index
    %swap3A_175 = tpu.vector_load %arg6[%swap3A_174] {strides = array<i32>} : memref<1024xf32, #tpu.memory_space<vmem>>, vector<16xf32>,
    %swap3A_176 = vector.shape_cast %swap3A_175 : vector<16xf32> to vector<16xf32>
    %swap3A_177 = vector.shape_cast %exp3A_173 : vector<16xf32> to vector<16xf32>
    tpu.vector_store %arg6[%swap3A_174], %swap3A_177 {strides = array<i32>} : memref<1024xf32, #tpu.memory_space<vmem>>, vector<16xf32>,
    %get3A_178 = arith.constant 352 : index
    %get3A_179 = tpu.vector_load %arg6[%get3A_178] {strides = array<i32>} : memref<1024xf32, #tpu.memory_space<vmem>>, vector<16xf32>,
    %get3A_180 = vector.shape_cast %get3A_179 : vector<16xf32> to vector<16xf32>
    %exp3A_181 = math.exp %get3A_180 : vector<16xf32>
    %swap3A_182 = arith.constant 352 : index
    %swap3A_183 = tpu.vector_load %arg6[%swap3A_182] {strides = array<i32>} : memref<1024xf32, #tpu.memory_space<vmem>>, vector<16xf32>,
    %swap3A_184 = vector.shape_cast %swap3A_183 : vector<16xf32> to vector<16xf32>
    %swap3A_185 = vector.shape_cast %exp3A_181 : vector<16xf32> to vector<16xf32>
    tpu.vector_store %arg6[%swap3A_182], %swap3A_185 {strides = array<i32>} : memref<1024xf32, #tpu.memory_space<vmem>>, vector<16xf32>,
    %get3A_186 = arith.constant 368 : index
    %get3A_187 = tpu.vector_load %arg6[%get3A_186] {strides = array<i32>} : memref<1024xf32, #tpu.memory_space<vmem>>, vector<16xf32>,
    %get3A_188 = vector.shape_cast %get3A_187 : vector<16xf32> to vector<16xf32>
    %exp3A_189 = math.exp %get3A_188 : vector<16xf32>
    %swap3A_190 = arith.constant 368 : index
    %swap3A_191 = tpu.vector_load %arg6[%swap3A_190] {strides = array<i32>} : memref<1024xf32, #tpu.memory_space<vmem>>, vector<16xf32>,
    %swap3A_192 = vector.shape_cast %swap3A_191 : vector<16xf32> to vector<16xf32>
    %swap3A_193 = vector.shape_cast %exp3A_189 : vector<16xf32> to vector<16xf32>
    tpu.vector_store %arg6[%swap3A_190], %swap3A_193 {strides = array<i32>} : memref<1024xf32, #tpu.memory_space<vmem>>, vector<16xf32>,
    %get3A_194 = arith.constant 384 : index
    %get3A_195 = tpu.vector_load %arg6[%get3A_194] {strides = array<i32>} : memref<1024xf32, #tpu.memory_space<vmem>>, vector<16xf32>,
    %get3A_196 = vector.shape_cast %get3A_195 : vector<16xf32> to vector<16xf32>
    %exp3A_197 = math.exp %get3A_196 : vector<16xf32>
    %swap3A_198 = arith.constant 384 : index
    %swap3A_199 = tpu.vector_load %arg6[%swap3A_198] {strides = array<i32>} : memref<1024xf32, #tpu.memory_space<vmem>>, vector<16xf32>,
    %swap3A_200 = vector.shape_cast %swap3A_199 : vector<16xf32> to vector<16xf32>
    %swap3A_201 = vector.shape_cast %exp3A_197 : vector<16xf32> to vector<16xf32>
    tpu.vector_store %arg6[%swap3A_198], %swap3A_201 {strides = array<i32>} : memref<1024xf32, #tpu.memory_space<vmem>>, vector<16xf32>,
    %get3A_202 = arith.constant 400 : index
    %get3A_203 = tpu.vector_load %arg6[%get3A_202] {strides = array<i32>} : memref<1024xf32, #tpu.memory_space<vmem>>, vector<16xf32>,
    %get3A_204 = vector.shape_cast %get3A_203 : vector<16xf32> to vector<16xf32>
    %exp3A_205 = math.exp %get3A_204 : vector<16xf32>
    %swap3A_206 = arith.constant 400 : index
    %swap3A_207 = tpu.vector_load %arg6[%swap3A_206] {strides = array<i32>} : memref<1024xf32, #tpu.memory_space<vmem>>, vector<16xf32>,
    %swap3A_208 = vector.shape_cast %swap3A_207 : vector<16xf32> to vector<16xf32>
    %swap3A_209 = vector.shape_cast %exp3A_205 : vector<16xf32> to vector<16xf32>
    tpu.vector_store %arg6[%swap3A_206], %swap3A_209 {strides = array<i32>} : memref<1024xf32, #tpu.memory_space<vmem>>, vector<16xf32>,
    %get3A_210 = arith.constant 416 : index
    %get3A_211 = tpu.vector_load %arg6[%get3A_210] {strides = array<i32>} : memref<1024xf32, #tpu.memory_space<vmem>>, vector<16xf32>,
    %get3A_212 = vector.shape_cast %get3A_211 : vector<16xf32> to vector<16xf32>
    %exp3A_213 = math.exp %get3A_212 : vector<16xf32>
    %swap3A_214 = arith.constant 416 : index
    %swap3A_215 = tpu.vector_load %arg6[%swap3A_214] {strides = array<i32>} : memref<1024xf32, #tpu.memory_space<vmem>>, vector<16xf32>,
    %swap3A_216 = vector.shape_cast %swap3A_215 : vector<16xf32> to vector<16xf32>
    %swap3A_217 = vector.shape_cast %exp3A_213 : vector<16xf32> to vector<16xf32>
    tpu.vector_store %arg6[%swap3A_214], %swap3A_217 {strides = array<i32>} : memref<1024xf32, #tpu.memory_space<vmem>>, vector<16xf32>,
    %get3A_218 = arith.constant 432 : index
    %get3A_219 = tpu.vector_load %arg6[%get3A_218] {strides = array<i32>} : memref<1024xf32, #tpu.memory_space<vmem>>, vector<16xf32>,
    %get3A_220 = vector.shape_cast %get3A_219 : vector<16xf32> to vector<16xf32>
    %exp3A_221 = math.exp %get3A_220 : vector<16xf32>
    %swap3A_222 = arith.constant 432 : index
    %swap3A_223 = tpu.vector_load %arg6[%swap3A_222] {strides = array<i32>} : memref<1024xf32, #tpu.memory_space<vmem>>, vector<16xf32>,
    %swap3A_224 = vector.shape_cast %swap3A_223 : vector<16xf32> to vector<16xf32>
    %swap3A_225 = vector.shape_cast %exp3A_221 : vector<16xf32> to vector<16xf32>
    tpu.vector_store %arg6[%swap3A_222], %swap3A_225 {strides = array<i32>} : memref<1024xf32, #tpu.memory_space<vmem>>, vector<16xf32>,
    %get3A_226 = arith.constant 448 : index
    %get3A_227 = tpu.vector_load %arg6[%get3A_226] {strides = array<i32>} : memref<1024xf32, #tpu.memory_space<vmem>>, vector<16xf32>,
    %get3A_228 = vector.shape_cast %get3A_227 : vector<16xf32> to vector<16xf32>
    %exp3A_229 = math.exp %get3A_228 : vector<16xf32>
    %swap3A_230 = arith.constant 448 : index
    %swap3A_231 = tpu.vector_load %arg6[%swap3A_230] {strides = array<i32>} : memref<1024xf32, #tpu.memory_space<vmem>>, vector<16xf32>,
    %swap3A_232 = vector.shape_cast %swap3A_231 : vector<16xf32> to vector<16xf32>
    %swap3A_233 = vector.shape_cast %exp3A_229 : vector<16xf32> to vector<16xf32>
    tpu.vector_store %arg6[%swap3A_230], %swap3A_233 {strides = array<i32>} : memref<1024xf32, #tpu.memory_space<vmem>>, vector<16xf32>,
    %get3A_234 = arith.constant 464 : index
    %get3A_235 = tpu.vector_load %arg6[%get3A_234] {strides = array<i32>} : memref<1024xf32, #tpu.memory_space<vmem>>, vector<16xf32>,
    %get3A_236 = vector.shape_cast %get3A_235 : vector<16xf32> to vector<16xf32>
    %exp3A_237 = math.exp %get3A_236 : vector<16xf32>
    %swap3A_238 = arith.constant 464 : index
    %swap3A_239 = tpu.vector_load %arg6[%swap3A_238] {strides = array<i32>} : memref<1024xf32, #tpu.memory_space<vmem>>, vector<16xf32>,
    %swap3A_240 = vector.shape_cast %swap3A_239 : vector<16xf32> to vector<16xf32>
    %swap3A_241 = vector.shape_cast %exp3A_237 : vector<16xf32> to vector<16xf32>
    tpu.vector_store %arg6[%swap3A_238], %swap3A_241 {strides = array<i32>} : memref<1024xf32, #tpu.memory_space<vmem>>, vector<16xf32>,
    %get3A_242 = arith.constant 480 : index
    %get3A_243 = tpu.vector_load %arg6[%get3A_242] {strides = array<i32>} : memref<1024xf32, #tpu.memory_space<vmem>>, vector<16xf32>,
    %get3A_244 = vector.shape_cast %get3A_243 : vector<16xf32> to vector<16xf32>
    %exp3A_245 = math.exp %get3A_244 : vector<16xf32>
    %swap3A_246 = arith.constant 480 : index
    %swap3A_247 = tpu.vector_load %arg6[%swap3A_246] {strides = array<i32>} : memref<1024xf32, #tpu.memory_space<vmem>>, vector<16xf32>,
    %swap3A_248 = vector.shape_cast %swap3A_247 : vector<16xf32> to vector<16xf32>
    %swap3A_249 = vector.shape_cast %exp3A_245 : vector<16xf32> to vector<16xf32>
    tpu.vector_store %arg6[%swap3A_246], %swap3A_249 {strides = array<i32>} : memref<1024xf32, #tpu.memory_space<vmem>>, vector<16xf32>,
    %get3A_250 = arith.constant 496 : index
    %get3A_251 = tpu.vector_load %arg6[%get3A_250] {strides = array<i32>} : memref<1024xf32, #tpu.memory_space<vmem>>, vector<16xf32>,
    %get3A_252 = vector.shape_cast %get3A_251 : vector<16xf32> to vector<16xf32>
    %exp3A_253 = math.exp %get3A_252 : vector<16xf32>
    %swap3A_254 = arith.constant 496 : index
    %swap3A_255 = tpu.vector_load %arg6[%swap3A_254] {strides = array<i32>} : memref<1024xf32, #tpu.memory_space<vmem>>, vector<16xf32>,
    %swap3A_256 = vector.shape_cast %swap3A_255 : vector<16xf32> to vector<16xf32>
    %swap3A_257 = vector.shape_cast %exp3A_253 : vector<16xf32> to vector<16xf32>
    tpu.vector_store %arg6[%swap3A_254], %swap3A_257 {strides = array<i32>} : memref<1024xf32, #tpu.memory_space<vmem>>, vector<16xf32>,
    %get3A_258 = arith.constant 512 : index
    %get3A_259 = tpu.vector_load %arg6[%get3A_258] {strides = array<i32>} : memref<1024xf32, #tpu.memory_space<vmem>>, vector<16xf32>,
    %get3A_260 = vector.shape_cast %get3A_259 : vector<16xf32> to vector<16xf32>
    %exp3A_261 = math.exp %get3A_260 : vector<16xf32>
    %swap3A_262 = arith.constant 512 : index
    %swap3A_263 = tpu.vector_load %arg6[%swap3A_262] {strides = array<i32>} : memref<1024xf32, #tpu.memory_space<vmem>>, vector<16xf32>,
    %swap3A_264 = vector.shape_cast %swap3A_263 : vector<16xf32> to vector<16xf32>
    %swap3A_265 = vector.shape_cast %exp3A_261 : vector<16xf32> to vector<16xf32>
    tpu.vector_store %arg6[%swap3A_262], %swap3A_265 {strides = array<i32>} : memref<1024xf32, #tpu.memory_space<vmem>>, vector<16xf32>,
    %get3A_266 = arith.constant 528 : index
    %get3A_267 = tpu.vector_load %arg6[%get3A_266] {strides = array<i32>} : memref<1024xf32, #tpu.memory_space<vmem>>, vector<16xf32>,
    %get3A_268 = vector.shape_cast %get3A_267 : vector<16xf32> to vector<16xf32>
    %exp3A_269 = math.exp %get3A_268 : vector<16xf32>
    %swap3A_270 = arith.constant 528 : index
    %swap3A_271 = tpu.vector_load %arg6[%swap3A_270] {strides = array<i32>} : memref<1024xf32, #tpu.memory_space<vmem>>, vector<16xf32>,
    %swap3A_272 = vector.shape_cast %swap3A_271 : vector<16xf32> to vector<16xf32>
    %swap3A_273 = vector.shape_cast %exp3A_269 : vector<16xf32> to vector<16xf32>
    tpu.vector_store %arg6[%swap3A_270], %swap3A_273 {strides = array<i32>} : memref<1024xf32, #tpu.memory_space<vmem>>, vector<16xf32>,
    %get3A_274 = arith.constant 544 : index
    %get3A_275 = tpu.vector_load %arg6[%get3A_274] {strides = array<i32>} : memref<1024xf32, #tpu.memory_space<vmem>>, vector<16xf32>,
    %get3A_276 = vector.shape_cast %get3A_275 : vector<16xf32> to vector<16xf32>
    %exp3A_277 = math.exp %get3A_276 : vector<16xf32>
    %swap3A_278 = arith.constant 544 : index
    %swap3A_279 = tpu.vector_load %arg6[%swap3A_278] {strides = array<i32>} : memref<1024xf32, #tpu.memory_space<vmem>>, vector<16xf32>,
    %swap3A_280 = vector.shape_cast %swap3A_279 : vector<16xf32> to vector<16xf32>
    %swap3A_281 = vector.shape_cast %exp3A_277 : vector<16xf32> to vector<16xf32>
    tpu.vector_store %arg6[%swap3A_278], %swap3A_281 {strides = array<i32>} : memref<1024xf32, #tpu.memory_space<vmem>>, vector<16xf32>,
    %get3A_282 = arith.constant 560 : index
    %get3A_283 = tpu.vector_load %arg6[%get3A_282] {strides = array<i32>} : memref<1024xf32, #tpu.memory_space<vmem>>, vector<16xf32>,
    %get3A_284 = vector.shape_cast %get3A_283 : vector<16xf32> to vector<16xf32>
    %exp3A_285 = math.exp %get3A_284 : vector<16xf32>
    %swap3A_286 = arith.constant 560 : index
    %swap3A_287 = tpu.vector_load %arg6[%swap3A_286] {strides = array<i32>} : memref<1024xf32, #tpu.memory_space<vmem>>, vector<16xf32>,
    %swap3A_288 = vector.shape_cast %swap3A_287 : vector<16xf32> to vector<16xf32>
    %swap3A_289 = vector.shape_cast %exp3A_285 : vector<16xf32> to vector<16xf32>
    tpu.vector_store %arg6[%swap3A_286], %swap3A_289 {strides = array<i32>} : memref<1024xf32, #tpu.memory_space<vmem>>, vector<16xf32>,
    %get3A_290 = arith.constant 576 : index
    %get3A_291 = tpu.vector_load %arg6[%get3A_290] {strides = array<i32>} : memref<1024xf32, #tpu.memory_space<vmem>>, vector<16xf32>,
    %get3A_292 = vector.shape_cast %get3A_291 : vector<16xf32> to vector<16xf32>
    %exp3A_293 = math.exp %get3A_292 : vector<16xf32>
    %swap3A_294 = arith.constant 576 : index
    %swap3A_295 = tpu.vector_load %arg6[%swap3A_294] {strides = array<i32>} : memref<1024xf32, #tpu.memory_space<vmem>>, vector<16xf32>,
    %swap3A_296 = vector.shape_cast %swap3A_295 : vector<16xf32> to vector<16xf32>
    %swap3A_297 = vector.shape_cast %exp3A_293 : vector<16xf32> to vector<16xf32>
    tpu.vector_store %arg6[%swap3A_294], %swap3A_297 {strides = array<i32>} : memref<1024xf32, #tpu.memory_space<vmem>>, vector<16xf32>,
    %get3A_298 = arith.constant 592 : index
    %get3A_299 = tpu.vector_load %arg6[%get3A_298] {strides = array<i32>} : memref<1024xf32, #tpu.memory_space<vmem>>, vector<16xf32>,
    %get3A_300 = vector.shape_cast %get3A_299 : vector<16xf32> to vector<16xf32>
    %exp3A_301 = math.exp %get3A_300 : vector<16xf32>
    %swap3A_302 = arith.constant 592 : index
    %swap3A_303 = tpu.vector_load %arg6[%swap3A_302] {strides = array<i32>} : memref<1024xf32, #tpu.memory_space<vmem>>, vector<16xf32>,
    %swap3A_304 = vector.shape_cast %swap3A_303 : vector<16xf32> to vector<16xf32>
    %swap3A_305 = vector.shape_cast %exp3A_301 : vector<16xf32> to vector<16xf32>
    tpu.vector_store %arg6[%swap3A_302], %swap3A_305 {strides = array<i32>} : memref<1024xf32, #tpu.memory_space<vmem>>, vector<16xf32>,
    %get3A_306 = arith.constant 608 : index
    %get3A_307 = tpu.vector_load %arg6[%get3A_306] {strides = array<i32>} : memref<1024xf32, #tpu.memory_space<vmem>>, vector<16xf32>,
    %get3A_308 = vector.shape_cast %get3A_307 : vector<16xf32> to vector<16xf32>
    %exp3A_309 = math.exp %get3A_308 : vector<16xf32>
    %swap3A_310 = arith.constant 608 : index
    %swap3A_311 = tpu.vector_load %arg6[%swap3A_310] {strides = array<i32>} : memref<1024xf32, #tpu.memory_space<vmem>>, vector<16xf32>,
    %swap3A_312 = vector.shape_cast %swap3A_311 : vector<16xf32> to vector<16xf32>
    %swap3A_313 = vector.shape_cast %exp3A_309 : vector<16xf32> to vector<16xf32>
    tpu.vector_store %arg6[%swap3A_310], %swap3A_313 {strides = array<i32>} : memref<1024xf32, #tpu.memory_space<vmem>>, vector<16xf32>,
    %get3A_314 = arith.constant 624 : index
    %get3A_315 = tpu.vector_load %arg6[%get3A_314] {strides = array<i32>} : memref<1024xf32, #tpu.memory_space<vmem>>, vector<16xf32>,
    %get3A_316 = vector.shape_cast %get3A_315 : vector<16xf32> to vector<16xf32>
    %exp3A_317 = math.exp %get3A_316 : vector<16xf32>
    %swap3A_318 = arith.constant 624 : index
    %swap3A_319 = tpu.vector_load %arg6[%swap3A_318] {strides = array<i32>} : memref<1024xf32, #tpu.memory_space<vmem>>, vector<16xf32>,
    %swap3A_320 = vector.shape_cast %swap3A_319 : vector<16xf32> to vector<16xf32>
    %swap3A_321 = vector.shape_cast %exp3A_317 : vector<16xf32> to vector<16xf32>
    tpu.vector_store %arg6[%swap3A_318], %swap3A_321 {strides = array<i32>} : memref<1024xf32, #tpu.memory_space<vmem>>, vector<16xf32>,
    %get3A_322 = arith.constant 640 : index
    %get3A_323 = tpu.vector_load %arg6[%get3A_322] {strides = array<i32>} : memref<1024xf32, #tpu.memory_space<vmem>>, vector<16xf32>,
    %get3A_324 = vector.shape_cast %get3A_323 : vector<16xf32> to vector<16xf32>
    %exp3A_325 = math.exp %get3A_324 : vector<16xf32>
    %swap3A_326 = arith.constant 640 : index
    %swap3A_327 = tpu.vector_load %arg6[%swap3A_326] {strides = array<i32>} : memref<1024xf32, #tpu.memory_space<vmem>>, vector<16xf32>,
    %swap3A_328 = vector.shape_cast %swap3A_327 : vector<16xf32> to vector<16xf32>
    %swap3A_329 = vector.shape_cast %exp3A_325 : vector<16xf32> to vector<16xf32>
    tpu.vector_store %arg6[%swap3A_326], %swap3A_329 {strides = array<i32>} : memref<1024xf32, #tpu.memory_space<vmem>>, vector<16xf32>,
    %get3A_330 = arith.constant 656 : index
    %get3A_331 = tpu.vector_load %arg6[%get3A_330] {strides = array<i32>} : memref<1024xf32, #tpu.memory_space<vmem>>, vector<16xf32>,
    %get3A_332 = vector.shape_cast %get3A_331 : vector<16xf32> to vector<16xf32>
    %exp3A_333 = math.exp %get3A_332 : vector<16xf32>
    %swap3A_334 = arith.constant 656 : index
    %swap3A_335 = tpu.vector_load %arg6[%swap3A_334] {strides = array<i32>} : memref<1024xf32, #tpu.memory_space<vmem>>, vector<16xf32>,
    %swap3A_336 = vector.shape_cast %swap3A_335 : vector<16xf32> to vector<16xf32>
    %swap3A_337 = vector.shape_cast %exp3A_333 : vector<16xf32> to vector<16xf32>
    tpu.vector_store %arg6[%swap3A_334], %swap3A_337 {strides = array<i32>} : memref<1024xf32, #tpu.memory_space<vmem>>, vector<16xf32>,
    %get3A_338 = arith.constant 672 : index
    %get3A_339 = tpu.vector_load %arg6[%get3A_338] {strides = array<i32>} : memref<1024xf32, #tpu.memory_space<vmem>>, vector<16xf32>,
    %get3A_340 = vector.shape_cast %get3A_339 : vector<16xf32> to vector<16xf32>
    %exp3A_341 = math.exp %get3A_340 : vector<16xf32>
    %swap3A_342 = arith.constant 672 : index
    %swap3A_343 = tpu.vector_load %arg6[%swap3A_342] {strides = array<i32>} : memref<1024xf32, #tpu.memory_space<vmem>>, vector<16xf32>,
    %swap3A_344 = vector.shape_cast %swap3A_343 : vector<16xf32> to vector<16xf32>
    %swap3A_345 = vector.shape_cast %exp3A_341 : vector<16xf32> to vector<16xf32>
    tpu.vector_store %arg6[%swap3A_342], %swap3A_345 {strides = array<i32>} : memref<1024xf32, #tpu.memory_space<vmem>>, vector<16xf32>,
    %get3A_346 = arith.constant 688 : index
    %get3A_347 = tpu.vector_load %arg6[%get3A_346] {strides = array<i32>} : memref<1024xf32, #tpu.memory_space<vmem>>, vector<16xf32>,
    %get3A_348 = vector.shape_cast %get3A_347 : vector<16xf32> to vector<16xf32>
    %exp3A_349 = math.exp %get3A_348 : vector<16xf32>
    %swap3A_350 = arith.constant 688 : index
    %swap3A_351 = tpu.vector_load %arg6[%swap3A_350] {strides = array<i32>} : memref<1024xf32, #tpu.memory_space<vmem>>, vector<16xf32>,
    %swap3A_352 = vector.shape_cast %swap3A_351 : vector<16xf32> to vector<16xf32>
    %swap3A_353 = vector.shape_cast %exp3A_349 : vector<16xf32> to vector<16xf32>
    tpu.vector_store %arg6[%swap3A_350], %swap3A_353 {strides = array<i32>} : memref<1024xf32, #tpu.memory_space<vmem>>, vector<16xf32>,
    %get3A_354 = arith.constant 704 : index
    %get3A_355 = tpu.vector_load %arg6[%get3A_354] {strides = array<i32>} : memref<1024xf32, #tpu.memory_space<vmem>>, vector<16xf32>,
    %get3A_356 = vector.shape_cast %get3A_355 : vector<16xf32> to vector<16xf32>
    %exp3A_357 = math.exp %get3A_356 : vector<16xf32>
    %swap3A_358 = arith.constant 704 : index
    %swap3A_359 = tpu.vector_load %arg6[%swap3A_358] {strides = array<i32>} : memref<1024xf32, #tpu.memory_space<vmem>>, vector<16xf32>,
    %swap3A_360 = vector.shape_cast %swap3A_359 : vector<16xf32> to vector<16xf32>
    %swap3A_361 = vector.shape_cast %exp3A_357 : vector<16xf32> to vector<16xf32>
    tpu.vector_store %arg6[%swap3A_358], %swap3A_361 {strides = array<i32>} : memref<1024xf32, #tpu.memory_space<vmem>>, vector<16xf32>,
    %get3A_362 = arith.constant 720 : index
    %get3A_363 = tpu.vector_load %arg6[%get3A_362] {strides = array<i32>} : memref<1024xf32, #tpu.memory_space<vmem>>, vector<16xf32>,
    %get3A_364 = vector.shape_cast %get3A_363 : vector<16xf32> to vector<16xf32>
    %exp3A_365 = math.exp %get3A_364 : vector<16xf32>
    %swap3A_366 = arith.constant 720 : index
    %swap3A_367 = tpu.vector_load %arg6[%swap3A_366] {strides = array<i32>} : memref<1024xf32, #tpu.memory_space<vmem>>, vector<16xf32>,
    %swap3A_368 = vector.shape_cast %swap3A_367 : vector<16xf32> to vector<16xf32>
    %swap3A_369 = vector.shape_cast %exp3A_365 : vector<16xf32> to vector<16xf32>
    tpu.vector_store %arg6[%swap3A_366], %swap3A_369 {strides = array<i32>} : memref<1024xf32, #tpu.memory_space<vmem>>, vector<16xf32>,
    %get3A_370 = arith.constant 736 : index
    %get3A_371 = tpu.vector_load %arg6[%get3A_370] {strides = array<i32>} : memref<1024xf32, #tpu.memory_space<vmem>>, vector<16xf32>,
    %get3A_372 = vector.shape_cast %get3A_371 : vector<16xf32> to vector<16xf32>
    %exp3A_373 = math.exp %get3A_372 : vector<16xf32>
    %swap3A_374 = arith.constant 736 : index
    %swap3A_375 = tpu.vector_load %arg6[%swap3A_374] {strides = array<i32>} : memref<1024xf32, #tpu.memory_space<vmem>>, vector<16xf32>,
    %swap3A_376 = vector.shape_cast %swap3A_375 : vector<16xf32> to vector<16xf32>
    %swap3A_377 = vector.shape_cast %exp3A_373 : vector<16xf32> to vector<16xf32>
    tpu.vector_store %arg6[%swap3A_374], %swap3A_377 {strides = array<i32>} : memref<1024xf32, #tpu.memory_space<vmem>>, vector<16xf32>,
    %get3A_378 = arith.constant 752 : index
    %get3A_379 = tpu.vector_load %arg6[%get3A_378] {strides = array<i32>} : memref<1024xf32, #tpu.memory_space<vmem>>, vector<16xf32>,
    %get3A_380 = vector.shape_cast %get3A_379 : vector<16xf32> to vector<16xf32>
    %exp3A_381 = math.exp %get3A_380 : vector<16xf32>
    %swap3A_382 = arith.constant 752 : index
    %swap3A_383 = tpu.vector_load %arg6[%swap3A_382] {strides = array<i32>} : memref<1024xf32, #tpu.memory_space<vmem>>, vector<16xf32>,
    %swap3A_384 = vector.shape_cast %swap3A_383 : vector<16xf32> to vector<16xf32>
    %swap3A_385 = vector.shape_cast %exp3A_381 : vector<16xf32> to vector<16xf32>
    tpu.vector_store %arg6[%swap3A_382], %swap3A_385 {strides = array<i32>} : memref<1024xf32, #tpu.memory_space<vmem>>, vector<16xf32>,
    %get3A_386 = arith.constant 768 : index
    %get3A_387 = tpu.vector_load %arg6[%get3A_386] {strides = array<i32>} : memref<1024xf32, #tpu.memory_space<vmem>>, vector<16xf32>,
    %get3A_388 = vector.shape_cast %get3A_387 : vector<16xf32> to vector<16xf32>
    %exp3A_389 = math.exp %get3A_388 : vector<16xf32>
    %swap3A_390 = arith.constant 768 : index
    %swap3A_391 = tpu.vector_load %arg6[%swap3A_390] {strides = array<i32>} : memref<1024xf32, #tpu.memory_space<vmem>>, vector<16xf32>,
    %swap3A_392 = vector.shape_cast %swap3A_391 : vector<16xf32> to vector<16xf32>
    %swap3A_393 = vector.shape_cast %exp3A_389 : vector<16xf32> to vector<16xf32>
    tpu.vector_store %arg6[%swap3A_390], %swap3A_393 {strides = array<i32>} : memref<1024xf32, #tpu.memory_space<vmem>>, vector<16xf32>,
    %get3A_394 = arith.constant 784 : index
    %get3A_395 = tpu.vector_load %arg6[%get3A_394] {strides = array<i32>} : memref<1024xf32, #tpu.memory_space<vmem>>, vector<16xf32>,
    %get3A_396 = vector.shape_cast %get3A_395 : vector<16xf32> to vector<16xf32>
    %exp3A_397 = math.exp %get3A_396 : vector<16xf32>
    %swap3A_398 = arith.constant 784 : index
    %swap3A_399 = tpu.vector_load %arg6[%swap3A_398] {strides = array<i32>} : memref<1024xf32, #tpu.memory_space<vmem>>, vector<16xf32>,
    %swap3A_400 = vector.shape_cast %swap3A_399 : vector<16xf32> to vector<16xf32>
    %swap3A_401 = vector.shape_cast %exp3A_397 : vector<16xf32> to vector<16xf32>
    tpu.vector_store %arg6[%swap3A_398], %swap3A_401 {strides = array<i32>} : memref<1024xf32, #tpu.memory_space<vmem>>, vector<16xf32>,
    %get3A_402 = arith.constant 800 : index
    %get3A_403 = tpu.vector_load %arg6[%get3A_402] {strides = array<i32>} : memref<1024xf32, #tpu.memory_space<vmem>>, vector<16xf32>,
    %get3A_404 = vector.shape_cast %get3A_403 : vector<16xf32> to vector<16xf32>
    %exp3A_405 = math.exp %get3A_404 : vector<16xf32>
    %swap3A_406 = arith.constant 800 : index
    %swap3A_407 = tpu.vector_load %arg6[%swap3A_406] {strides = array<i32>} : memref<1024xf32, #tpu.memory_space<vmem>>, vector<16xf32>,
    %swap3A_408 = vector.shape_cast %swap3A_407 : vector<16xf32> to vector<16xf32>
    %swap3A_409 = vector.shape_cast %exp3A_405 : vector<16xf32> to vector<16xf32>
    tpu.vector_store %arg6[%swap3A_406], %swap3A_409 {strides = array<i32>} : memref<1024xf32, #tpu.memory_space<vmem>>, vector<16xf32>,
    %get3A_410 = arith.constant 816 : index
    %get3A_411 = tpu.vector_load %arg6[%get3A_410] {strides = array<i32>} : memref<1024xf32, #tpu.memory_space<vmem>>, vector<16xf32>,
    %get3A_412 = vector.shape_cast %get3A_411 : vector<16xf32> to vector<16xf32>
    %exp3A_413 = math.exp %get3A_412 : vector<16xf32>
    %swap3A_414 = arith.constant 816 : index
    %swap3A_415 = tpu.vector_load %arg6[%swap3A_414] {strides = array<i32>} : memref<1024xf32, #tpu.memory_space<vmem>>, vector<16xf32>,
    %swap3A_416 = vector.shape_cast %swap3A_415 : vector<16xf32> to vector<16xf32>
    %swap3A_417 = vector.shape_cast %exp3A_413 : vector<16xf32> to vector<16xf32>
    tpu.vector_store %arg6[%swap3A_414], %swap3A_417 {strides = array<i32>} : memref<1024xf32, #tpu.memory_space<vmem>>, vector<16xf32>,
    %get3A_418 = arith.constant 832 : index
    %get3A_419 = tpu.vector_load %arg6[%get3A_418] {strides = array<i32>} : memref<1024xf32, #tpu.memory_space<vmem>>, vector<16xf32>,
    %get3A_420 = vector.shape_cast %get3A_419 : vector<16xf32> to vector<16xf32>
    %exp3A_421 = math.exp %get3A_420 : vector<16xf32>
    %swap3A_422 = arith.constant 832 : index
    %swap3A_423 = tpu.vector_load %arg6[%swap3A_422] {strides = array<i32>} : memref<1024xf32, #tpu.memory_space<vmem>>, vector<16xf32>,
    %swap3A_424 = vector.shape_cast %swap3A_423 : vector<16xf32> to vector<16xf32>
    %swap3A_425 = vector.shape_cast %exp3A_421 : vector<16xf32> to vector<16xf32>
    tpu.vector_store %arg6[%swap3A_422], %swap3A_425 {strides = array<i32>} : memref<1024xf32, #tpu.memory_space<vmem>>, vector<16xf32>,
    %get3A_426 = arith.constant 848 : index
    %get3A_427 = tpu.vector_load %arg6[%get3A_426] {strides = array<i32>} : memref<1024xf32, #tpu.memory_space<vmem>>, vector<16xf32>,
    %get3A_428 = vector.shape_cast %get3A_427 : vector<16xf32> to vector<16xf32>
    %exp3A_429 = math.exp %get3A_428 : vector<16xf32>
    %swap3A_430 = arith.constant 848 : index
    %swap3A_431 = tpu.vector_load %arg6[%swap3A_430] {strides = array<i32>} : memref<1024xf32, #tpu.memory_space<vmem>>, vector<16xf32>,
    %swap3A_432 = vector.shape_cast %swap3A_431 : vector<16xf32> to vector<16xf32>
    %swap3A_433 = vector.shape_cast %exp3A_429 : vector<16xf32> to vector<16xf32>
    tpu.vector_store %arg6[%swap3A_430], %swap3A_433 {strides = array<i32>} : memref<1024xf32, #tpu.memory_space<vmem>>, vector<16xf32>,
    %get3A_434 = arith.constant 864 : index
    %get3A_435 = tpu.vector_load %arg6[%get3A_434] {strides = array<i32>} : memref<1024xf32, #tpu.memory_space<vmem>>, vector<16xf32>,
    %get3A_436 = vector.shape_cast %get3A_435 : vector<16xf32> to vector<16xf32>
    %exp3A_437 = math.exp %get3A_436 : vector<16xf32>
    %swap3A_438 = arith.constant 864 : index
    %swap3A_439 = tpu.vector_load %arg6[%swap3A_438] {strides = array<i32>} : memref<1024xf32, #tpu.memory_space<vmem>>, vector<16xf32>,
    %swap3A_440 = vector.shape_cast %swap3A_439 : vector<16xf32> to vector<16xf32>
    %swap3A_441 = vector.shape_cast %exp3A_437 : vector<16xf32> to vector<16xf32>
    tpu.vector_store %arg6[%swap3A_438], %swap3A_441 {strides = array<i32>} : memref<1024xf32, #tpu.memory_space<vmem>>, vector<16xf32>,
    %get3A_442 = arith.constant 880 : index
    %get3A_443 = tpu.vector_load %arg6[%get3A_442] {strides = array<i32>} : memref<1024xf32, #tpu.memory_space<vmem>>, vector<16xf32>,
    %get3A_444 = vector.shape_cast %get3A_443 : vector<16xf32> to vector<16xf32>
    %exp3A_445 = math.exp %get3A_444 : vector<16xf32>
    %swap3A_446 = arith.constant 880 : index
    %swap3A_447 = tpu.vector_load %arg6[%swap3A_446] {strides = array<i32>} : memref<1024xf32, #tpu.memory_space<vmem>>, vector<16xf32>,
    %swap3A_448 = vector.shape_cast %swap3A_447 : vector<16xf32> to vector<16xf32>
    %swap3A_449 = vector.shape_cast %exp3A_445 : vector<16xf32> to vector<16xf32>
    tpu.vector_store %arg6[%swap3A_446], %swap3A_449 {strides = array<i32>} : memref<1024xf32, #tpu.memory_space<vmem>>, vector<16xf32>,
    %get3A_450 = arith.constant 896 : index
    %get3A_451 = tpu.vector_load %arg6[%get3A_450] {strides = array<i32>} : memref<1024xf32, #tpu.memory_space<vmem>>, vector<16xf32>,
    %get3A_452 = vector.shape_cast %get3A_451 : vector<16xf32> to vector<16xf32>
    %exp3A_453 = math.exp %get3A_452 : vector<16xf32>
    %swap3A_454 = arith.constant 896 : index
    %swap3A_455 = tpu.vector_load %arg6[%swap3A_454] {strides = array<i32>} : memref<1024xf32, #tpu.memory_space<vmem>>, vector<16xf32>,
    %swap3A_456 = vector.shape_cast %swap3A_455 : vector<16xf32> to vector<16xf32>
    %swap3A_457 = vector.shape_cast %exp3A_453 : vector<16xf32> to vector<16xf32>
    tpu.vector_store %arg6[%swap3A_454], %swap3A_457 {strides = array<i32>} : memref<1024xf32, #tpu.memory_space<vmem>>, vector<16xf32>,
    %get3A_458 = arith.constant 912 : index
    %get3A_459 = tpu.vector_load %arg6[%get3A_458] {strides = array<i32>} : memref<1024xf32, #tpu.memory_space<vmem>>, vector<16xf32>,
    %get3A_460 = vector.shape_cast %get3A_459 : vector<16xf32> to vector<16xf32>
    %exp3A_461 = math.exp %get3A_460 : vector<16xf32>
    %swap3A_462 = arith.constant 912 : index
    %swap3A_463 = tpu.vector_load %arg6[%swap3A_462] {strides = array<i32>} : memref<1024xf32, #tpu.memory_space<vmem>>, vector<16xf32>,
    %swap3A_464 = vector.shape_cast %swap3A_463 : vector<16xf32> to vector<16xf32>
    %swap3A_465 = vector.shape_cast %exp3A_461 : vector<16xf32> to vector<16xf32>
    tpu.vector_store %arg6[%swap3A_462], %swap3A_465 {strides = array<i32>} : memref<1024xf32, #tpu.memory_space<vmem>>, vector<16xf32>,
    %get3A_466 = arith.constant 928 : index
    %get3A_467 = tpu.vector_load %arg6[%get3A_466] {strides = array<i32>} : memref<1024xf32, #tpu.memory_space<vmem>>, vector<16xf32>,
    %get3A_468 = vector.shape_cast %get3A_467 : vector<16xf32> to vector<16xf32>
    %exp3A_469 = math.exp %get3A_468 : vector<16xf32>
    %swap3A_470 = arith.constant 928 : index
    %swap3A_471 = tpu.vector_load %arg6[%swap3A_470] {strides = array<i32>} : memref<1024xf32, #tpu.memory_space<vmem>>, vector<16xf32>,
    %swap3A_472 = vector.shape_cast %swap3A_471 : vector<16xf32> to vector<16xf32>
    %swap3A_473 = vector.shape_cast %exp3A_469 : vector<16xf32> to vector<16xf32>
    tpu.vector_store %arg6[%swap3A_470], %swap3A_473 {strides = array<i32>} : memref<1024xf32, #tpu.memory_space<vmem>>, vector<16xf32>,
    %get3A_474 = arith.constant 944 : index
    %get3A_475 = tpu.vector_load %arg6[%get3A_474] {strides = array<i32>} : memref<1024xf32, #tpu.memory_space<vmem>>, vector<16xf32>,
    %get3A_476 = vector.shape_cast %get3A_475 : vector<16xf32> to vector<16xf32>
    %exp3A_477 = math.exp %get3A_476 : vector<16xf32>
    %swap3A_478 = arith.constant 944 : index
    %swap3A_479 = tpu.vector_load %arg6[%swap3A_478] {strides = array<i32>} : memref<1024xf32, #tpu.memory_space<vmem>>, vector<16xf32>,
    %swap3A_480 = vector.shape_cast %swap3A_479 : vector<16xf32> to vector<16xf32>
    %swap3A_481 = vector.shape_cast %exp3A_477 : vector<16xf32> to vector<16xf32>
    tpu.vector_store %arg6[%swap3A_478], %swap3A_481 {strides = array<i32>} : memref<1024xf32, #tpu.memory_space<vmem>>, vector<16xf32>,
    %get3A_482 = arith.constant 960 : index
    %get3A_483 = tpu.vector_load %arg6[%get3A_482] {strides = array<i32>} : memref<1024xf32, #tpu.memory_space<vmem>>, vector<16xf32>,
    %get3A_484 = vector.shape_cast %get3A_483 : vector<16xf32> to vector<16xf32>
    %exp3A_485 = math.exp %get3A_484 : vector<16xf32>
    %swap3A_486 = arith.constant 960 : index
    %swap3A_487 = tpu.vector_load %arg6[%swap3A_486] {strides = array<i32>} : memref<1024xf32, #tpu.memory_space<vmem>>, vector<16xf32>,
    %swap3A_488 = vector.shape_cast %swap3A_487 : vector<16xf32> to vector<16xf32>
    %swap3A_489 = vector.shape_cast %exp3A_485 : vector<16xf32> to vector<16xf32>
    tpu.vector_store %arg6[%swap3A_486], %swap3A_489 {strides = array<i32>} : memref<1024xf32, #tpu.memory_space<vmem>>, vector<16xf32>,
    %get3A_490 = arith.constant 976 : index
    %get3A_491 = tpu.vector_load %arg6[%get3A_490] {strides = array<i32>} : memref<1024xf32, #tpu.memory_space<vmem>>, vector<16xf32>,
    %get3A_492 = vector.shape_cast %get3A_491 : vector<16xf32> to vector<16xf32>
    %exp3A_493 = math.exp %get3A_492 : vector<16xf32>
    %swap3A_494 = arith.constant 976 : index
    %swap3A_495 = tpu.vector_load %arg6[%swap3A_494] {strides = array<i32>} : memref<1024xf32, #tpu.memory_space<vmem>>, vector<16xf32>,
    %swap3A_496 = vector.shape_cast %swap3A_495 : vector<16xf32> to vector<16xf32>
    %swap3A_497 = vector.shape_cast %exp3A_493 : vector<16xf32> to vector<16xf32>
    tpu.vector_store %arg6[%swap3A_494], %swap3A_497 {strides = array<i32>} : memref<1024xf32, #tpu.memory_space<vmem>>, vector<16xf32>,
    %get3A_498 = arith.constant 992 : index
    %get3A_499 = tpu.vector_load %arg6[%get3A_498] {strides = array<i32>} : memref<1024xf32, #tpu.memory_space<vmem>>, vector<16xf32>,
    %get3A_500 = vector.shape_cast %get3A_499 : vector<16xf32> to vector<16xf32>
    %exp3A_501 = math.exp %get3A_500 : vector<16xf32>
    %swap3A_502 = arith.constant 992 : index
    %swap3A_503 = tpu.vector_load %arg6[%swap3A_502] {strides = array<i32>} : memref<1024xf32, #tpu.memory_space<vmem>>, vector<16xf32>,
    %swap3A_504 = vector.shape_cast %swap3A_503 : vector<16xf32> to vector<16xf32>
    %swap3A_505 = vector.shape_cast %exp3A_501 : vector<16xf32> to vector<16xf32>
    tpu.vector_store %arg6[%swap3A_502], %swap3A_505 {strides = array<i32>} : memref<1024xf32, #tpu.memory_space<vmem>>, vector<16xf32>,
    %get3A_506 = arith.constant 1008 : index
    %get3A_507 = tpu.vector_load %arg6[%get3A_506] {strides = array<i32>} : memref<1024xf32, #tpu.memory_space<vmem>>, vector<16xf32>,
    %get3A_508 = vector.shape_cast %get3A_507 : vector<16xf32> to vector<16xf32>
    %exp3A_509 = math.exp %get3A_508 : vector<16xf32>
    %swap3A_510 = arith.constant 1008 : index
    %swap3A_511 = tpu.vector_load %arg6[%swap3A_510] {strides = array<i32>} : memref<1024xf32, #tpu.memory_space<vmem>>, vector<16xf32>,
    %swap3A_512 = vector.shape_cast %swap3A_511 : vector<16xf32> to vector<16xf32>
    %swap3A_513 = vector.shape_cast %exp3A_509 : vector<16xf32> to vector<16xf32>
    tpu.vector_store %arg6[%swap3A_510], %swap3A_513 {strides = array<i32>} : memref<1024xf32, #tpu.memory_space<vmem>>, vector<16xf32>,
    %add3A_514 = arith.constant 0 : i32
    %add3A_515 = arith.addi %add3A_4, %add3A_514 : i32
    %dma_start3A = arith.constant 0 : i32
    %dma_start3A_516 = arith.constant 0 : i32
    %dma_start3A_517 = tpu.memref_slice %arg5[%dma_start3A, %dma_start3A_516] : memref<32x1000xf32, #tpu.memory_space<vmem>> -> memref<16x1000xf32, #tpu.memory_space<vmem>>
    %dma_start3A_518 = arith.constant 0 : i32
    %dma_start3A_519 = tpu.memref_slice %arg2[%add3A_515, %dma_start3A_518] : memref<16384x1000xf32, #tpu.memory_space<hbm>> -> memref<16x1000xf32, #tpu.memory_space<hbm>>
    %dma_start3A_520 = arith.constant 0 : i32
    %dma_start3A_521 = arith.constant 0 : i32
    %dma_start3A_522 = tpu.memref_slice %arg5[%dma_start3A_520, %dma_start3A_521] : memref<32x1000xf32, #tpu.memory_space<vmem>> -> memref<16x1000xf32, #tpu.memory_space<vmem>>
    %dma_start3A_523 = arith.constant 0 : i32
    %dma_start3A_524 = tpu.memref_slice %arg2[%add3A_515, %dma_start3A_523] : memref<16384x1000xf32, #tpu.memory_space<hbm>> -> memref<16x1000xf32, #tpu.memory_space<hbm>>
    tpu.enqueue_dma source(%dma_start3A_524 : memref<16x1000xf32, #tpu.memory_space<hbm>>) target(%dma_start3A_522 : memref<16x1000xf32, #tpu.memory_space<vmem>>) target_semaphore(%arg8 : memref<!tpu.dma_semaphore, #tpu.memory_space<semaphore_mem>>)
    %add3A_525 = arith.constant 16 : i32
    %add3A_526 = arith.addi %add3A_4, %add3A_525 : i32
    %dma_start3A_527 = arith.constant 16 : i32
    %dma_start3A_528 = arith.constant 0 : i32
    %dma_start3A_529 = tpu.memref_slice %arg5[%dma_start3A_527, %dma_start3A_528] : memref<32x1000xf32, #tpu.memory_space<vmem>> -> memref<16x1000xf32, #tpu.memory_space<vmem>>
    %dma_start3A_530 = arith.constant 0 : i32
    %dma_start3A_531 = tpu.memref_slice %arg2[%add3A_526, %dma_start3A_530] : memref<16384x1000xf32, #tpu.memory_space<hbm>> -> memref<16x1000xf32, #tpu.memory_space<hbm>>
    %dma_start3A_532 = arith.constant 16 : i32
    %dma_start3A_533 = arith.constant 0 : i32
    %dma_start3A_534 = tpu.memref_slice %arg5[%dma_start3A_532, %dma_start3A_533] : memref<32x1000xf32, #tpu.memory_space<vmem>> -> memref<16x1000xf32, #tpu.memory_space<vmem>>
    %dma_start3A_535 = arith.constant 0 : i32
    %dma_start3A_536 = tpu.memref_slice %arg2[%add3A_526, %dma_start3A_535] : memref<16384x1000xf32, #tpu.memory_space<hbm>> -> memref<16x1000xf32, #tpu.memory_space<hbm>>
    tpu.enqueue_dma source(%dma_start3A_536 : memref<16x1000xf32, #tpu.memory_space<hbm>>) target(%dma_start3A_534 : memref<16x1000xf32, #tpu.memory_space<vmem>>) target_semaphore(%arg9 : memref<!tpu.dma_semaphore, #tpu.memory_space<semaphore_mem>>)
    %scan3A = arith.constant 0 : i32
    %scan3A_537 = arith.constant 0 : i32
    %scan3A_538 = arith.constant 8 : i32
    %scan3A_539 = arith.addi %scan3A_537, %scan3A_538 : i32
    %scan3A_540 = arith.constant 1 : i32
    scf.for %scan3A_544 = %scan3A_537 to %scan3A_539 step %scan3A_540  : i32 {
      %mul3A_545 = arith.constant 2 : i32
      %mul3A_546 = arith.muli %mul3A_545, %scan3A_544 : i32
      %dma_wait3A = arith.constant 0 : i32
      %dma_wait3A_547 = arith.constant 0 : i32
      %dma_wait3A_548 = tpu.memref_slice %arg5[%dma_wait3A, %dma_wait3A_547] : memref<32x1000xf32, #tpu.memory_space<vmem>> -> memref<16x1000xf32, #tpu.memory_space<vmem>>
      %dma_wait3A_549 = arith.constant 0 : i32
      %dma_wait3A_550 = arith.constant 0 : i32
      %dma_wait3A_551 = tpu.memref_slice %arg2[%dma_wait3A_549, %dma_wait3A_550] : memref<16384x1000xf32, #tpu.memory_space<hbm>> -> memref<16x1000xf32, #tpu.memory_space<hbm>>
      %dma_wait3A_552 = arith.constant 0 : i32
      %dma_wait3A_553 = arith.constant 0 : i32
      %dma_wait3A_554 = tpu.memref_slice %arg5[%dma_wait3A_552, %dma_wait3A_553] : memref<32x1000xf32, #tpu.memory_space<vmem>> -> memref<16x1000xf32, #tpu.memory_space<vmem>>
      %dma_wait3A_555 = arith.constant 0 : i32
      %dma_wait3A_556 = arith.constant 0 : i32
      %dma_wait3A_557 = tpu.memref_slice %arg2[%dma_wait3A_555, %dma_wait3A_556] : memref<16384x1000xf32, #tpu.memory_space<hbm>> -> memref<16x1000xf32, #tpu.memory_space<hbm>>
      tpu.wait_dma2 semaphore(%arg8 : memref<!tpu.dma_semaphore, #tpu.memory_space<semaphore_mem>>) src(%dma_wait3A_557 : memref<16x1000xf32, #tpu.memory_space<hbm>>) dst(%dma_wait3A_554 : memref<16x1000xf32, #tpu.memory_space<vmem>>)
      %broadcast_in_dim3A = arith.constant 0.000000e+00 : f32
      %broadcast_in_dim3A_558 = vector.broadcast %broadcast_in_dim3A : f32 to vector<16xf32>
      %scan3A_559 = arith.constant 0 : i32
      %scan3A_560 = arith.constant 16 : i32
      %scan3A_561 = arith.addi %scan3A_559, %scan3A_560 : i32
      %scan3A_562 = arith.constant 1 : i32
      %scan3A_563 = scf.for %scan3A_610 = %scan3A_559 to %scan3A_561 step %scan3A_562 iter_args(%scan3A_611 = %broadcast_in_dim3A_558) -> (vector<16xf32>)  : i32 {
        %add3A_612 = arith.constant 0 : i32
        %add3A_613 = arith.addi %add3A_612, %scan3A_610 : i32
        %get3A_614 = arith.index_cast %add3A_613 : i32 to index
        %get3A_615 = arith.constant 0 : index
        %get3A_616 = tpu.vector_load %arg5[%get3A_614, %get3A_615] {strides = array<i32>} : memref<32x1000xf32, #tpu.memory_space<vmem>>, vector<1x16xf32>,
        %get3A_617 = vector.shape_cast %get3A_616 : vector<1x16xf32> to vector<16xf32>
        %get3A_618 = arith.index_cast %add3A_613 : i32 to index
        %get3A_619 = arith.constant 16 : index
        %get3A_620 = tpu.vector_load %arg5[%get3A_618, %get3A_619] {strides = array<i32>} : memref<32x1000xf32, #tpu.memory_space<vmem>>, vector<1x16xf32>,
        %get3A_621 = vector.shape_cast %get3A_620 : vector<1x16xf32> to vector<16xf32>
        %get3A_622 = arith.index_cast %add3A_613 : i32 to index
        %get3A_623 = arith.constant 32 : index
        %get3A_624 = tpu.vector_load %arg5[%get3A_622, %get3A_623] {strides = array<i32>} : memref<32x1000xf32, #tpu.memory_space<vmem>>, vector<1x16xf32>,
        %get3A_625 = vector.shape_cast %get3A_624 : vector<1x16xf32> to vector<16xf32>
        %get3A_626 = arith.index_cast %add3A_613 : i32 to index
        %get3A_627 = arith.constant 48 : index
        %get3A_628 = tpu.vector_load %arg5[%get3A_626, %get3A_627] {strides = array<i32>} : memref<32x1000xf32, #tpu.memory_space<vmem>>, vector<1x16xf32>,
        %get3A_629 = vector.shape_cast %get3A_628 : vector<1x16xf32> to vector<16xf32>
        %broadcast_in_dim3A_630 = arith.constant 0 : i32
        %broadcast_in_dim3A_631 = vector.broadcast %broadcast_in_dim3A_630 : i32 to vector<16xi32>
        %broadcast_in_dim3A_632 = arith.constant 1 : i32
        %broadcast_in_dim3A_633 = vector.broadcast %broadcast_in_dim3A_632 : i32 to vector<16xi32>
        %broadcast_in_dim3A_634 = arith.constant 2 : i32
        %broadcast_in_dim3A_635 = vector.broadcast %broadcast_in_dim3A_634 : i32 to vector<16xi32>
        %broadcast_in_dim3A_636 = arith.constant 3 : i32
        %broadcast_in_dim3A_637 = vector.broadcast %broadcast_in_dim3A_636 : i32 to vector<16xi32>
        %get3A_638 = arith.index_cast %add3A_613 : i32 to index
        %get3A_639 = arith.constant 64 : index
        %get3A_640 = tpu.vector_load %arg5[%get3A_638, %get3A_639] {strides = array<i32>} : memref<32x1000xf32, #tpu.memory_space<vmem>>, vector<1x16xf32>,
        %get3A_641 = vector.shape_cast %get3A_640 : vector<1x16xf32> to vector<16xf32>
        %gt3A = arith.cmpf ogt, %get3A_641, %get3A_617 : vector<16xf32>
        %select_n3A = arith.select %gt3A, %get3A_641, %get3A_617 : vector<16xi1>, vector<16xf32>
        %jit3A = arith.constant 4 : i32
        %broadcast_in_dim3A_642 = vector.broadcast %jit3A : i32 to vector<16xi32>
        %select_n3A_643 = arith.select %gt3A, %broadcast_in_dim3A_642, %broadcast_in_dim3A_631 : vector<16xi1>, vector<16xi32>
        %get3A_644 = arith.index_cast %add3A_613 : i32 to index
        %get3A_645 = arith.constant 80 : index
        %get3A_646 = tpu.vector_load %arg5[%get3A_644, %get3A_645] {strides = array<i32>} : memref<32x1000xf32, #tpu.memory_space<vmem>>, vector<1x16xf32>,
        %get3A_647 = vector.shape_cast %get3A_646 : vector<1x16xf32> to vector<16xf32>
        %gt3A_648 = arith.cmpf ogt, %get3A_647, %get3A_621 : vector<16xf32>
        %select_n3A_649 = arith.select %gt3A_648, %get3A_647, %get3A_621 : vector<16xi1>, vector<16xf32>
        %jit3A_650 = arith.constant 5 : i32
        %broadcast_in_dim3A_651 = vector.broadcast %jit3A_650 : i32 to vector<16xi32>
        %select_n3A_652 = arith.select %gt3A_648, %broadcast_in_dim3A_651, %broadcast_in_dim3A_633 : vector<16xi1>, vector<16xi32>
        %get3A_653 = arith.index_cast %add3A_613 : i32 to index
        %get3A_654 = arith.constant 96 : index
        %get3A_655 = tpu.vector_load %arg5[%get3A_653, %get3A_654] {strides = array<i32>} : memref<32x1000xf32, #tpu.memory_space<vmem>>, vector<1x16xf32>,
        %get3A_656 = vector.shape_cast %get3A_655 : vector<1x16xf32> to vector<16xf32>
        %gt3A_657 = arith.cmpf ogt, %get3A_656, %get3A_625 : vector<16xf32>
        %select_n3A_658 = arith.select %gt3A_657, %get3A_656, %get3A_625 : vector<16xi1>, vector<16xf32>
        %jit3A_659 = arith.constant 6 : i32
        %broadcast_in_dim3A_660 = vector.broadcast %jit3A_659 : i32 to vector<16xi32>
        %select_n3A_661 = arith.select %gt3A_657, %broadcast_in_dim3A_660, %broadcast_in_dim3A_635 : vector<16xi1>, vector<16xi32>
        %get3A_662 = arith.index_cast %add3A_613 : i32 to index
        %get3A_663 = arith.constant 112 : index
        %get3A_664 = tpu.vector_load %arg5[%get3A_662, %get3A_663] {strides = array<i32>} : memref<32x1000xf32, #tpu.memory_space<vmem>>, vector<1x16xf32>,
        %get3A_665 = vector.shape_cast %get3A_664 : vector<1x16xf32> to vector<16xf32>
        %gt3A_666 = arith.cmpf ogt, %get3A_665, %get3A_629 : vector<16xf32>
        %select_n3A_667 = arith.select %gt3A_666, %get3A_665, %get3A_629 : vector<16xi1>, vector<16xf32>
        %jit3A_668 = arith.constant 7 : i32
        %broadcast_in_dim3A_669 = vector.broadcast %jit3A_668 : i32 to vector<16xi32>
        %select_n3A_670 = arith.select %gt3A_666, %broadcast_in_dim3A_669, %broadcast_in_dim3A_637 : vector<16xi1>, vector<16xi32>
        %get3A_671 = arith.index_cast %add3A_613 : i32 to index
        %get3A_672 = arith.constant 128 : index
        %get3A_673 = tpu.vector_load %arg5[%get3A_671, %get3A_672] {strides = array<i32>} : memref<32x1000xf32, #tpu.memory_space<vmem>>, vector<1x16xf32>,
        %get3A_674 = vector.shape_cast %get3A_673 : vector<1x16xf32> to vector<16xf32>
        %gt3A_675 = arith.cmpf ogt, %get3A_674, %select_n3A : vector<16xf32>
        %select_n3A_676 = arith.select %gt3A_675, %get3A_674, %select_n3A : vector<16xi1>, vector<16xf32>
        %jit3A_677 = arith.constant 8 : i32
        %broadcast_in_dim3A_678 = vector.broadcast %jit3A_677 : i32 to vector<16xi32>
        %select_n3A_679 = arith.select %gt3A_675, %broadcast_in_dim3A_678, %select_n3A_643 : vector<16xi1>, vector<16xi32>
        %get3A_680 = arith.index_cast %add3A_613 : i32 to index
        %get3A_681 = arith.constant 144 : index
        %get3A_682 = tpu.vector_load %arg5[%get3A_680, %get3A_681] {strides = array<i32>} : memref<32x1000xf32, #tpu.memory_space<vmem>>, vector<1x16xf32>,
        %get3A_683 = vector.shape_cast %get3A_682 : vector<1x16xf32> to vector<16xf32>
        %gt3A_684 = arith.cmpf ogt, %get3A_683, %select_n3A_649 : vector<16xf32>
        %select_n3A_685 = arith.select %gt3A_684, %get3A_683, %select_n3A_649 : vector<16xi1>, vector<16xf32>
        %jit3A_686 = arith.constant 9 : i32
        %broadcast_in_dim3A_687 = vector.broadcast %jit3A_686 : i32 to vector<16xi32>
        %select_n3A_688 = arith.select %gt3A_684, %broadcast_in_dim3A_687, %select_n3A_652 : vector<16xi1>, vector<16xi32>
        %get3A_689 = arith.index_cast %add3A_613 : i32 to index
        %get3A_690 = arith.constant 160 : index
        %get3A_691 = tpu.vector_load %arg5[%get3A_689, %get3A_690] {strides = array<i32>} : memref<32x1000xf32, #tpu.memory_space<vmem>>, vector<1x16xf32>,
        %get3A_692 = vector.shape_cast %get3A_691 : vector<1x16xf32> to vector<16xf32>
        %gt3A_693 = arith.cmpf ogt, %get3A_692, %select_n3A_658 : vector<16xf32>
        %select_n3A_694 = arith.select %gt3A_693, %get3A_692, %select_n3A_658 : vector<16xi1>, vector<16xf32>
        %jit3A_695 = arith.constant 10 : i32
        %broadcast_in_dim3A_696 = vector.broadcast %jit3A_695 : i32 to vector<16xi32>
        %select_n3A_697 = arith.select %gt3A_693, %broadcast_in_dim3A_696, %select_n3A_661 : vector<16xi1>, vector<16xi32>
        %get3A_698 = arith.index_cast %add3A_613 : i32 to index
        %get3A_699 = arith.constant 176 : index
        %get3A_700 = tpu.vector_load %arg5[%get3A_698, %get3A_699] {strides = array<i32>} : memref<32x1000xf32, #tpu.memory_space<vmem>>, vector<1x16xf32>,
        %get3A_701 = vector.shape_cast %get3A_700 : vector<1x16xf32> to vector<16xf32>
        %gt3A_702 = arith.cmpf ogt, %get3A_701, %select_n3A_667 : vector<16xf32>
        %select_n3A_703 = arith.select %gt3A_702, %get3A_701, %select_n3A_667 : vector<16xi1>, vector<16xf32>
        %jit3A_704 = arith.constant 11 : i32
        %broadcast_in_dim3A_705 = vector.broadcast %jit3A_704 : i32 to vector<16xi32>
        %select_n3A_706 = arith.select %gt3A_702, %broadcast_in_dim3A_705, %select_n3A_670 : vector<16xi1>, vector<16xi32>
        %get3A_707 = arith.index_cast %add3A_613 : i32 to index
        %get3A_708 = arith.constant 192 : index
        %get3A_709 = tpu.vector_load %arg5[%get3A_707, %get3A_708] {strides = array<i32>} : memref<32x1000xf32, #tpu.memory_space<vmem>>, vector<1x16xf32>,
        %get3A_710 = vector.shape_cast %get3A_709 : vector<1x16xf32> to vector<16xf32>
        %gt3A_711 = arith.cmpf ogt, %get3A_710, %select_n3A_676 : vector<16xf32>
        %select_n3A_712 = arith.select %gt3A_711, %get3A_710, %select_n3A_676 : vector<16xi1>, vector<16xf32>
        %jit3A_713 = arith.constant 12 : i32
        %broadcast_in_dim3A_714 = vector.broadcast %jit3A_713 : i32 to vector<16xi32>
        %select_n3A_715 = arith.select %gt3A_711, %broadcast_in_dim3A_714, %select_n3A_679 : vector<16xi1>, vector<16xi32>
        %get3A_716 = arith.index_cast %add3A_613 : i32 to index
        %get3A_717 = arith.constant 208 : index
        %get3A_718 = tpu.vector_load %arg5[%get3A_716, %get3A_717] {strides = array<i32>} : memref<32x1000xf32, #tpu.memory_space<vmem>>, vector<1x16xf32>,
        %get3A_719 = vector.shape_cast %get3A_718 : vector<1x16xf32> to vector<16xf32>
        %gt3A_720 = arith.cmpf ogt, %get3A_719, %select_n3A_685 : vector<16xf32>
        %select_n3A_721 = arith.select %gt3A_720, %get3A_719, %select_n3A_685 : vector<16xi1>, vector<16xf32>
        %jit3A_722 = arith.constant 13 : i32
        %broadcast_in_dim3A_723 = vector.broadcast %jit3A_722 : i32 to vector<16xi32>
        %select_n3A_724 = arith.select %gt3A_720, %broadcast_in_dim3A_723, %select_n3A_688 : vector<16xi1>, vector<16xi32>
        %get3A_725 = arith.index_cast %add3A_613 : i32 to index
        %get3A_726 = arith.constant 224 : index
        %get3A_727 = tpu.vector_load %arg5[%get3A_725, %get3A_726] {strides = array<i32>} : memref<32x1000xf32, #tpu.memory_space<vmem>>, vector<1x16xf32>,
        %get3A_728 = vector.shape_cast %get3A_727 : vector<1x16xf32> to vector<16xf32>
        %gt3A_729 = arith.cmpf ogt, %get3A_728, %select_n3A_694 : vector<16xf32>
        %select_n3A_730 = arith.select %gt3A_729, %get3A_728, %select_n3A_694 : vector<16xi1>, vector<16xf32>
        %jit3A_731 = arith.constant 14 : i32
        %broadcast_in_dim3A_732 = vector.broadcast %jit3A_731 : i32 to vector<16xi32>
        %select_n3A_733 = arith.select %gt3A_729, %broadcast_in_dim3A_732, %select_n3A_697 : vector<16xi1>, vector<16xi32>
        %get3A_734 = arith.index_cast %add3A_613 : i32 to index
        %get3A_735 = arith.constant 240 : index
        %get3A_736 = tpu.vector_load %arg5[%get3A_734, %get3A_735] {strides = array<i32>} : memref<32x1000xf32, #tpu.memory_space<vmem>>, vector<1x16xf32>,
        %get3A_737 = vector.shape_cast %get3A_736 : vector<1x16xf32> to vector<16xf32>
        %gt3A_738 = arith.cmpf ogt, %get3A_737, %select_n3A_703 : vector<16xf32>
        %select_n3A_739 = arith.select %gt3A_738, %get3A_737, %select_n3A_703 : vector<16xi1>, vector<16xf32>
        %jit3A_740 = arith.constant 15 : i32
        %broadcast_in_dim3A_741 = vector.broadcast %jit3A_740 : i32 to vector<16xi32>
        %select_n3A_742 = arith.select %gt3A_738, %broadcast_in_dim3A_741, %select_n3A_706 : vector<16xi1>, vector<16xi32>
        %get3A_743 = arith.index_cast %add3A_613 : i32 to index
        %get3A_744 = arith.constant 256 : index
        %get3A_745 = tpu.vector_load %arg5[%get3A_743, %get3A_744] {strides = array<i32>} : memref<32x1000xf32, #tpu.memory_space<vmem>>, vector<1x16xf32>,
        %get3A_746 = vector.shape_cast %get3A_745 : vector<1x16xf32> to vector<16xf32>
        %gt3A_747 = arith.cmpf ogt, %get3A_746, %select_n3A_712 : vector<16xf32>
        %select_n3A_748 = arith.select %gt3A_747, %get3A_746, %select_n3A_712 : vector<16xi1>, vector<16xf32>
        %jit3A_749 = arith.constant 16 : i32
        %broadcast_in_dim3A_750 = vector.broadcast %jit3A_749 : i32 to vector<16xi32>
        %select_n3A_751 = arith.select %gt3A_747, %broadcast_in_dim3A_750, %select_n3A_715 : vector<16xi1>, vector<16xi32>
        %get3A_752 = arith.index_cast %add3A_613 : i32 to index
        %get3A_753 = arith.constant 272 : index
        %get3A_754 = tpu.vector_load %arg5[%get3A_752, %get3A_753] {strides = array<i32>} : memref<32x1000xf32, #tpu.memory_space<vmem>>, vector<1x16xf32>,
        %get3A_755 = vector.shape_cast %get3A_754 : vector<1x16xf32> to vector<16xf32>
        %gt3A_756 = arith.cmpf ogt, %get3A_755, %select_n3A_721 : vector<16xf32>
        %select_n3A_757 = arith.select %gt3A_756, %get3A_755, %select_n3A_721 : vector<16xi1>, vector<16xf32>
        %jit3A_758 = arith.constant 17 : i32
        %broadcast_in_dim3A_759 = vector.broadcast %jit3A_758 : i32 to vector<16xi32>
        %select_n3A_760 = arith.select %gt3A_756, %broadcast_in_dim3A_759, %select_n3A_724 : vector<16xi1>, vector<16xi32>
        %get3A_761 = arith.index_cast %add3A_613 : i32 to index
        %get3A_762 = arith.constant 288 : index
        %get3A_763 = tpu.vector_load %arg5[%get3A_761, %get3A_762] {strides = array<i32>} : memref<32x1000xf32, #tpu.memory_space<vmem>>, vector<1x16xf32>,
        %get3A_764 = vector.shape_cast %get3A_763 : vector<1x16xf32> to vector<16xf32>
        %gt3A_765 = arith.cmpf ogt, %get3A_764, %select_n3A_730 : vector<16xf32>
        %select_n3A_766 = arith.select %gt3A_765, %get3A_764, %select_n3A_730 : vector<16xi1>, vector<16xf32>
        %jit3A_767 = arith.constant 18 : i32
        %broadcast_in_dim3A_768 = vector.broadcast %jit3A_767 : i32 to vector<16xi32>
        %select_n3A_769 = arith.select %gt3A_765, %broadcast_in_dim3A_768, %select_n3A_733 : vector<16xi1>, vector<16xi32>
        %get3A_770 = arith.index_cast %add3A_613 : i32 to index
        %get3A_771 = arith.constant 304 : index
        %get3A_772 = tpu.vector_load %arg5[%get3A_770, %get3A_771] {strides = array<i32>} : memref<32x1000xf32, #tpu.memory_space<vmem>>, vector<1x16xf32>,
        %get3A_773 = vector.shape_cast %get3A_772 : vector<1x16xf32> to vector<16xf32>
        %gt3A_774 = arith.cmpf ogt, %get3A_773, %select_n3A_739 : vector<16xf32>
        %select_n3A_775 = arith.select %gt3A_774, %get3A_773, %select_n3A_739 : vector<16xi1>, vector<16xf32>
        %jit3A_776 = arith.constant 19 : i32
        %broadcast_in_dim3A_777 = vector.broadcast %jit3A_776 : i32 to vector<16xi32>
        %select_n3A_778 = arith.select %gt3A_774, %broadcast_in_dim3A_777, %select_n3A_742 : vector<16xi1>, vector<16xi32>
        %get3A_779 = arith.index_cast %add3A_613 : i32 to index
        %get3A_780 = arith.constant 320 : index
        %get3A_781 = tpu.vector_load %arg5[%get3A_779, %get3A_780] {strides = array<i32>} : memref<32x1000xf32, #tpu.memory_space<vmem>>, vector<1x16xf32>,
        %get3A_782 = vector.shape_cast %get3A_781 : vector<1x16xf32> to vector<16xf32>
        %gt3A_783 = arith.cmpf ogt, %get3A_782, %select_n3A_748 : vector<16xf32>
        %select_n3A_784 = arith.select %gt3A_783, %get3A_782, %select_n3A_748 : vector<16xi1>, vector<16xf32>
        %jit3A_785 = arith.constant 20 : i32
        %broadcast_in_dim3A_786 = vector.broadcast %jit3A_785 : i32 to vector<16xi32>
        %select_n3A_787 = arith.select %gt3A_783, %broadcast_in_dim3A_786, %select_n3A_751 : vector<16xi1>, vector<16xi32>
        %get3A_788 = arith.index_cast %add3A_613 : i32 to index
        %get3A_789 = arith.constant 336 : index
        %get3A_790 = tpu.vector_load %arg5[%get3A_788, %get3A_789] {strides = array<i32>} : memref<32x1000xf32, #tpu.memory_space<vmem>>, vector<1x16xf32>,
        %get3A_791 = vector.shape_cast %get3A_790 : vector<1x16xf32> to vector<16xf32>
        %gt3A_792 = arith.cmpf ogt, %get3A_791, %select_n3A_757 : vector<16xf32>
        %select_n3A_793 = arith.select %gt3A_792, %get3A_791, %select_n3A_757 : vector<16xi1>, vector<16xf32>
        %jit3A_794 = arith.constant 21 : i32
        %broadcast_in_dim3A_795 = vector.broadcast %jit3A_794 : i32 to vector<16xi32>
        %select_n3A_796 = arith.select %gt3A_792, %broadcast_in_dim3A_795, %select_n3A_760 : vector<16xi1>, vector<16xi32>
        %get3A_797 = arith.index_cast %add3A_613 : i32 to index
        %get3A_798 = arith.constant 352 : index
        %get3A_799 = tpu.vector_load %arg5[%get3A_797, %get3A_798] {strides = array<i32>} : memref<32x1000xf32, #tpu.memory_space<vmem>>, vector<1x16xf32>,
        %get3A_800 = vector.shape_cast %get3A_799 : vector<1x16xf32> to vector<16xf32>
        %gt3A_801 = arith.cmpf ogt, %get3A_800, %select_n3A_766 : vector<16xf32>
        %select_n3A_802 = arith.select %gt3A_801, %get3A_800, %select_n3A_766 : vector<16xi1>, vector<16xf32>
        %jit3A_803 = arith.constant 22 : i32
        %broadcast_in_dim3A_804 = vector.broadcast %jit3A_803 : i32 to vector<16xi32>
        %select_n3A_805 = arith.select %gt3A_801, %broadcast_in_dim3A_804, %select_n3A_769 : vector<16xi1>, vector<16xi32>
        %get3A_806 = arith.index_cast %add3A_613 : i32 to index
        %get3A_807 = arith.constant 368 : index
        %get3A_808 = tpu.vector_load %arg5[%get3A_806, %get3A_807] {strides = array<i32>} : memref<32x1000xf32, #tpu.memory_space<vmem>>, vector<1x16xf32>,
        %get3A_809 = vector.shape_cast %get3A_808 : vector<1x16xf32> to vector<16xf32>
        %gt3A_810 = arith.cmpf ogt, %get3A_809, %select_n3A_775 : vector<16xf32>
        %select_n3A_811 = arith.select %gt3A_810, %get3A_809, %select_n3A_775 : vector<16xi1>, vector<16xf32>
        %jit3A_812 = arith.constant 23 : i32
        %broadcast_in_dim3A_813 = vector.broadcast %jit3A_812 : i32 to vector<16xi32>
        %select_n3A_814 = arith.select %gt3A_810, %broadcast_in_dim3A_813, %select_n3A_778 : vector<16xi1>, vector<16xi32>
        %get3A_815 = arith.index_cast %add3A_613 : i32 to index
        %get3A_816 = arith.constant 384 : index
        %get3A_817 = tpu.vector_load %arg5[%get3A_815, %get3A_816] {strides = array<i32>} : memref<32x1000xf32, #tpu.memory_space<vmem>>, vector<1x16xf32>,
        %get3A_818 = vector.shape_cast %get3A_817 : vector<1x16xf32> to vector<16xf32>
        %gt3A_819 = arith.cmpf ogt, %get3A_818, %select_n3A_784 : vector<16xf32>
        %select_n3A_820 = arith.select %gt3A_819, %get3A_818, %select_n3A_784 : vector<16xi1>, vector<16xf32>
        %jit3A_821 = arith.constant 24 : i32
        %broadcast_in_dim3A_822 = vector.broadcast %jit3A_821 : i32 to vector<16xi32>
        %select_n3A_823 = arith.select %gt3A_819, %broadcast_in_dim3A_822, %select_n3A_787 : vector<16xi1>, vector<16xi32>
        %get3A_824 = arith.index_cast %add3A_613 : i32 to index
        %get3A_825 = arith.constant 400 : index
        %get3A_826 = tpu.vector_load %arg5[%get3A_824, %get3A_825] {strides = array<i32>} : memref<32x1000xf32, #tpu.memory_space<vmem>>, vector<1x16xf32>,
        %get3A_827 = vector.shape_cast %get3A_826 : vector<1x16xf32> to vector<16xf32>
        %gt3A_828 = arith.cmpf ogt, %get3A_827, %select_n3A_793 : vector<16xf32>
        %select_n3A_829 = arith.select %gt3A_828, %get3A_827, %select_n3A_793 : vector<16xi1>, vector<16xf32>
        %jit3A_830 = arith.constant 25 : i32
        %broadcast_in_dim3A_831 = vector.broadcast %jit3A_830 : i32 to vector<16xi32>
        %select_n3A_832 = arith.select %gt3A_828, %broadcast_in_dim3A_831, %select_n3A_796 : vector<16xi1>, vector<16xi32>
        %get3A_833 = arith.index_cast %add3A_613 : i32 to index
        %get3A_834 = arith.constant 416 : index
        %get3A_835 = tpu.vector_load %arg5[%get3A_833, %get3A_834] {strides = array<i32>} : memref<32x1000xf32, #tpu.memory_space<vmem>>, vector<1x16xf32>,
        %get3A_836 = vector.shape_cast %get3A_835 : vector<1x16xf32> to vector<16xf32>
        %gt3A_837 = arith.cmpf ogt, %get3A_836, %select_n3A_802 : vector<16xf32>
        %select_n3A_838 = arith.select %gt3A_837, %get3A_836, %select_n3A_802 : vector<16xi1>, vector<16xf32>
        %jit3A_839 = arith.constant 26 : i32
        %broadcast_in_dim3A_840 = vector.broadcast %jit3A_839 : i32 to vector<16xi32>
        %select_n3A_841 = arith.select %gt3A_837, %broadcast_in_dim3A_840, %select_n3A_805 : vector<16xi1>, vector<16xi32>
        %get3A_842 = arith.index_cast %add3A_613 : i32 to index
        %get3A_843 = arith.constant 432 : index
        %get3A_844 = tpu.vector_load %arg5[%get3A_842, %get3A_843] {strides = array<i32>} : memref<32x1000xf32, #tpu.memory_space<vmem>>, vector<1x16xf32>,
        %get3A_845 = vector.shape_cast %get3A_844 : vector<1x16xf32> to vector<16xf32>
        %gt3A_846 = arith.cmpf ogt, %get3A_845, %select_n3A_811 : vector<16xf32>
        %select_n3A_847 = arith.select %gt3A_846, %get3A_845, %select_n3A_811 : vector<16xi1>, vector<16xf32>
        %jit3A_848 = arith.constant 27 : i32
        %broadcast_in_dim3A_849 = vector.broadcast %jit3A_848 : i32 to vector<16xi32>
        %select_n3A_850 = arith.select %gt3A_846, %broadcast_in_dim3A_849, %select_n3A_814 : vector<16xi1>, vector<16xi32>
        %get3A_851 = arith.index_cast %add3A_613 : i32 to index
        %get3A_852 = arith.constant 448 : index
        %get3A_853 = tpu.vector_load %arg5[%get3A_851, %get3A_852] {strides = array<i32>} : memref<32x1000xf32, #tpu.memory_space<vmem>>, vector<1x16xf32>,
        %get3A_854 = vector.shape_cast %get3A_853 : vector<1x16xf32> to vector<16xf32>
        %gt3A_855 = arith.cmpf ogt, %get3A_854, %select_n3A_820 : vector<16xf32>
        %select_n3A_856 = arith.select %gt3A_855, %get3A_854, %select_n3A_820 : vector<16xi1>, vector<16xf32>
        %jit3A_857 = arith.constant 28 : i32
        %broadcast_in_dim3A_858 = vector.broadcast %jit3A_857 : i32 to vector<16xi32>
        %select_n3A_859 = arith.select %gt3A_855, %broadcast_in_dim3A_858, %select_n3A_823 : vector<16xi1>, vector<16xi32>
        %get3A_860 = arith.index_cast %add3A_613 : i32 to index
        %get3A_861 = arith.constant 464 : index
        %get3A_862 = tpu.vector_load %arg5[%get3A_860, %get3A_861] {strides = array<i32>} : memref<32x1000xf32, #tpu.memory_space<vmem>>, vector<1x16xf32>,
        %get3A_863 = vector.shape_cast %get3A_862 : vector<1x16xf32> to vector<16xf32>
        %gt3A_864 = arith.cmpf ogt, %get3A_863, %select_n3A_829 : vector<16xf32>
        %select_n3A_865 = arith.select %gt3A_864, %get3A_863, %select_n3A_829 : vector<16xi1>, vector<16xf32>
        %jit3A_866 = arith.constant 29 : i32
        %broadcast_in_dim3A_867 = vector.broadcast %jit3A_866 : i32 to vector<16xi32>
        %select_n3A_868 = arith.select %gt3A_864, %broadcast_in_dim3A_867, %select_n3A_832 : vector<16xi1>, vector<16xi32>
        %get3A_869 = arith.index_cast %add3A_613 : i32 to index
        %get3A_870 = arith.constant 480 : index
        %get3A_871 = tpu.vector_load %arg5[%get3A_869, %get3A_870] {strides = array<i32>} : memref<32x1000xf32, #tpu.memory_space<vmem>>, vector<1x16xf32>,
        %get3A_872 = vector.shape_cast %get3A_871 : vector<1x16xf32> to vector<16xf32>
        %gt3A_873 = arith.cmpf ogt, %get3A_872, %select_n3A_838 : vector<16xf32>
        %select_n3A_874 = arith.select %gt3A_873, %get3A_872, %select_n3A_838 : vector<16xi1>, vector<16xf32>
        %jit3A_875 = arith.constant 30 : i32
        %broadcast_in_dim3A_876 = vector.broadcast %jit3A_875 : i32 to vector<16xi32>
        %select_n3A_877 = arith.select %gt3A_873, %broadcast_in_dim3A_876, %select_n3A_841 : vector<16xi1>, vector<16xi32>
        %get3A_878 = arith.index_cast %add3A_613 : i32 to index
        %get3A_879 = arith.constant 496 : index
        %get3A_880 = tpu.vector_load %arg5[%get3A_878, %get3A_879] {strides = array<i32>} : memref<32x1000xf32, #tpu.memory_space<vmem>>, vector<1x16xf32>,
        %get3A_881 = vector.shape_cast %get3A_880 : vector<1x16xf32> to vector<16xf32>
        %gt3A_882 = arith.cmpf ogt, %get3A_881, %select_n3A_847 : vector<16xf32>
        %select_n3A_883 = arith.select %gt3A_882, %get3A_881, %select_n3A_847 : vector<16xi1>, vector<16xf32>
        %jit3A_884 = arith.constant 31 : i32
        %broadcast_in_dim3A_885 = vector.broadcast %jit3A_884 : i32 to vector<16xi32>
        %select_n3A_886 = arith.select %gt3A_882, %broadcast_in_dim3A_885, %select_n3A_850 : vector<16xi1>, vector<16xi32>
        %get3A_887 = arith.index_cast %add3A_613 : i32 to index
        %get3A_888 = arith.constant 512 : index
        %get3A_889 = tpu.vector_load %arg5[%get3A_887, %get3A_888] {strides = array<i32>} : memref<32x1000xf32, #tpu.memory_space<vmem>>, vector<1x16xf32>,
        %get3A_890 = vector.shape_cast %get3A_889 : vector<1x16xf32> to vector<16xf32>
        %gt3A_891 = arith.cmpf ogt, %get3A_890, %select_n3A_856 : vector<16xf32>
        %select_n3A_892 = arith.select %gt3A_891, %get3A_890, %select_n3A_856 : vector<16xi1>, vector<16xf32>
        %jit3A_893 = arith.constant 32 : i32
        %broadcast_in_dim3A_894 = vector.broadcast %jit3A_893 : i32 to vector<16xi32>
        %select_n3A_895 = arith.select %gt3A_891, %broadcast_in_dim3A_894, %select_n3A_859 : vector<16xi1>, vector<16xi32>
        %get3A_896 = arith.index_cast %add3A_613 : i32 to index
        %get3A_897 = arith.constant 528 : index
        %get3A_898 = tpu.vector_load %arg5[%get3A_896, %get3A_897] {strides = array<i32>} : memref<32x1000xf32, #tpu.memory_space<vmem>>, vector<1x16xf32>,
        %get3A_899 = vector.shape_cast %get3A_898 : vector<1x16xf32> to vector<16xf32>
        %gt3A_900 = arith.cmpf ogt, %get3A_899, %select_n3A_865 : vector<16xf32>
        %select_n3A_901 = arith.select %gt3A_900, %get3A_899, %select_n3A_865 : vector<16xi1>, vector<16xf32>
        %jit3A_902 = arith.constant 33 : i32
        %broadcast_in_dim3A_903 = vector.broadcast %jit3A_902 : i32 to vector<16xi32>
        %select_n3A_904 = arith.select %gt3A_900, %broadcast_in_dim3A_903, %select_n3A_868 : vector<16xi1>, vector<16xi32>
        %get3A_905 = arith.index_cast %add3A_613 : i32 to index
        %get3A_906 = arith.constant 544 : index
        %get3A_907 = tpu.vector_load %arg5[%get3A_905, %get3A_906] {strides = array<i32>} : memref<32x1000xf32, #tpu.memory_space<vmem>>, vector<1x16xf32>,
        %get3A_908 = vector.shape_cast %get3A_907 : vector<1x16xf32> to vector<16xf32>
        %gt3A_909 = arith.cmpf ogt, %get3A_908, %select_n3A_874 : vector<16xf32>
        %select_n3A_910 = arith.select %gt3A_909, %get3A_908, %select_n3A_874 : vector<16xi1>, vector<16xf32>
        %jit3A_911 = arith.constant 34 : i32
        %broadcast_in_dim3A_912 = vector.broadcast %jit3A_911 : i32 to vector<16xi32>
        %select_n3A_913 = arith.select %gt3A_909, %broadcast_in_dim3A_912, %select_n3A_877 : vector<16xi1>, vector<16xi32>
        %get3A_914 = arith.index_cast %add3A_613 : i32 to index
        %get3A_915 = arith.constant 560 : index
        %get3A_916 = tpu.vector_load %arg5[%get3A_914, %get3A_915] {strides = array<i32>} : memref<32x1000xf32, #tpu.memory_space<vmem>>, vector<1x16xf32>,
        %get3A_917 = vector.shape_cast %get3A_916 : vector<1x16xf32> to vector<16xf32>
        %gt3A_918 = arith.cmpf ogt, %get3A_917, %select_n3A_883 : vector<16xf32>
        %select_n3A_919 = arith.select %gt3A_918, %get3A_917, %select_n3A_883 : vector<16xi1>, vector<16xf32>
        %jit3A_920 = arith.constant 35 : i32
        %broadcast_in_dim3A_921 = vector.broadcast %jit3A_920 : i32 to vector<16xi32>
        %select_n3A_922 = arith.select %gt3A_918, %broadcast_in_dim3A_921, %select_n3A_886 : vector<16xi1>, vector<16xi32>
        %get3A_923 = arith.index_cast %add3A_613 : i32 to index
        %get3A_924 = arith.constant 576 : index
        %get3A_925 = tpu.vector_load %arg5[%get3A_923, %get3A_924] {strides = array<i32>} : memref<32x1000xf32, #tpu.memory_space<vmem>>, vector<1x16xf32>,
        %get3A_926 = vector.shape_cast %get3A_925 : vector<1x16xf32> to vector<16xf32>
        %gt3A_927 = arith.cmpf ogt, %get3A_926, %select_n3A_892 : vector<16xf32>
        %select_n3A_928 = arith.select %gt3A_927, %get3A_926, %select_n3A_892 : vector<16xi1>, vector<16xf32>
        %jit3A_929 = arith.constant 36 : i32
        %broadcast_in_dim3A_930 = vector.broadcast %jit3A_929 : i32 to vector<16xi32>
        %select_n3A_931 = arith.select %gt3A_927, %broadcast_in_dim3A_930, %select_n3A_895 : vector<16xi1>, vector<16xi32>
        %get3A_932 = arith.index_cast %add3A_613 : i32 to index
        %get3A_933 = arith.constant 592 : index
        %get3A_934 = tpu.vector_load %arg5[%get3A_932, %get3A_933] {strides = array<i32>} : memref<32x1000xf32, #tpu.memory_space<vmem>>, vector<1x16xf32>,
        %get3A_935 = vector.shape_cast %get3A_934 : vector<1x16xf32> to vector<16xf32>
        %gt3A_936 = arith.cmpf ogt, %get3A_935, %select_n3A_901 : vector<16xf32>
        %select_n3A_937 = arith.select %gt3A_936, %get3A_935, %select_n3A_901 : vector<16xi1>, vector<16xf32>
        %jit3A_938 = arith.constant 37 : i32
        %broadcast_in_dim3A_939 = vector.broadcast %jit3A_938 : i32 to vector<16xi32>
        %select_n3A_940 = arith.select %gt3A_936, %broadcast_in_dim3A_939, %select_n3A_904 : vector<16xi1>, vector<16xi32>
        %get3A_941 = arith.index_cast %add3A_613 : i32 to index
        %get3A_942 = arith.constant 608 : index
        %get3A_943 = tpu.vector_load %arg5[%get3A_941, %get3A_942] {strides = array<i32>} : memref<32x1000xf32, #tpu.memory_space<vmem>>, vector<1x16xf32>,
        %get3A_944 = vector.shape_cast %get3A_943 : vector<1x16xf32> to vector<16xf32>
        %gt3A_945 = arith.cmpf ogt, %get3A_944, %select_n3A_910 : vector<16xf32>
        %select_n3A_946 = arith.select %gt3A_945, %get3A_944, %select_n3A_910 : vector<16xi1>, vector<16xf32>
        %jit3A_947 = arith.constant 38 : i32
        %broadcast_in_dim3A_948 = vector.broadcast %jit3A_947 : i32 to vector<16xi32>
        %select_n3A_949 = arith.select %gt3A_945, %broadcast_in_dim3A_948, %select_n3A_913 : vector<16xi1>, vector<16xi32>
        %get3A_950 = arith.index_cast %add3A_613 : i32 to index
        %get3A_951 = arith.constant 624 : index
        %get3A_952 = tpu.vector_load %arg5[%get3A_950, %get3A_951] {strides = array<i32>} : memref<32x1000xf32, #tpu.memory_space<vmem>>, vector<1x16xf32>,
        %get3A_953 = vector.shape_cast %get3A_952 : vector<1x16xf32> to vector<16xf32>
        %gt3A_954 = arith.cmpf ogt, %get3A_953, %select_n3A_919 : vector<16xf32>
        %select_n3A_955 = arith.select %gt3A_954, %get3A_953, %select_n3A_919 : vector<16xi1>, vector<16xf32>
        %jit3A_956 = arith.constant 39 : i32
        %broadcast_in_dim3A_957 = vector.broadcast %jit3A_956 : i32 to vector<16xi32>
        %select_n3A_958 = arith.select %gt3A_954, %broadcast_in_dim3A_957, %select_n3A_922 : vector<16xi1>, vector<16xi32>
        %get3A_959 = arith.index_cast %add3A_613 : i32 to index
        %get3A_960 = arith.constant 640 : index
        %get3A_961 = tpu.vector_load %arg5[%get3A_959, %get3A_960] {strides = array<i32>} : memref<32x1000xf32, #tpu.memory_space<vmem>>, vector<1x16xf32>,
        %get3A_962 = vector.shape_cast %get3A_961 : vector<1x16xf32> to vector<16xf32>
        %gt3A_963 = arith.cmpf ogt, %get3A_962, %select_n3A_928 : vector<16xf32>
        %select_n3A_964 = arith.select %gt3A_963, %get3A_962, %select_n3A_928 : vector<16xi1>, vector<16xf32>
        %jit3A_965 = arith.constant 40 : i32
        %broadcast_in_dim3A_966 = vector.broadcast %jit3A_965 : i32 to vector<16xi32>
        %select_n3A_967 = arith.select %gt3A_963, %broadcast_in_dim3A_966, %select_n3A_931 : vector<16xi1>, vector<16xi32>
        %get3A_968 = arith.index_cast %add3A_613 : i32 to index
        %get3A_969 = arith.constant 656 : index
        %get3A_970 = tpu.vector_load %arg5[%get3A_968, %get3A_969] {strides = array<i32>} : memref<32x1000xf32, #tpu.memory_space<vmem>>, vector<1x16xf32>,
        %get3A_971 = vector.shape_cast %get3A_970 : vector<1x16xf32> to vector<16xf32>
        %gt3A_972 = arith.cmpf ogt, %get3A_971, %select_n3A_937 : vector<16xf32>
        %select_n3A_973 = arith.select %gt3A_972, %get3A_971, %select_n3A_937 : vector<16xi1>, vector<16xf32>
        %jit3A_974 = arith.constant 41 : i32
        %broadcast_in_dim3A_975 = vector.broadcast %jit3A_974 : i32 to vector<16xi32>
        %select_n3A_976 = arith.select %gt3A_972, %broadcast_in_dim3A_975, %select_n3A_940 : vector<16xi1>, vector<16xi32>
        %get3A_977 = arith.index_cast %add3A_613 : i32 to index
        %get3A_978 = arith.constant 672 : index
        %get3A_979 = tpu.vector_load %arg5[%get3A_977, %get3A_978] {strides = array<i32>} : memref<32x1000xf32, #tpu.memory_space<vmem>>, vector<1x16xf32>,
        %get3A_980 = vector.shape_cast %get3A_979 : vector<1x16xf32> to vector<16xf32>
        %gt3A_981 = arith.cmpf ogt, %get3A_980, %select_n3A_946 : vector<16xf32>
        %select_n3A_982 = arith.select %gt3A_981, %get3A_980, %select_n3A_946 : vector<16xi1>, vector<16xf32>
        %jit3A_983 = arith.constant 42 : i32
        %broadcast_in_dim3A_984 = vector.broadcast %jit3A_983 : i32 to vector<16xi32>
        %select_n3A_985 = arith.select %gt3A_981, %broadcast_in_dim3A_984, %select_n3A_949 : vector<16xi1>, vector<16xi32>
        %get3A_986 = arith.index_cast %add3A_613 : i32 to index
        %get3A_987 = arith.constant 688 : index
        %get3A_988 = tpu.vector_load %arg5[%get3A_986, %get3A_987] {strides = array<i32>} : memref<32x1000xf32, #tpu.memory_space<vmem>>, vector<1x16xf32>,
        %get3A_989 = vector.shape_cast %get3A_988 : vector<1x16xf32> to vector<16xf32>
        %gt3A_990 = arith.cmpf ogt, %get3A_989, %select_n3A_955 : vector<16xf32>
        %select_n3A_991 = arith.select %gt3A_990, %get3A_989, %select_n3A_955 : vector<16xi1>, vector<16xf32>
        %jit3A_992 = arith.constant 43 : i32
        %broadcast_in_dim3A_993 = vector.broadcast %jit3A_992 : i32 to vector<16xi32>
        %select_n3A_994 = arith.select %gt3A_990, %broadcast_in_dim3A_993, %select_n3A_958 : vector<16xi1>, vector<16xi32>
        %get3A_995 = arith.index_cast %add3A_613 : i32 to index
        %get3A_996 = arith.constant 704 : index
        %get3A_997 = tpu.vector_load %arg5[%get3A_995, %get3A_996] {strides = array<i32>} : memref<32x1000xf32, #tpu.memory_space<vmem>>, vector<1x16xf32>,
        %get3A_998 = vector.shape_cast %get3A_997 : vector<1x16xf32> to vector<16xf32>
        %gt3A_999 = arith.cmpf ogt, %get3A_998, %select_n3A_964 : vector<16xf32>
        %select_n3A_1000 = arith.select %gt3A_999, %get3A_998, %select_n3A_964 : vector<16xi1>, vector<16xf32>
        %jit3A_1001 = arith.constant 44 : i32
        %broadcast_in_dim3A_1002 = vector.broadcast %jit3A_1001 : i32 to vector<16xi32>
        %select_n3A_1003 = arith.select %gt3A_999, %broadcast_in_dim3A_1002, %select_n3A_967 : vector<16xi1>, vector<16xi32>
        %get3A_1004 = arith.index_cast %add3A_613 : i32 to index
        %get3A_1005 = arith.constant 720 : index
        %get3A_1006 = tpu.vector_load %arg5[%get3A_1004, %get3A_1005] {strides = array<i32>} : memref<32x1000xf32, #tpu.memory_space<vmem>>, vector<1x16xf32>,
        %get3A_1007 = vector.shape_cast %get3A_1006 : vector<1x16xf32> to vector<16xf32>
        %gt3A_1008 = arith.cmpf ogt, %get3A_1007, %select_n3A_973 : vector<16xf32>
        %select_n3A_1009 = arith.select %gt3A_1008, %get3A_1007, %select_n3A_973 : vector<16xi1>, vector<16xf32>
        %jit3A_1010 = arith.constant 45 : i32
        %broadcast_in_dim3A_1011 = vector.broadcast %jit3A_1010 : i32 to vector<16xi32>
        %select_n3A_1012 = arith.select %gt3A_1008, %broadcast_in_dim3A_1011, %select_n3A_976 : vector<16xi1>, vector<16xi32>
        %get3A_1013 = arith.index_cast %add3A_613 : i32 to index
        %get3A_1014 = arith.constant 736 : index
        %get3A_1015 = tpu.vector_load %arg5[%get3A_1013, %get3A_1014] {strides = array<i32>} : memref<32x1000xf32, #tpu.memory_space<vmem>>, vector<1x16xf32>,
        %get3A_1016 = vector.shape_cast %get3A_1015 : vector<1x16xf32> to vector<16xf32>
        %gt3A_1017 = arith.cmpf ogt, %get3A_1016, %select_n3A_982 : vector<16xf32>
        %select_n3A_1018 = arith.select %gt3A_1017, %get3A_1016, %select_n3A_982 : vector<16xi1>, vector<16xf32>
        %jit3A_1019 = arith.constant 46 : i32
        %broadcast_in_dim3A_1020 = vector.broadcast %jit3A_1019 : i32 to vector<16xi32>
        %select_n3A_1021 = arith.select %gt3A_1017, %broadcast_in_dim3A_1020, %select_n3A_985 : vector<16xi1>, vector<16xi32>
        %get3A_1022 = arith.index_cast %add3A_613 : i32 to index
        %get3A_1023 = arith.constant 752 : index
        %get3A_1024 = tpu.vector_load %arg5[%get3A_1022, %get3A_1023] {strides = array<i32>} : memref<32x1000xf32, #tpu.memory_space<vmem>>, vector<1x16xf32>,
        %get3A_1025 = vector.shape_cast %get3A_1024 : vector<1x16xf32> to vector<16xf32>
        %gt3A_1026 = arith.cmpf ogt, %get3A_1025, %select_n3A_991 : vector<16xf32>
        %select_n3A_1027 = arith.select %gt3A_1026, %get3A_1025, %select_n3A_991 : vector<16xi1>, vector<16xf32>
        %jit3A_1028 = arith.constant 47 : i32
        %broadcast_in_dim3A_1029 = vector.broadcast %jit3A_1028 : i32 to vector<16xi32>
        %select_n3A_1030 = arith.select %gt3A_1026, %broadcast_in_dim3A_1029, %select_n3A_994 : vector<16xi1>, vector<16xi32>
        %get3A_1031 = arith.index_cast %add3A_613 : i32 to index
        %get3A_1032 = arith.constant 768 : index
        %get3A_1033 = tpu.vector_load %arg5[%get3A_1031, %get3A_1032] {strides = array<i32>} : memref<32x1000xf32, #tpu.memory_space<vmem>>, vector<1x16xf32>,
        %get3A_1034 = vector.shape_cast %get3A_1033 : vector<1x16xf32> to vector<16xf32>
        %gt3A_1035 = arith.cmpf ogt, %get3A_1034, %select_n3A_1000 : vector<16xf32>
        %select_n3A_1036 = arith.select %gt3A_1035, %get3A_1034, %select_n3A_1000 : vector<16xi1>, vector<16xf32>
        %jit3A_1037 = arith.constant 48 : i32
        %broadcast_in_dim3A_1038 = vector.broadcast %jit3A_1037 : i32 to vector<16xi32>
        %select_n3A_1039 = arith.select %gt3A_1035, %broadcast_in_dim3A_1038, %select_n3A_1003 : vector<16xi1>, vector<16xi32>
        %get3A_1040 = arith.index_cast %add3A_613 : i32 to index
        %get3A_1041 = arith.constant 784 : index
        %get3A_1042 = tpu.vector_load %arg5[%get3A_1040, %get3A_1041] {strides = array<i32>} : memref<32x1000xf32, #tpu.memory_space<vmem>>, vector<1x16xf32>,
        %get3A_1043 = vector.shape_cast %get3A_1042 : vector<1x16xf32> to vector<16xf32>
        %gt3A_1044 = arith.cmpf ogt, %get3A_1043, %select_n3A_1009 : vector<16xf32>
        %select_n3A_1045 = arith.select %gt3A_1044, %get3A_1043, %select_n3A_1009 : vector<16xi1>, vector<16xf32>
        %jit3A_1046 = arith.constant 49 : i32
        %broadcast_in_dim3A_1047 = vector.broadcast %jit3A_1046 : i32 to vector<16xi32>
        %select_n3A_1048 = arith.select %gt3A_1044, %broadcast_in_dim3A_1047, %select_n3A_1012 : vector<16xi1>, vector<16xi32>
        %get3A_1049 = arith.index_cast %add3A_613 : i32 to index
        %get3A_1050 = arith.constant 800 : index
        %get3A_1051 = tpu.vector_load %arg5[%get3A_1049, %get3A_1050] {strides = array<i32>} : memref<32x1000xf32, #tpu.memory_space<vmem>>, vector<1x16xf32>,
        %get3A_1052 = vector.shape_cast %get3A_1051 : vector<1x16xf32> to vector<16xf32>
        %gt3A_1053 = arith.cmpf ogt, %get3A_1052, %select_n3A_1018 : vector<16xf32>
        %select_n3A_1054 = arith.select %gt3A_1053, %get3A_1052, %select_n3A_1018 : vector<16xi1>, vector<16xf32>
        %jit3A_1055 = arith.constant 50 : i32
        %broadcast_in_dim3A_1056 = vector.broadcast %jit3A_1055 : i32 to vector<16xi32>
        %select_n3A_1057 = arith.select %gt3A_1053, %broadcast_in_dim3A_1056, %select_n3A_1021 : vector<16xi1>, vector<16xi32>
        %get3A_1058 = arith.index_cast %add3A_613 : i32 to index
        %get3A_1059 = arith.constant 816 : index
        %get3A_1060 = tpu.vector_load %arg5[%get3A_1058, %get3A_1059] {strides = array<i32>} : memref<32x1000xf32, #tpu.memory_space<vmem>>, vector<1x16xf32>,
        %get3A_1061 = vector.shape_cast %get3A_1060 : vector<1x16xf32> to vector<16xf32>
        %gt3A_1062 = arith.cmpf ogt, %get3A_1061, %select_n3A_1027 : vector<16xf32>
        %select_n3A_1063 = arith.select %gt3A_1062, %get3A_1061, %select_n3A_1027 : vector<16xi1>, vector<16xf32>
        %jit3A_1064 = arith.constant 51 : i32
        %broadcast_in_dim3A_1065 = vector.broadcast %jit3A_1064 : i32 to vector<16xi32>
        %select_n3A_1066 = arith.select %gt3A_1062, %broadcast_in_dim3A_1065, %select_n3A_1030 : vector<16xi1>, vector<16xi32>
        %get3A_1067 = arith.index_cast %add3A_613 : i32 to index
        %get3A_1068 = arith.constant 832 : index
        %get3A_1069 = tpu.vector_load %arg5[%get3A_1067, %get3A_1068] {strides = array<i32>} : memref<32x1000xf32, #tpu.memory_space<vmem>>, vector<1x16xf32>,
        %get3A_1070 = vector.shape_cast %get3A_1069 : vector<1x16xf32> to vector<16xf32>
        %gt3A_1071 = arith.cmpf ogt, %get3A_1070, %select_n3A_1036 : vector<16xf32>
        %select_n3A_1072 = arith.select %gt3A_1071, %get3A_1070, %select_n3A_1036 : vector<16xi1>, vector<16xf32>
        %jit3A_1073 = arith.constant 52 : i32
        %broadcast_in_dim3A_1074 = vector.broadcast %jit3A_1073 : i32 to vector<16xi32>
        %select_n3A_1075 = arith.select %gt3A_1071, %broadcast_in_dim3A_1074, %select_n3A_1039 : vector<16xi1>, vector<16xi32>
        %get3A_1076 = arith.index_cast %add3A_613 : i32 to index
        %get3A_1077 = arith.constant 848 : index
        %get3A_1078 = tpu.vector_load %arg5[%get3A_1076, %get3A_1077] {strides = array<i32>} : memref<32x1000xf32, #tpu.memory_space<vmem>>, vector<1x16xf32>,
        %get3A_1079 = vector.shape_cast %get3A_1078 : vector<1x16xf32> to vector<16xf32>
        %gt3A_1080 = arith.cmpf ogt, %get3A_1079, %select_n3A_1045 : vector<16xf32>
        %select_n3A_1081 = arith.select %gt3A_1080, %get3A_1079, %select_n3A_1045 : vector<16xi1>, vector<16xf32>
        %jit3A_1082 = arith.constant 53 : i32
        %broadcast_in_dim3A_1083 = vector.broadcast %jit3A_1082 : i32 to vector<16xi32>
        %select_n3A_1084 = arith.select %gt3A_1080, %broadcast_in_dim3A_1083, %select_n3A_1048 : vector<16xi1>, vector<16xi32>
        %get3A_1085 = arith.index_cast %add3A_613 : i32 to index
        %get3A_1086 = arith.constant 864 : index
        %get3A_1087 = tpu.vector_load %arg5[%get3A_1085, %get3A_1086] {strides = array<i32>} : memref<32x1000xf32, #tpu.memory_space<vmem>>, vector<1x16xf32>,
        %get3A_1088 = vector.shape_cast %get3A_1087 : vector<1x16xf32> to vector<16xf32>
        %gt3A_1089 = arith.cmpf ogt, %get3A_1088, %select_n3A_1054 : vector<16xf32>
        %select_n3A_1090 = arith.select %gt3A_1089, %get3A_1088, %select_n3A_1054 : vector<16xi1>, vector<16xf32>
        %jit3A_1091 = arith.constant 54 : i32
        %broadcast_in_dim3A_1092 = vector.broadcast %jit3A_1091 : i32 to vector<16xi32>
        %select_n3A_1093 = arith.select %gt3A_1089, %broadcast_in_dim3A_1092, %select_n3A_1057 : vector<16xi1>, vector<16xi32>
        %get3A_1094 = arith.index_cast %add3A_613 : i32 to index
        %get3A_1095 = arith.constant 880 : index
        %get3A_1096 = tpu.vector_load %arg5[%get3A_1094, %get3A_1095] {strides = array<i32>} : memref<32x1000xf32, #tpu.memory_space<vmem>>, vector<1x16xf32>,
        %get3A_1097 = vector.shape_cast %get3A_1096 : vector<1x16xf32> to vector<16xf32>
        %gt3A_1098 = arith.cmpf ogt, %get3A_1097, %select_n3A_1063 : vector<16xf32>
        %select_n3A_1099 = arith.select %gt3A_1098, %get3A_1097, %select_n3A_1063 : vector<16xi1>, vector<16xf32>
        %jit3A_1100 = arith.constant 55 : i32
        %broadcast_in_dim3A_1101 = vector.broadcast %jit3A_1100 : i32 to vector<16xi32>
        %select_n3A_1102 = arith.select %gt3A_1098, %broadcast_in_dim3A_1101, %select_n3A_1066 : vector<16xi1>, vector<16xi32>
        %get3A_1103 = arith.index_cast %add3A_613 : i32 to index
        %get3A_1104 = arith.constant 896 : index
        %get3A_1105 = tpu.vector_load %arg5[%get3A_1103, %get3A_1104] {strides = array<i32>} : memref<32x1000xf32, #tpu.memory_space<vmem>>, vector<1x16xf32>,
        %get3A_1106 = vector.shape_cast %get3A_1105 : vector<1x16xf32> to vector<16xf32>
        %gt3A_1107 = arith.cmpf ogt, %get3A_1106, %select_n3A_1072 : vector<16xf32>
        %select_n3A_1108 = arith.select %gt3A_1107, %get3A_1106, %select_n3A_1072 : vector<16xi1>, vector<16xf32>
        %jit3A_1109 = arith.constant 56 : i32
        %broadcast_in_dim3A_1110 = vector.broadcast %jit3A_1109 : i32 to vector<16xi32>
        %select_n3A_1111 = arith.select %gt3A_1107, %broadcast_in_dim3A_1110, %select_n3A_1075 : vector<16xi1>, vector<16xi32>
        %get3A_1112 = arith.index_cast %add3A_613 : i32 to index
        %get3A_1113 = arith.constant 912 : index
        %get3A_1114 = tpu.vector_load %arg5[%get3A_1112, %get3A_1113] {strides = array<i32>} : memref<32x1000xf32, #tpu.memory_space<vmem>>, vector<1x16xf32>,
        %get3A_1115 = vector.shape_cast %get3A_1114 : vector<1x16xf32> to vector<16xf32>
        %gt3A_1116 = arith.cmpf ogt, %get3A_1115, %select_n3A_1081 : vector<16xf32>
        %select_n3A_1117 = arith.select %gt3A_1116, %get3A_1115, %select_n3A_1081 : vector<16xi1>, vector<16xf32>
        %jit3A_1118 = arith.constant 57 : i32
        %broadcast_in_dim3A_1119 = vector.broadcast %jit3A_1118 : i32 to vector<16xi32>
        %select_n3A_1120 = arith.select %gt3A_1116, %broadcast_in_dim3A_1119, %select_n3A_1084 : vector<16xi1>, vector<16xi32>
        %get3A_1121 = arith.index_cast %add3A_613 : i32 to index
        %get3A_1122 = arith.constant 928 : index
        %get3A_1123 = tpu.vector_load %arg5[%get3A_1121, %get3A_1122] {strides = array<i32>} : memref<32x1000xf32, #tpu.memory_space<vmem>>, vector<1x16xf32>,
        %get3A_1124 = vector.shape_cast %get3A_1123 : vector<1x16xf32> to vector<16xf32>
        %gt3A_1125 = arith.cmpf ogt, %get3A_1124, %select_n3A_1090 : vector<16xf32>
        %select_n3A_1126 = arith.select %gt3A_1125, %get3A_1124, %select_n3A_1090 : vector<16xi1>, vector<16xf32>
        %jit3A_1127 = arith.constant 58 : i32
        %broadcast_in_dim3A_1128 = vector.broadcast %jit3A_1127 : i32 to vector<16xi32>
        %select_n3A_1129 = arith.select %gt3A_1125, %broadcast_in_dim3A_1128, %select_n3A_1093 : vector<16xi1>, vector<16xi32>
        %get3A_1130 = arith.index_cast %add3A_613 : i32 to index
        %get3A_1131 = arith.constant 944 : index
        %get3A_1132 = tpu.vector_load %arg5[%get3A_1130, %get3A_1131] {strides = array<i32>} : memref<32x1000xf32, #tpu.memory_space<vmem>>, vector<1x16xf32>,
        %get3A_1133 = vector.shape_cast %get3A_1132 : vector<1x16xf32> to vector<16xf32>
        %gt3A_1134 = arith.cmpf ogt, %get3A_1133, %select_n3A_1099 : vector<16xf32>
        %select_n3A_1135 = arith.select %gt3A_1134, %get3A_1133, %select_n3A_1099 : vector<16xi1>, vector<16xf32>
        %jit3A_1136 = arith.constant 59 : i32
        %broadcast_in_dim3A_1137 = vector.broadcast %jit3A_1136 : i32 to vector<16xi32>
        %select_n3A_1138 = arith.select %gt3A_1134, %broadcast_in_dim3A_1137, %select_n3A_1102 : vector<16xi1>, vector<16xi32>
        %get3A_1139 = arith.index_cast %add3A_613 : i32 to index
        %get3A_1140 = arith.constant 960 : index
        %get3A_1141 = tpu.vector_load %arg5[%get3A_1139, %get3A_1140] {strides = array<i32>} : memref<32x1000xf32, #tpu.memory_space<vmem>>, vector<1x16xf32>,
        %get3A_1142 = vector.shape_cast %get3A_1141 : vector<1x16xf32> to vector<16xf32>
        %gt3A_1143 = arith.cmpf ogt, %get3A_1142, %select_n3A_1108 : vector<16xf32>
        %select_n3A_1144 = arith.select %gt3A_1143, %get3A_1142, %select_n3A_1108 : vector<16xi1>, vector<16xf32>
        %jit3A_1145 = arith.constant 60 : i32
        %broadcast_in_dim3A_1146 = vector.broadcast %jit3A_1145 : i32 to vector<16xi32>
        %select_n3A_1147 = arith.select %gt3A_1143, %broadcast_in_dim3A_1146, %select_n3A_1111 : vector<16xi1>, vector<16xi32>
        %get3A_1148 = arith.index_cast %add3A_613 : i32 to index
        %get3A_1149 = arith.constant 976 : index
        %get3A_1150 = tpu.vector_load %arg5[%get3A_1148, %get3A_1149] {strides = array<i32>} : memref<32x1000xf32, #tpu.memory_space<vmem>>, vector<1x16xf32>,
        %get3A_1151 = vector.shape_cast %get3A_1150 : vector<1x16xf32> to vector<16xf32>
        %gt3A_1152 = arith.cmpf ogt, %get3A_1151, %select_n3A_1117 : vector<16xf32>
        %select_n3A_1153 = arith.select %gt3A_1152, %get3A_1151, %select_n3A_1117 : vector<16xi1>, vector<16xf32>
        %jit3A_1154 = arith.constant 61 : i32
        %broadcast_in_dim3A_1155 = vector.broadcast %jit3A_1154 : i32 to vector<16xi32>
        %select_n3A_1156 = arith.select %gt3A_1152, %broadcast_in_dim3A_1155, %select_n3A_1120 : vector<16xi1>, vector<16xi32>
        %gt3A_1157 = arith.cmpf ogt, %select_n3A_1153, %select_n3A_1144 : vector<16xf32>
        %eq3A = arith.cmpf oeq, %select_n3A_1153, %select_n3A_1144 : vector<16xf32>
        %lt3A_1158 = arith.cmpi slt, %select_n3A_1156, %select_n3A_1147 : vector<16xi32>
        %and3A = arith.andi %eq3A, %lt3A_1158 : vector<16xi1>
        %or3A = arith.ori %gt3A_1157, %and3A : vector<16xi1>
        %select_n3A_1159 = arith.select %or3A, %select_n3A_1153, %select_n3A_1144 : vector<16xi1>, vector<16xf32>
        %select_n3A_1160 = arith.select %or3A, %select_n3A_1156, %select_n3A_1147 : vector<16xi1>, vector<16xi32>
        %gt3A_1161 = arith.cmpf ogt, %select_n3A_1135, %select_n3A_1126 : vector<16xf32>
        %eq3A_1162 = arith.cmpf oeq, %select_n3A_1135, %select_n3A_1126 : vector<16xf32>
        %lt3A_1163 = arith.cmpi slt, %select_n3A_1138, %select_n3A_1129 : vector<16xi32>
        %and3A_1164 = arith.andi %eq3A_1162, %lt3A_1163 : vector<16xi1>
        %or3A_1165 = arith.ori %gt3A_1161, %and3A_1164 : vector<16xi1>
        %select_n3A_1166 = arith.select %or3A_1165, %select_n3A_1135, %select_n3A_1126 : vector<16xi1>, vector<16xf32>
        %select_n3A_1167 = arith.select %or3A_1165, %select_n3A_1138, %select_n3A_1129 : vector<16xi1>, vector<16xi32>
        %gt3A_1168 = arith.cmpf ogt, %select_n3A_1166, %select_n3A_1159 : vector<16xf32>
        %eq3A_1169 = arith.cmpf oeq, %select_n3A_1166, %select_n3A_1159 : vector<16xf32>
        %lt3A_1170 = arith.cmpi slt, %select_n3A_1167, %select_n3A_1160 : vector<16xi32>
        %and3A_1171 = arith.andi %eq3A_1169, %lt3A_1170 : vector<16xi1>
        %or3A_1172 = arith.ori %gt3A_1168, %and3A_1171 : vector<16xi1>
        %select_n3A_1173 = arith.select %or3A_1172, %select_n3A_1166, %select_n3A_1159 : vector<16xi1>, vector<16xf32>
        %select_n3A_1174 = arith.select %or3A_1172, %select_n3A_1167, %select_n3A_1160 : vector<16xi1>, vector<16xi32>
        %mul3A_1175 = arith.constant 16 : i32
        %mul3A_1176 = vector.broadcast %mul3A_1175 : i32 to vector<16xi32>
        %mul3A_1177 = arith.muli %select_n3A_1174, %mul3A_1176 : vector<16xi32>
        %add3A_1178 = arith.addi %mul3A_1177, %iota3A : vector<16xi32>
        %get3A_1179 = arith.index_cast %add3A_613 : i32 to index
        %get3A_1180 = arith.constant 984 : index
        %get3A_1181 = tpu.vector_load %arg5[%get3A_1179, %get3A_1180] {strides = array<i32>} : memref<32x1000xf32, #tpu.memory_space<vmem>>, vector<1x16xf32>,
        %get3A_1182 = vector.shape_cast %get3A_1181 : vector<1x16xf32> to vector<16xf32>
        %xor3A = arith.constant 8 : i32
        %xor3A_1183 = vector.broadcast %xor3A : i32 to vector<16xi32>
        %xor3A_1184 = arith.xori %iota3A, %xor3A_1183 : vector<16xi32>
        %lt3A_1185 = arith.constant 0 : i32
        %lt3A_1186 = vector.broadcast %lt3A_1185 : i32 to vector<16xi32>
        %lt3A_1187 = arith.cmpi slt, %xor3A_1184, %lt3A_1186 : vector<16xi32>
        %add3A_1188 = arith.constant 16 : i32
        %add3A_1189 = vector.broadcast %add3A_1188 : i32 to vector<16xi32>
        %add3A_1190 = arith.addi %xor3A_1184, %add3A_1189 : vector<16xi32>
        %select_n3A_1191 = arith.select %lt3A_1187, %add3A_1190, %xor3A_1184 : vector<16xi1>, vector<16xi32>
        %broadcast_in_dim3A_1192 = vector.shape_cast %select_n3A_1191 : vector<16xi32> to vector<16x1xi32>
        %gather3A = vector.shape_cast %broadcast_in_dim3A_1192 : vector<16x1xi32> to vector<16xi32>
        %gather3A_1193 = tpu.dynamic_gather %get3A_1182[%gather3A] in [0] : vector<16xf32>, vector<16xi32> -> vector<16xf32>
        %gt3A_1194 = arith.cmpf ogt, %gather3A_1193, %select_n3A_1173 : vector<16xf32>
        %select_n3A_1195 = arith.select %gt3A_1194, %gather3A_1193, %select_n3A_1173 : vector<16xi1>, vector<16xf32>
        %add3A_1196 = arith.constant 992 : i32
        %add3A_1197 = vector.broadcast %add3A_1196 : i32 to vector<16xi32>
        %add3A_1198 = arith.addi %add3A_1197, %iota3A : vector<16xi32>
        %select_n3A_1199 = arith.select %gt3A_1194, %add3A_1198, %add3A_1178 : vector<16xi1>, vector<16xi32>
        %xor3A_1200 = arith.constant 8 : i32
        %xor3A_1201 = vector.broadcast %xor3A_1200 : i32 to vector<16xi32>
        %xor3A_1202 = arith.xori %iota3A, %xor3A_1201 : vector<16xi32>
        %lt3A_1203 = arith.constant 0 : i32
        %lt3A_1204 = vector.broadcast %lt3A_1203 : i32 to vector<16xi32>
        %lt3A_1205 = arith.cmpi slt, %xor3A_1202, %lt3A_1204 : vector<16xi32>
        %add3A_1206 = arith.constant 16 : i32
        %add3A_1207 = vector.broadcast %add3A_1206 : i32 to vector<16xi32>
        %add3A_1208 = arith.addi %xor3A_1202, %add3A_1207 : vector<16xi32>
        %select_n3A_1209 = arith.select %lt3A_1205, %add3A_1208, %xor3A_1202 : vector<16xi1>, vector<16xi32>
        %broadcast_in_dim3A_1210 = vector.shape_cast %select_n3A_1209 : vector<16xi32> to vector<16x1xi32>
        %gather3A_1211 = vector.shape_cast %broadcast_in_dim3A_1210 : vector<16x1xi32> to vector<16xi32>
        %gather3A_1212 = tpu.dynamic_gather %select_n3A_1195[%gather3A_1211] in [0] : vector<16xf32>, vector<16xi32> -> vector<16xf32>
        %lt3A_1213 = arith.constant 0 : i32
        %lt3A_1214 = vector.broadcast %lt3A_1213 : i32 to vector<16xi32>
        %lt3A_1215 = arith.cmpi slt, %xor3A_1202, %lt3A_1214 : vector<16xi32>
        %add3A_1216 = arith.constant 16 : i32
        %add3A_1217 = vector.broadcast %add3A_1216 : i32 to vector<16xi32>
        %add3A_1218 = arith.addi %xor3A_1202, %add3A_1217 : vector<16xi32>
        %select_n3A_1219 = arith.select %lt3A_1215, %add3A_1218, %xor3A_1202 : vector<16xi1>, vector<16xi32>
        %broadcast_in_dim3A_1220 = vector.shape_cast %select_n3A_1219 : vector<16xi32> to vector<16x1xi32>
        %gather3A_1221 = vector.shape_cast %broadcast_in_dim3A_1220 : vector<16x1xi32> to vector<16xi32>
        %gather3A_1222 = tpu.dynamic_gather %select_n3A_1199[%gather3A_1221] in [0] : vector<16xi32>, vector<16xi32> -> vector<16xi32>
        %gt3A_1223 = arith.cmpf ogt, %gather3A_1212, %select_n3A_1195 : vector<16xf32>
        %eq3A_1224 = arith.cmpf oeq, %gather3A_1212, %select_n3A_1195 : vector<16xf32>
        %lt3A_1225 = arith.cmpi slt, %gather3A_1222, %select_n3A_1199 : vector<16xi32>
        %and3A_1226 = arith.andi %eq3A_1224, %lt3A_1225 : vector<16xi1>
        %or3A_1227 = arith.ori %gt3A_1223, %and3A_1226 : vector<16xi1>
        %select_n3A_1228 = arith.select %or3A_1227, %gather3A_1212, %select_n3A_1195 : vector<16xi1>, vector<16xf32>
        %select_n3A_1229 = arith.select %or3A_1227, %gather3A_1222, %select_n3A_1199 : vector<16xi1>, vector<16xi32>
        %xor3A_1230 = arith.constant 4 : i32
        %xor3A_1231 = vector.broadcast %xor3A_1230 : i32 to vector<16xi32>
        %xor3A_1232 = arith.xori %iota3A, %xor3A_1231 : vector<16xi32>
        %lt3A_1233 = arith.constant 0 : i32
        %lt3A_1234 = vector.broadcast %lt3A_1233 : i32 to vector<16xi32>
        %lt3A_1235 = arith.cmpi slt, %xor3A_1232, %lt3A_1234 : vector<16xi32>
        %add3A_1236 = arith.constant 16 : i32
        %add3A_1237 = vector.broadcast %add3A_1236 : i32 to vector<16xi32>
        %add3A_1238 = arith.addi %xor3A_1232, %add3A_1237 : vector<16xi32>
        %select_n3A_1239 = arith.select %lt3A_1235, %add3A_1238, %xor3A_1232 : vector<16xi1>, vector<16xi32>
        %broadcast_in_dim3A_1240 = vector.shape_cast %select_n3A_1239 : vector<16xi32> to vector<16x1xi32>
        %gather3A_1241 = vector.shape_cast %broadcast_in_dim3A_1240 : vector<16x1xi32> to vector<16xi32>
        %gather3A_1242 = tpu.dynamic_gather %select_n3A_1228[%gather3A_1241] in [0] : vector<16xf32>, vector<16xi32> -> vector<16xf32>
        %lt3A_1243 = arith.constant 0 : i32
        %lt3A_1244 = vector.broadcast %lt3A_1243 : i32 to vector<16xi32>
        %lt3A_1245 = arith.cmpi slt, %xor3A_1232, %lt3A_1244 : vector<16xi32>
        %add3A_1246 = arith.constant 16 : i32
        %add3A_1247 = vector.broadcast %add3A_1246 : i32 to vector<16xi32>
        %add3A_1248 = arith.addi %xor3A_1232, %add3A_1247 : vector<16xi32>
        %select_n3A_1249 = arith.select %lt3A_1245, %add3A_1248, %xor3A_1232 : vector<16xi1>, vector<16xi32>
        %broadcast_in_dim3A_1250 = vector.shape_cast %select_n3A_1249 : vector<16xi32> to vector<16x1xi32>
        %gather3A_1251 = vector.shape_cast %broadcast_in_dim3A_1250 : vector<16x1xi32> to vector<16xi32>
        %gather3A_1252 = tpu.dynamic_gather %select_n3A_1229[%gather3A_1251] in [0] : vector<16xi32>, vector<16xi32> -> vector<16xi32>
        %gt3A_1253 = arith.cmpf ogt, %gather3A_1242, %select_n3A_1228 : vector<16xf32>
        %eq3A_1254 = arith.cmpf oeq, %gather3A_1242, %select_n3A_1228 : vector<16xf32>
        %lt3A_1255 = arith.cmpi slt, %gather3A_1252, %select_n3A_1229 : vector<16xi32>
        %and3A_1256 = arith.andi %eq3A_1254, %lt3A_1255 : vector<16xi1>
        %or3A_1257 = arith.ori %gt3A_1253, %and3A_1256 : vector<16xi1>
        %select_n3A_1258 = arith.select %or3A_1257, %gather3A_1242, %select_n3A_1228 : vector<16xi1>, vector<16xf32>
        %select_n3A_1259 = arith.select %or3A_1257, %gather3A_1252, %select_n3A_1229 : vector<16xi1>, vector<16xi32>
        %xor3A_1260 = arith.constant 2 : i32
        %xor3A_1261 = vector.broadcast %xor3A_1260 : i32 to vector<16xi32>
        %xor3A_1262 = arith.xori %iota3A, %xor3A_1261 : vector<16xi32>
        %lt3A_1263 = arith.constant 0 : i32
        %lt3A_1264 = vector.broadcast %lt3A_1263 : i32 to vector<16xi32>
        %lt3A_1265 = arith.cmpi slt, %xor3A_1262, %lt3A_1264 : vector<16xi32>
        %add3A_1266 = arith.constant 16 : i32
        %add3A_1267 = vector.broadcast %add3A_1266 : i32 to vector<16xi32>
        %add3A_1268 = arith.addi %xor3A_1262, %add3A_1267 : vector<16xi32>
        %select_n3A_1269 = arith.select %lt3A_1265, %add3A_1268, %xor3A_1262 : vector<16xi1>, vector<16xi32>
        %broadcast_in_dim3A_1270 = vector.shape_cast %select_n3A_1269 : vector<16xi32> to vector<16x1xi32>
        %gather3A_1271 = vector.shape_cast %broadcast_in_dim3A_1270 : vector<16x1xi32> to vector<16xi32>
        %gather3A_1272 = tpu.dynamic_gather %select_n3A_1258[%gather3A_1271] in [0] : vector<16xf32>, vector<16xi32> -> vector<16xf32>
        %lt3A_1273 = arith.constant 0 : i32
        %lt3A_1274 = vector.broadcast %lt3A_1273 : i32 to vector<16xi32>
        %lt3A_1275 = arith.cmpi slt, %xor3A_1262, %lt3A_1274 : vector<16xi32>
        %add3A_1276 = arith.constant 16 : i32
        %add3A_1277 = vector.broadcast %add3A_1276 : i32 to vector<16xi32>
        %add3A_1278 = arith.addi %xor3A_1262, %add3A_1277 : vector<16xi32>
        %select_n3A_1279 = arith.select %lt3A_1275, %add3A_1278, %xor3A_1262 : vector<16xi1>, vector<16xi32>
        %broadcast_in_dim3A_1280 = vector.shape_cast %select_n3A_1279 : vector<16xi32> to vector<16x1xi32>
        %gather3A_1281 = vector.shape_cast %broadcast_in_dim3A_1280 : vector<16x1xi32> to vector<16xi32>
        %gather3A_1282 = tpu.dynamic_gather %select_n3A_1259[%gather3A_1281] in [0] : vector<16xi32>, vector<16xi32> -> vector<16xi32>
        %gt3A_1283 = arith.cmpf ogt, %gather3A_1272, %select_n3A_1258 : vector<16xf32>
        %eq3A_1284 = arith.cmpf oeq, %gather3A_1272, %select_n3A_1258 : vector<16xf32>
        %lt3A_1285 = arith.cmpi slt, %gather3A_1282, %select_n3A_1259 : vector<16xi32>
        %and3A_1286 = arith.andi %eq3A_1284, %lt3A_1285 : vector<16xi1>
        %or3A_1287 = arith.ori %gt3A_1283, %and3A_1286 : vector<16xi1>
        %select_n3A_1288 = arith.select %or3A_1287, %gather3A_1272, %select_n3A_1258 : vector<16xi1>, vector<16xf32>
        %select_n3A_1289 = arith.select %or3A_1287, %gather3A_1282, %select_n3A_1259 : vector<16xi1>, vector<16xi32>
        %xor3A_1290 = arith.constant 1 : i32
        %xor3A_1291 = vector.broadcast %xor3A_1290 : i32 to vector<16xi32>
        %xor3A_1292 = arith.xori %iota3A, %xor3A_1291 : vector<16xi32>
        %lt3A_1293 = arith.constant 0 : i32
        %lt3A_1294 = vector.broadcast %lt3A_1293 : i32 to vector<16xi32>
        %lt3A_1295 = arith.cmpi slt, %xor3A_1292, %lt3A_1294 : vector<16xi32>
        %add3A_1296 = arith.constant 16 : i32
        %add3A_1297 = vector.broadcast %add3A_1296 : i32 to vector<16xi32>
        %add3A_1298 = arith.addi %xor3A_1292, %add3A_1297 : vector<16xi32>
        %select_n3A_1299 = arith.select %lt3A_1295, %add3A_1298, %xor3A_1292 : vector<16xi1>, vector<16xi32>
        %broadcast_in_dim3A_1300 = vector.shape_cast %select_n3A_1299 : vector<16xi32> to vector<16x1xi32>
        %gather3A_1301 = vector.shape_cast %broadcast_in_dim3A_1300 : vector<16x1xi32> to vector<16xi32>
        %gather3A_1302 = tpu.dynamic_gather %select_n3A_1288[%gather3A_1301] in [0] : vector<16xf32>, vector<16xi32> -> vector<16xf32>
        %lt3A_1303 = arith.constant 0 : i32
        %lt3A_1304 = vector.broadcast %lt3A_1303 : i32 to vector<16xi32>
        %lt3A_1305 = arith.cmpi slt, %xor3A_1292, %lt3A_1304 : vector<16xi32>
        %add3A_1306 = arith.constant 16 : i32
        %add3A_1307 = vector.broadcast %add3A_1306 : i32 to vector<16xi32>
        %add3A_1308 = arith.addi %xor3A_1292, %add3A_1307 : vector<16xi32>
        %select_n3A_1309 = arith.select %lt3A_1305, %add3A_1308, %xor3A_1292 : vector<16xi1>, vector<16xi32>
        %broadcast_in_dim3A_1310 = vector.shape_cast %select_n3A_1309 : vector<16xi32> to vector<16x1xi32>
        %gather3A_1311 = vector.shape_cast %broadcast_in_dim3A_1310 : vector<16x1xi32> to vector<16xi32>
        %gather3A_1312 = tpu.dynamic_gather %select_n3A_1289[%gather3A_1311] in [0] : vector<16xi32>, vector<16xi32> -> vector<16xi32>
        %gt3A_1313 = arith.cmpf ogt, %gather3A_1302, %select_n3A_1288 : vector<16xf32>
        %eq3A_1314 = arith.cmpf oeq, %gather3A_1302, %select_n3A_1288 : vector<16xf32>
        %lt3A_1315 = arith.cmpi slt, %gather3A_1312, %select_n3A_1289 : vector<16xi32>
        %and3A_1316 = arith.andi %eq3A_1314, %lt3A_1315 : vector<16xi1>
        %or3A_1317 = arith.ori %gt3A_1313, %and3A_1316 : vector<16xi1>
        %select_n3A_1318 = arith.select %or3A_1317, %gather3A_1302, %select_n3A_1288 : vector<16xi1>, vector<16xf32>
        %select_n3A_1319 = arith.select %or3A_1317, %gather3A_1312, %select_n3A_1289 : vector<16xi1>, vector<16xi32>
        %slice3A = vector.extract_strided_slice %select_n3A_1319 {offsets = [0], sizes = [1], strides = [1]} : vector<16xi32> to vector<1xi32>
        %squeeze3A = vector.extract %slice3A[0] : i32 from vector<1xi32>
        %get3A_1320 = arith.index_cast %squeeze3A : i32 to index
        %get3A_1321 = tpu.vector_load %arg6[%get3A_1320] {strides = array<i32>} : memref<1024xf32, #tpu.memory_space<vmem>>, vector<16xf32>,
        %get3A_1322 = vector.shape_cast %get3A_1321 : vector<16xf32> to vector<16xf32>
        %eq3A_1323 = vector.broadcast %scan3A_610 : i32 to vector<16xi32>
        %eq3A_1324 = arith.cmpi eq, %iota3A, %eq3A_1323 : vector<16xi32>
        %slice3A_1325 = vector.extract_strided_slice %get3A_1322 {offsets = [0], sizes = [1], strides = [1]} : vector<16xf32> to vector<1xf32>
        %squeeze3A_1326 = vector.extract %slice3A_1325[0] : f32 from vector<1xf32>
        %broadcast_in_dim3A_1327 = vector.broadcast %squeeze3A_1326 : f32 to vector<16xf32>
        %select_n3A_1328 = arith.select %eq3A_1324, %broadcast_in_dim3A_1327, %scan3A_611 : vector<16xi1>, vector<16xf32>
        scf.yield %select_n3A_1328 : vector<16xf32>
      }
      %scan3A_564 = arith.constant 16 : i32
      %mul3A_565 = arith.constant 16 : i32
      %mul3A_566 = arith.muli %mul3A_546, %mul3A_565 : i32
      %swap3A_567 = arith.index_cast %mul3A_566 : i32 to index
      %swap3A_568 = tpu.vector_load %arg7[%swap3A_567] {strides = array<i32>} : memref<256xf32, #tpu.memory_space<vmem>>, vector<16xf32>,
      %swap3A_569 = vector.shape_cast %swap3A_568 : vector<16xf32> to vector<16xf32>
      %swap3A_570 = vector.shape_cast %scan3A_563 : vector<16xf32> to vector<16xf32>
      tpu.vector_store %arg7[%swap3A_567], %swap3A_570 {strides = array<i32>} : memref<256xf32, #tpu.memory_space<vmem>>, vector<16xf32>,
      %add3A_571 = arith.constant 2 : i32
      %add3A_572 = arith.addi %mul3A_546, %add3A_571 : i32
      %lt3A = arith.constant 16 : i32
      %lt3A_573 = arith.cmpi slt, %add3A_572, %lt3A : i32
      %convert_element_type3A = arith.extui %lt3A_573 : i1 to i32
      %cond3A = arith.constant 0 : i32
      %cond3A_574 = arith.cmpi ne, %convert_element_type3A, %cond3A : i32
      scf.if %cond3A_574 {
        %add3A_610 = arith.constant 2 : i32
        %add3A_611 = arith.addi %mul3A_546, %add3A_610 : i32
        %mul3A_612 = arith.constant 16 : i32
        %mul3A_613 = arith.muli %add3A_611, %mul3A_612 : i32
        %add3A_614 = arith.addi %add3A_4, %mul3A_613 : i32
        %dma_start3A_615 = arith.constant 0 : i32
        %dma_start3A_616 = arith.constant 0 : i32
        %dma_start3A_617 = tpu.memref_slice %arg5[%dma_start3A_615, %dma_start3A_616] : memref<32x1000xf32, #tpu.memory_space<vmem>> -> memref<16x1000xf32, #tpu.memory_space<vmem>>
        %dma_start3A_618 = arith.constant 0 : i32
        %dma_start3A_619 = tpu.memref_slice %arg2[%add3A_614, %dma_start3A_618] : memref<16384x1000xf32, #tpu.memory_space<hbm>> -> memref<16x1000xf32, #tpu.memory_space<hbm>>
        %dma_start3A_620 = arith.constant 0 : i32
        %dma_start3A_621 = arith.constant 0 : i32
        %dma_start3A_622 = tpu.memref_slice %arg5[%dma_start3A_620, %dma_start3A_621] : memref<32x1000xf32, #tpu.memory_space<vmem>> -> memref<16x1000xf32, #tpu.memory_space<vmem>>
        %dma_start3A_623 = arith.constant 0 : i32
        %dma_start3A_624 = tpu.memref_slice %arg2[%add3A_614, %dma_start3A_623] : memref<16384x1000xf32, #tpu.memory_space<hbm>> -> memref<16x1000xf32, #tpu.memory_space<hbm>>
        tpu.enqueue_dma source(%dma_start3A_624 : memref<16x1000xf32, #tpu.memory_space<hbm>>) target(%dma_start3A_622 : memref<16x1000xf32, #tpu.memory_space<vmem>>) target_semaphore(%arg8 : memref<!tpu.dma_semaphore, #tpu.memory_space<semaphore_mem>>)
      } else {
      }
      %dma_wait3A_575 = arith.constant 16 : i32
      %dma_wait3A_576 = arith.constant 0 : i32
      %dma_wait3A_577 = tpu.memref_slice %arg5[%dma_wait3A_575, %dma_wait3A_576] : memref<32x1000xf32, #tpu.memory_space<vmem>> -> memref<16x1000xf32, #tpu.memory_space<vmem>>
      %dma_wait3A_578 = arith.constant 0 : i32
      %dma_wait3A_579 = arith.constant 0 : i32
      %dma_wait3A_580 = tpu.memref_slice %arg2[%dma_wait3A_578, %dma_wait3A_579] : memref<16384x1000xf32, #tpu.memory_space<hbm>> -> memref<16x1000xf32, #tpu.memory_space<hbm>>
      %dma_wait3A_581 = arith.constant 16 : i32
      %dma_wait3A_582 = arith.constant 0 : i32
      %dma_wait3A_583 = tpu.memref_slice %arg5[%dma_wait3A_581, %dma_wait3A_582] : memref<32x1000xf32, #tpu.memory_space<vmem>> -> memref<16x1000xf32, #tpu.memory_space<vmem>>
      %dma_wait3A_584 = arith.constant 0 : i32
      %dma_wait3A_585 = arith.constant 0 : i32
      %dma_wait3A_586 = tpu.memref_slice %arg2[%dma_wait3A_584, %dma_wait3A_585] : memref<16384x1000xf32, #tpu.memory_space<hbm>> -> memref<16x1000xf32, #tpu.memory_space<hbm>>
      tpu.wait_dma2 semaphore(%arg9 : memref<!tpu.dma_semaphore, #tpu.memory_space<semaphore_mem>>) src(%dma_wait3A_586 : memref<16x1000xf32, #tpu.memory_space<hbm>>) dst(%dma_wait3A_583 : memref<16x1000xf32, #tpu.memory_space<vmem>>)
      %add3A_587 = arith.constant 1 : i32
      %add3A_588 = arith.addi %mul3A_546, %add3A_587 : i32
      %broadcast_in_dim3A_589 = arith.constant 0.000000e+00 : f32
      %broadcast_in_dim3A_590 = vector.broadcast %broadcast_in_dim3A_589 : f32 to vector<16xf32>
      %scan3A_591 = arith.constant 0 : i32
      %scan3A_592 = arith.constant 16 : i32
      %scan3A_593 = arith.addi %scan3A_591, %scan3A_592 : i32
      %scan3A_594 = arith.constant 1 : i32
      %scan3A_595 = scf.for %scan3A_610 = %scan3A_591 to %scan3A_593 step %scan3A_594 iter_args(%scan3A_611 = %broadcast_in_dim3A_590) -> (vector<16xf32>)  : i32 {
        %add3A_612 = arith.constant 16 : i32
        %add3A_613 = arith.addi %add3A_612, %scan3A_610 : i32
        %get3A_614 = arith.index_cast %add3A_613 : i32 to index
        %get3A_615 = arith.constant 0 : index
        %get3A_616 = tpu.vector_load %arg5[%get3A_614, %get3A_615] {strides = array<i32>} : memref<32x1000xf32, #tpu.memory_space<vmem>>, vector<1x16xf32>,
        %get3A_617 = vector.shape_cast %get3A_616 : vector<1x16xf32> to vector<16xf32>
        %get3A_618 = arith.index_cast %add3A_613 : i32 to index
        %get3A_619 = arith.constant 16 : index
        %get3A_620 = tpu.vector_load %arg5[%get3A_618, %get3A_619] {strides = array<i32>} : memref<32x1000xf32, #tpu.memory_space<vmem>>, vector<1x16xf32>,
        %get3A_621 = vector.shape_cast %get3A_620 : vector<1x16xf32> to vector<16xf32>
        %get3A_622 = arith.index_cast %add3A_613 : i32 to index
        %get3A_623 = arith.constant 32 : index
        %get3A_624 = tpu.vector_load %arg5[%get3A_622, %get3A_623] {strides = array<i32>} : memref<32x1000xf32, #tpu.memory_space<vmem>>, vector<1x16xf32>,
        %get3A_625 = vector.shape_cast %get3A_624 : vector<1x16xf32> to vector<16xf32>
        %get3A_626 = arith.index_cast %add3A_613 : i32 to index
        %get3A_627 = arith.constant 48 : index
        %get3A_628 = tpu.vector_load %arg5[%get3A_626, %get3A_627] {strides = array<i32>} : memref<32x1000xf32, #tpu.memory_space<vmem>>, vector<1x16xf32>,
        %get3A_629 = vector.shape_cast %get3A_628 : vector<1x16xf32> to vector<16xf32>
        %broadcast_in_dim3A_630 = arith.constant 0 : i32
        %broadcast_in_dim3A_631 = vector.broadcast %broadcast_in_dim3A_630 : i32 to vector<16xi32>
        %broadcast_in_dim3A_632 = arith.constant 1 : i32
        %broadcast_in_dim3A_633 = vector.broadcast %broadcast_in_dim3A_632 : i32 to vector<16xi32>
        %broadcast_in_dim3A_634 = arith.constant 2 : i32
        %broadcast_in_dim3A_635 = vector.broadcast %broadcast_in_dim3A_634 : i32 to vector<16xi32>
        %broadcast_in_dim3A_636 = arith.constant 3 : i32
        %broadcast_in_dim3A_637 = vector.broadcast %broadcast_in_dim3A_636 : i32 to vector<16xi32>
        %get3A_638 = arith.index_cast %add3A_613 : i32 to index
        %get3A_639 = arith.constant 64 : index
        %get3A_640 = tpu.vector_load %arg5[%get3A_638, %get3A_639] {strides = array<i32>} : memref<32x1000xf32, #tpu.memory_space<vmem>>, vector<1x16xf32>,
        %get3A_641 = vector.shape_cast %get3A_640 : vector<1x16xf32> to vector<16xf32>
        %gt3A = arith.cmpf ogt, %get3A_641, %get3A_617 : vector<16xf32>
        %select_n3A = arith.select %gt3A, %get3A_641, %get3A_617 : vector<16xi1>, vector<16xf32>
        %jit3A = arith.constant 4 : i32
        %broadcast_in_dim3A_642 = vector.broadcast %jit3A : i32 to vector<16xi32>
        %select_n3A_643 = arith.select %gt3A, %broadcast_in_dim3A_642, %broadcast_in_dim3A_631 : vector<16xi1>, vector<16xi32>
        %get3A_644 = arith.index_cast %add3A_613 : i32 to index
        %get3A_645 = arith.constant 80 : index
        %get3A_646 = tpu.vector_load %arg5[%get3A_644, %get3A_645] {strides = array<i32>} : memref<32x1000xf32, #tpu.memory_space<vmem>>, vector<1x16xf32>,
        %get3A_647 = vector.shape_cast %get3A_646 : vector<1x16xf32> to vector<16xf32>
        %gt3A_648 = arith.cmpf ogt, %get3A_647, %get3A_621 : vector<16xf32>
        %select_n3A_649 = arith.select %gt3A_648, %get3A_647, %get3A_621 : vector<16xi1>, vector<16xf32>
        %jit3A_650 = arith.constant 5 : i32
        %broadcast_in_dim3A_651 = vector.broadcast %jit3A_650 : i32 to vector<16xi32>
        %select_n3A_652 = arith.select %gt3A_648, %broadcast_in_dim3A_651, %broadcast_in_dim3A_633 : vector<16xi1>, vector<16xi32>
        %get3A_653 = arith.index_cast %add3A_613 : i32 to index
        %get3A_654 = arith.constant 96 : index
        %get3A_655 = tpu.vector_load %arg5[%get3A_653, %get3A_654] {strides = array<i32>} : memref<32x1000xf32, #tpu.memory_space<vmem>>, vector<1x16xf32>,
        %get3A_656 = vector.shape_cast %get3A_655 : vector<1x16xf32> to vector<16xf32>
        %gt3A_657 = arith.cmpf ogt, %get3A_656, %get3A_625 : vector<16xf32>
        %select_n3A_658 = arith.select %gt3A_657, %get3A_656, %get3A_625 : vector<16xi1>, vector<16xf32>
        %jit3A_659 = arith.constant 6 : i32
        %broadcast_in_dim3A_660 = vector.broadcast %jit3A_659 : i32 to vector<16xi32>
        %select_n3A_661 = arith.select %gt3A_657, %broadcast_in_dim3A_660, %broadcast_in_dim3A_635 : vector<16xi1>, vector<16xi32>
        %get3A_662 = arith.index_cast %add3A_613 : i32 to index
        %get3A_663 = arith.constant 112 : index
        %get3A_664 = tpu.vector_load %arg5[%get3A_662, %get3A_663] {strides = array<i32>} : memref<32x1000xf32, #tpu.memory_space<vmem>>, vector<1x16xf32>,
        %get3A_665 = vector.shape_cast %get3A_664 : vector<1x16xf32> to vector<16xf32>
        %gt3A_666 = arith.cmpf ogt, %get3A_665, %get3A_629 : vector<16xf32>
        %select_n3A_667 = arith.select %gt3A_666, %get3A_665, %get3A_629 : vector<16xi1>, vector<16xf32>
        %jit3A_668 = arith.constant 7 : i32
        %broadcast_in_dim3A_669 = vector.broadcast %jit3A_668 : i32 to vector<16xi32>
        %select_n3A_670 = arith.select %gt3A_666, %broadcast_in_dim3A_669, %broadcast_in_dim3A_637 : vector<16xi1>, vector<16xi32>
        %get3A_671 = arith.index_cast %add3A_613 : i32 to index
        %get3A_672 = arith.constant 128 : index
        %get3A_673 = tpu.vector_load %arg5[%get3A_671, %get3A_672] {strides = array<i32>} : memref<32x1000xf32, #tpu.memory_space<vmem>>, vector<1x16xf32>,
        %get3A_674 = vector.shape_cast %get3A_673 : vector<1x16xf32> to vector<16xf32>
        %gt3A_675 = arith.cmpf ogt, %get3A_674, %select_n3A : vector<16xf32>
        %select_n3A_676 = arith.select %gt3A_675, %get3A_674, %select_n3A : vector<16xi1>, vector<16xf32>
        %jit3A_677 = arith.constant 8 : i32
        %broadcast_in_dim3A_678 = vector.broadcast %jit3A_677 : i32 to vector<16xi32>
        %select_n3A_679 = arith.select %gt3A_675, %broadcast_in_dim3A_678, %select_n3A_643 : vector<16xi1>, vector<16xi32>
        %get3A_680 = arith.index_cast %add3A_613 : i32 to index
        %get3A_681 = arith.constant 144 : index
        %get3A_682 = tpu.vector_load %arg5[%get3A_680, %get3A_681] {strides = array<i32>} : memref<32x1000xf32, #tpu.memory_space<vmem>>, vector<1x16xf32>,
        %get3A_683 = vector.shape_cast %get3A_682 : vector<1x16xf32> to vector<16xf32>
        %gt3A_684 = arith.cmpf ogt, %get3A_683, %select_n3A_649 : vector<16xf32>
        %select_n3A_685 = arith.select %gt3A_684, %get3A_683, %select_n3A_649 : vector<16xi1>, vector<16xf32>
        %jit3A_686 = arith.constant 9 : i32
        %broadcast_in_dim3A_687 = vector.broadcast %jit3A_686 : i32 to vector<16xi32>
        %select_n3A_688 = arith.select %gt3A_684, %broadcast_in_dim3A_687, %select_n3A_652 : vector<16xi1>, vector<16xi32>
        %get3A_689 = arith.index_cast %add3A_613 : i32 to index
        %get3A_690 = arith.constant 160 : index
        %get3A_691 = tpu.vector_load %arg5[%get3A_689, %get3A_690] {strides = array<i32>} : memref<32x1000xf32, #tpu.memory_space<vmem>>, vector<1x16xf32>,
        %get3A_692 = vector.shape_cast %get3A_691 : vector<1x16xf32> to vector<16xf32>
        %gt3A_693 = arith.cmpf ogt, %get3A_692, %select_n3A_658 : vector<16xf32>
        %select_n3A_694 = arith.select %gt3A_693, %get3A_692, %select_n3A_658 : vector<16xi1>, vector<16xf32>
        %jit3A_695 = arith.constant 10 : i32
        %broadcast_in_dim3A_696 = vector.broadcast %jit3A_695 : i32 to vector<16xi32>
        %select_n3A_697 = arith.select %gt3A_693, %broadcast_in_dim3A_696, %select_n3A_661 : vector<16xi1>, vector<16xi32>
        %get3A_698 = arith.index_cast %add3A_613 : i32 to index
        %get3A_699 = arith.constant 176 : index
        %get3A_700 = tpu.vector_load %arg5[%get3A_698, %get3A_699] {strides = array<i32>} : memref<32x1000xf32, #tpu.memory_space<vmem>>, vector<1x16xf32>,
        %get3A_701 = vector.shape_cast %get3A_700 : vector<1x16xf32> to vector<16xf32>
        %gt3A_702 = arith.cmpf ogt, %get3A_701, %select_n3A_667 : vector<16xf32>
        %select_n3A_703 = arith.select %gt3A_702, %get3A_701, %select_n3A_667 : vector<16xi1>, vector<16xf32>
        %jit3A_704 = arith.constant 11 : i32
        %broadcast_in_dim3A_705 = vector.broadcast %jit3A_704 : i32 to vector<16xi32>
        %select_n3A_706 = arith.select %gt3A_702, %broadcast_in_dim3A_705, %select_n3A_670 : vector<16xi1>, vector<16xi32>
        %get3A_707 = arith.index_cast %add3A_613 : i32 to index
        %get3A_708 = arith.constant 192 : index
        %get3A_709 = tpu.vector_load %arg5[%get3A_707, %get3A_708] {strides = array<i32>} : memref<32x1000xf32, #tpu.memory_space<vmem>>, vector<1x16xf32>,
        %get3A_710 = vector.shape_cast %get3A_709 : vector<1x16xf32> to vector<16xf32>
        %gt3A_711 = arith.cmpf ogt, %get3A_710, %select_n3A_676 : vector<16xf32>
        %select_n3A_712 = arith.select %gt3A_711, %get3A_710, %select_n3A_676 : vector<16xi1>, vector<16xf32>
        %jit3A_713 = arith.constant 12 : i32
        %broadcast_in_dim3A_714 = vector.broadcast %jit3A_713 : i32 to vector<16xi32>
        %select_n3A_715 = arith.select %gt3A_711, %broadcast_in_dim3A_714, %select_n3A_679 : vector<16xi1>, vector<16xi32>
        %get3A_716 = arith.index_cast %add3A_613 : i32 to index
        %get3A_717 = arith.constant 208 : index
        %get3A_718 = tpu.vector_load %arg5[%get3A_716, %get3A_717] {strides = array<i32>} : memref<32x1000xf32, #tpu.memory_space<vmem>>, vector<1x16xf32>,
        %get3A_719 = vector.shape_cast %get3A_718 : vector<1x16xf32> to vector<16xf32>
        %gt3A_720 = arith.cmpf ogt, %get3A_719, %select_n3A_685 : vector<16xf32>
        %select_n3A_721 = arith.select %gt3A_720, %get3A_719, %select_n3A_685 : vector<16xi1>, vector<16xf32>
        %jit3A_722 = arith.constant 13 : i32
        %broadcast_in_dim3A_723 = vector.broadcast %jit3A_722 : i32 to vector<16xi32>
        %select_n3A_724 = arith.select %gt3A_720, %broadcast_in_dim3A_723, %select_n3A_688 : vector<16xi1>, vector<16xi32>
        %get3A_725 = arith.index_cast %add3A_613 : i32 to index
        %get3A_726 = arith.constant 224 : index
        %get3A_727 = tpu.vector_load %arg5[%get3A_725, %get3A_726] {strides = array<i32>} : memref<32x1000xf32, #tpu.memory_space<vmem>>, vector<1x16xf32>,
        %get3A_728 = vector.shape_cast %get3A_727 : vector<1x16xf32> to vector<16xf32>
        %gt3A_729 = arith.cmpf ogt, %get3A_728, %select_n3A_694 : vector<16xf32>
        %select_n3A_730 = arith.select %gt3A_729, %get3A_728, %select_n3A_694 : vector<16xi1>, vector<16xf32>
        %jit3A_731 = arith.constant 14 : i32
        %broadcast_in_dim3A_732 = vector.broadcast %jit3A_731 : i32 to vector<16xi32>
        %select_n3A_733 = arith.select %gt3A_729, %broadcast_in_dim3A_732, %select_n3A_697 : vector<16xi1>, vector<16xi32>
        %get3A_734 = arith.index_cast %add3A_613 : i32 to index
        %get3A_735 = arith.constant 240 : index
        %get3A_736 = tpu.vector_load %arg5[%get3A_734, %get3A_735] {strides = array<i32>} : memref<32x1000xf32, #tpu.memory_space<vmem>>, vector<1x16xf32>,
        %get3A_737 = vector.shape_cast %get3A_736 : vector<1x16xf32> to vector<16xf32>
        %gt3A_738 = arith.cmpf ogt, %get3A_737, %select_n3A_703 : vector<16xf32>
        %select_n3A_739 = arith.select %gt3A_738, %get3A_737, %select_n3A_703 : vector<16xi1>, vector<16xf32>
        %jit3A_740 = arith.constant 15 : i32
        %broadcast_in_dim3A_741 = vector.broadcast %jit3A_740 : i32 to vector<16xi32>
        %select_n3A_742 = arith.select %gt3A_738, %broadcast_in_dim3A_741, %select_n3A_706 : vector<16xi1>, vector<16xi32>
        %get3A_743 = arith.index_cast %add3A_613 : i32 to index
        %get3A_744 = arith.constant 256 : index
        %get3A_745 = tpu.vector_load %arg5[%get3A_743, %get3A_744] {strides = array<i32>} : memref<32x1000xf32, #tpu.memory_space<vmem>>, vector<1x16xf32>,
        %get3A_746 = vector.shape_cast %get3A_745 : vector<1x16xf32> to vector<16xf32>
        %gt3A_747 = arith.cmpf ogt, %get3A_746, %select_n3A_712 : vector<16xf32>
        %select_n3A_748 = arith.select %gt3A_747, %get3A_746, %select_n3A_712 : vector<16xi1>, vector<16xf32>
        %jit3A_749 = arith.constant 16 : i32
        %broadcast_in_dim3A_750 = vector.broadcast %jit3A_749 : i32 to vector<16xi32>
        %select_n3A_751 = arith.select %gt3A_747, %broadcast_in_dim3A_750, %select_n3A_715 : vector<16xi1>, vector<16xi32>
        %get3A_752 = arith.index_cast %add3A_613 : i32 to index
        %get3A_753 = arith.constant 272 : index
        %get3A_754 = tpu.vector_load %arg5[%get3A_752, %get3A_753] {strides = array<i32>} : memref<32x1000xf32, #tpu.memory_space<vmem>>, vector<1x16xf32>,
        %get3A_755 = vector.shape_cast %get3A_754 : vector<1x16xf32> to vector<16xf32>
        %gt3A_756 = arith.cmpf ogt, %get3A_755, %select_n3A_721 : vector<16xf32>
        %select_n3A_757 = arith.select %gt3A_756, %get3A_755, %select_n3A_721 : vector<16xi1>, vector<16xf32>
        %jit3A_758 = arith.constant 17 : i32
        %broadcast_in_dim3A_759 = vector.broadcast %jit3A_758 : i32 to vector<16xi32>
        %select_n3A_760 = arith.select %gt3A_756, %broadcast_in_dim3A_759, %select_n3A_724 : vector<16xi1>, vector<16xi32>
        %get3A_761 = arith.index_cast %add3A_613 : i32 to index
        %get3A_762 = arith.constant 288 : index
        %get3A_763 = tpu.vector_load %arg5[%get3A_761, %get3A_762] {strides = array<i32>} : memref<32x1000xf32, #tpu.memory_space<vmem>>, vector<1x16xf32>,
        %get3A_764 = vector.shape_cast %get3A_763 : vector<1x16xf32> to vector<16xf32>
        %gt3A_765 = arith.cmpf ogt, %get3A_764, %select_n3A_730 : vector<16xf32>
        %select_n3A_766 = arith.select %gt3A_765, %get3A_764, %select_n3A_730 : vector<16xi1>, vector<16xf32>
        %jit3A_767 = arith.constant 18 : i32
        %broadcast_in_dim3A_768 = vector.broadcast %jit3A_767 : i32 to vector<16xi32>
        %select_n3A_769 = arith.select %gt3A_765, %broadcast_in_dim3A_768, %select_n3A_733 : vector<16xi1>, vector<16xi32>
        %get3A_770 = arith.index_cast %add3A_613 : i32 to index
        %get3A_771 = arith.constant 304 : index
        %get3A_772 = tpu.vector_load %arg5[%get3A_770, %get3A_771] {strides = array<i32>} : memref<32x1000xf32, #tpu.memory_space<vmem>>, vector<1x16xf32>,
        %get3A_773 = vector.shape_cast %get3A_772 : vector<1x16xf32> to vector<16xf32>
        %gt3A_774 = arith.cmpf ogt, %get3A_773, %select_n3A_739 : vector<16xf32>
        %select_n3A_775 = arith.select %gt3A_774, %get3A_773, %select_n3A_739 : vector<16xi1>, vector<16xf32>
        %jit3A_776 = arith.constant 19 : i32
        %broadcast_in_dim3A_777 = vector.broadcast %jit3A_776 : i32 to vector<16xi32>
        %select_n3A_778 = arith.select %gt3A_774, %broadcast_in_dim3A_777, %select_n3A_742 : vector<16xi1>, vector<16xi32>
        %get3A_779 = arith.index_cast %add3A_613 : i32 to index
        %get3A_780 = arith.constant 320 : index
        %get3A_781 = tpu.vector_load %arg5[%get3A_779, %get3A_780] {strides = array<i32>} : memref<32x1000xf32, #tpu.memory_space<vmem>>, vector<1x16xf32>,
        %get3A_782 = vector.shape_cast %get3A_781 : vector<1x16xf32> to vector<16xf32>
        %gt3A_783 = arith.cmpf ogt, %get3A_782, %select_n3A_748 : vector<16xf32>
        %select_n3A_784 = arith.select %gt3A_783, %get3A_782, %select_n3A_748 : vector<16xi1>, vector<16xf32>
        %jit3A_785 = arith.constant 20 : i32
        %broadcast_in_dim3A_786 = vector.broadcast %jit3A_785 : i32 to vector<16xi32>
        %select_n3A_787 = arith.select %gt3A_783, %broadcast_in_dim3A_786, %select_n3A_751 : vector<16xi1>, vector<16xi32>
        %get3A_788 = arith.index_cast %add3A_613 : i32 to index
        %get3A_789 = arith.constant 336 : index
        %get3A_790 = tpu.vector_load %arg5[%get3A_788, %get3A_789] {strides = array<i32>} : memref<32x1000xf32, #tpu.memory_space<vmem>>, vector<1x16xf32>,
        %get3A_791 = vector.shape_cast %get3A_790 : vector<1x16xf32> to vector<16xf32>
        %gt3A_792 = arith.cmpf ogt, %get3A_791, %select_n3A_757 : vector<16xf32>
        %select_n3A_793 = arith.select %gt3A_792, %get3A_791, %select_n3A_757 : vector<16xi1>, vector<16xf32>
        %jit3A_794 = arith.constant 21 : i32
        %broadcast_in_dim3A_795 = vector.broadcast %jit3A_794 : i32 to vector<16xi32>
        %select_n3A_796 = arith.select %gt3A_792, %broadcast_in_dim3A_795, %select_n3A_760 : vector<16xi1>, vector<16xi32>
        %get3A_797 = arith.index_cast %add3A_613 : i32 to index
        %get3A_798 = arith.constant 352 : index
        %get3A_799 = tpu.vector_load %arg5[%get3A_797, %get3A_798] {strides = array<i32>} : memref<32x1000xf32, #tpu.memory_space<vmem>>, vector<1x16xf32>,
        %get3A_800 = vector.shape_cast %get3A_799 : vector<1x16xf32> to vector<16xf32>
        %gt3A_801 = arith.cmpf ogt, %get3A_800, %select_n3A_766 : vector<16xf32>
        %select_n3A_802 = arith.select %gt3A_801, %get3A_800, %select_n3A_766 : vector<16xi1>, vector<16xf32>
        %jit3A_803 = arith.constant 22 : i32
        %broadcast_in_dim3A_804 = vector.broadcast %jit3A_803 : i32 to vector<16xi32>
        %select_n3A_805 = arith.select %gt3A_801, %broadcast_in_dim3A_804, %select_n3A_769 : vector<16xi1>, vector<16xi32>
        %get3A_806 = arith.index_cast %add3A_613 : i32 to index
        %get3A_807 = arith.constant 368 : index
        %get3A_808 = tpu.vector_load %arg5[%get3A_806, %get3A_807] {strides = array<i32>} : memref<32x1000xf32, #tpu.memory_space<vmem>>, vector<1x16xf32>,
        %get3A_809 = vector.shape_cast %get3A_808 : vector<1x16xf32> to vector<16xf32>
        %gt3A_810 = arith.cmpf ogt, %get3A_809, %select_n3A_775 : vector<16xf32>
        %select_n3A_811 = arith.select %gt3A_810, %get3A_809, %select_n3A_775 : vector<16xi1>, vector<16xf32>
        %jit3A_812 = arith.constant 23 : i32
        %broadcast_in_dim3A_813 = vector.broadcast %jit3A_812 : i32 to vector<16xi32>
        %select_n3A_814 = arith.select %gt3A_810, %broadcast_in_dim3A_813, %select_n3A_778 : vector<16xi1>, vector<16xi32>
        %get3A_815 = arith.index_cast %add3A_613 : i32 to index
        %get3A_816 = arith.constant 384 : index
        %get3A_817 = tpu.vector_load %arg5[%get3A_815, %get3A_816] {strides = array<i32>} : memref<32x1000xf32, #tpu.memory_space<vmem>>, vector<1x16xf32>,
        %get3A_818 = vector.shape_cast %get3A_817 : vector<1x16xf32> to vector<16xf32>
        %gt3A_819 = arith.cmpf ogt, %get3A_818, %select_n3A_784 : vector<16xf32>
        %select_n3A_820 = arith.select %gt3A_819, %get3A_818, %select_n3A_784 : vector<16xi1>, vector<16xf32>
        %jit3A_821 = arith.constant 24 : i32
        %broadcast_in_dim3A_822 = vector.broadcast %jit3A_821 : i32 to vector<16xi32>
        %select_n3A_823 = arith.select %gt3A_819, %broadcast_in_dim3A_822, %select_n3A_787 : vector<16xi1>, vector<16xi32>
        %get3A_824 = arith.index_cast %add3A_613 : i32 to index
        %get3A_825 = arith.constant 400 : index
        %get3A_826 = tpu.vector_load %arg5[%get3A_824, %get3A_825] {strides = array<i32>} : memref<32x1000xf32, #tpu.memory_space<vmem>>, vector<1x16xf32>,
        %get3A_827 = vector.shape_cast %get3A_826 : vector<1x16xf32> to vector<16xf32>
        %gt3A_828 = arith.cmpf ogt, %get3A_827, %select_n3A_793 : vector<16xf32>
        %select_n3A_829 = arith.select %gt3A_828, %get3A_827, %select_n3A_793 : vector<16xi1>, vector<16xf32>
        %jit3A_830 = arith.constant 25 : i32
        %broadcast_in_dim3A_831 = vector.broadcast %jit3A_830 : i32 to vector<16xi32>
        %select_n3A_832 = arith.select %gt3A_828, %broadcast_in_dim3A_831, %select_n3A_796 : vector<16xi1>, vector<16xi32>
        %get3A_833 = arith.index_cast %add3A_613 : i32 to index
        %get3A_834 = arith.constant 416 : index
        %get3A_835 = tpu.vector_load %arg5[%get3A_833, %get3A_834] {strides = array<i32>} : memref<32x1000xf32, #tpu.memory_space<vmem>>, vector<1x16xf32>,
        %get3A_836 = vector.shape_cast %get3A_835 : vector<1x16xf32> to vector<16xf32>
        %gt3A_837 = arith.cmpf ogt, %get3A_836, %select_n3A_802 : vector<16xf32>
        %select_n3A_838 = arith.select %gt3A_837, %get3A_836, %select_n3A_802 : vector<16xi1>, vector<16xf32>
        %jit3A_839 = arith.constant 26 : i32
        %broadcast_in_dim3A_840 = vector.broadcast %jit3A_839 : i32 to vector<16xi32>
        %select_n3A_841 = arith.select %gt3A_837, %broadcast_in_dim3A_840, %select_n3A_805 : vector<16xi1>, vector<16xi32>
        %get3A_842 = arith.index_cast %add3A_613 : i32 to index
        %get3A_843 = arith.constant 432 : index
        %get3A_844 = tpu.vector_load %arg5[%get3A_842, %get3A_843] {strides = array<i32>} : memref<32x1000xf32, #tpu.memory_space<vmem>>, vector<1x16xf32>,
        %get3A_845 = vector.shape_cast %get3A_844 : vector<1x16xf32> to vector<16xf32>
        %gt3A_846 = arith.cmpf ogt, %get3A_845, %select_n3A_811 : vector<16xf32>
        %select_n3A_847 = arith.select %gt3A_846, %get3A_845, %select_n3A_811 : vector<16xi1>, vector<16xf32>
        %jit3A_848 = arith.constant 27 : i32
        %broadcast_in_dim3A_849 = vector.broadcast %jit3A_848 : i32 to vector<16xi32>
        %select_n3A_850 = arith.select %gt3A_846, %broadcast_in_dim3A_849, %select_n3A_814 : vector<16xi1>, vector<16xi32>
        %get3A_851 = arith.index_cast %add3A_613 : i32 to index
        %get3A_852 = arith.constant 448 : index
        %get3A_853 = tpu.vector_load %arg5[%get3A_851, %get3A_852] {strides = array<i32>} : memref<32x1000xf32, #tpu.memory_space<vmem>>, vector<1x16xf32>,
        %get3A_854 = vector.shape_cast %get3A_853 : vector<1x16xf32> to vector<16xf32>
        %gt3A_855 = arith.cmpf ogt, %get3A_854, %select_n3A_820 : vector<16xf32>
        %select_n3A_856 = arith.select %gt3A_855, %get3A_854, %select_n3A_820 : vector<16xi1>, vector<16xf32>
        %jit3A_857 = arith.constant 28 : i32
        %broadcast_in_dim3A_858 = vector.broadcast %jit3A_857 : i32 to vector<16xi32>
        %select_n3A_859 = arith.select %gt3A_855, %broadcast_in_dim3A_858, %select_n3A_823 : vector<16xi1>, vector<16xi32>
        %get3A_860 = arith.index_cast %add3A_613 : i32 to index
        %get3A_861 = arith.constant 464 : index
        %get3A_862 = tpu.vector_load %arg5[%get3A_860, %get3A_861] {strides = array<i32>} : memref<32x1000xf32, #tpu.memory_space<vmem>>, vector<1x16xf32>,
        %get3A_863 = vector.shape_cast %get3A_862 : vector<1x16xf32> to vector<16xf32>
        %gt3A_864 = arith.cmpf ogt, %get3A_863, %select_n3A_829 : vector<16xf32>
        %select_n3A_865 = arith.select %gt3A_864, %get3A_863, %select_n3A_829 : vector<16xi1>, vector<16xf32>
        %jit3A_866 = arith.constant 29 : i32
        %broadcast_in_dim3A_867 = vector.broadcast %jit3A_866 : i32 to vector<16xi32>
        %select_n3A_868 = arith.select %gt3A_864, %broadcast_in_dim3A_867, %select_n3A_832 : vector<16xi1>, vector<16xi32>
        %get3A_869 = arith.index_cast %add3A_613 : i32 to index
        %get3A_870 = arith.constant 480 : index
        %get3A_871 = tpu.vector_load %arg5[%get3A_869, %get3A_870] {strides = array<i32>} : memref<32x1000xf32, #tpu.memory_space<vmem>>, vector<1x16xf32>,
        %get3A_872 = vector.shape_cast %get3A_871 : vector<1x16xf32> to vector<16xf32>
        %gt3A_873 = arith.cmpf ogt, %get3A_872, %select_n3A_838 : vector<16xf32>
        %select_n3A_874 = arith.select %gt3A_873, %get3A_872, %select_n3A_838 : vector<16xi1>, vector<16xf32>
        %jit3A_875 = arith.constant 30 : i32
        %broadcast_in_dim3A_876 = vector.broadcast %jit3A_875 : i32 to vector<16xi32>
        %select_n3A_877 = arith.select %gt3A_873, %broadcast_in_dim3A_876, %select_n3A_841 : vector<16xi1>, vector<16xi32>
        %get3A_878 = arith.index_cast %add3A_613 : i32 to index
        %get3A_879 = arith.constant 496 : index
        %get3A_880 = tpu.vector_load %arg5[%get3A_878, %get3A_879] {strides = array<i32>} : memref<32x1000xf32, #tpu.memory_space<vmem>>, vector<1x16xf32>,
        %get3A_881 = vector.shape_cast %get3A_880 : vector<1x16xf32> to vector<16xf32>
        %gt3A_882 = arith.cmpf ogt, %get3A_881, %select_n3A_847 : vector<16xf32>
        %select_n3A_883 = arith.select %gt3A_882, %get3A_881, %select_n3A_847 : vector<16xi1>, vector<16xf32>
        %jit3A_884 = arith.constant 31 : i32
        %broadcast_in_dim3A_885 = vector.broadcast %jit3A_884 : i32 to vector<16xi32>
        %select_n3A_886 = arith.select %gt3A_882, %broadcast_in_dim3A_885, %select_n3A_850 : vector<16xi1>, vector<16xi32>
        %get3A_887 = arith.index_cast %add3A_613 : i32 to index
        %get3A_888 = arith.constant 512 : index
        %get3A_889 = tpu.vector_load %arg5[%get3A_887, %get3A_888] {strides = array<i32>} : memref<32x1000xf32, #tpu.memory_space<vmem>>, vector<1x16xf32>,
        %get3A_890 = vector.shape_cast %get3A_889 : vector<1x16xf32> to vector<16xf32>
        %gt3A_891 = arith.cmpf ogt, %get3A_890, %select_n3A_856 : vector<16xf32>
        %select_n3A_892 = arith.select %gt3A_891, %get3A_890, %select_n3A_856 : vector<16xi1>, vector<16xf32>
        %jit3A_893 = arith.constant 32 : i32
        %broadcast_in_dim3A_894 = vector.broadcast %jit3A_893 : i32 to vector<16xi32>
        %select_n3A_895 = arith.select %gt3A_891, %broadcast_in_dim3A_894, %select_n3A_859 : vector<16xi1>, vector<16xi32>
        %get3A_896 = arith.index_cast %add3A_613 : i32 to index
        %get3A_897 = arith.constant 528 : index
        %get3A_898 = tpu.vector_load %arg5[%get3A_896, %get3A_897] {strides = array<i32>} : memref<32x1000xf32, #tpu.memory_space<vmem>>, vector<1x16xf32>,
        %get3A_899 = vector.shape_cast %get3A_898 : vector<1x16xf32> to vector<16xf32>
        %gt3A_900 = arith.cmpf ogt, %get3A_899, %select_n3A_865 : vector<16xf32>
        %select_n3A_901 = arith.select %gt3A_900, %get3A_899, %select_n3A_865 : vector<16xi1>, vector<16xf32>
        %jit3A_902 = arith.constant 33 : i32
        %broadcast_in_dim3A_903 = vector.broadcast %jit3A_902 : i32 to vector<16xi32>
        %select_n3A_904 = arith.select %gt3A_900, %broadcast_in_dim3A_903, %select_n3A_868 : vector<16xi1>, vector<16xi32>
        %get3A_905 = arith.index_cast %add3A_613 : i32 to index
        %get3A_906 = arith.constant 544 : index
        %get3A_907 = tpu.vector_load %arg5[%get3A_905, %get3A_906] {strides = array<i32>} : memref<32x1000xf32, #tpu.memory_space<vmem>>, vector<1x16xf32>,
        %get3A_908 = vector.shape_cast %get3A_907 : vector<1x16xf32> to vector<16xf32>
        %gt3A_909 = arith.cmpf ogt, %get3A_908, %select_n3A_874 : vector<16xf32>
        %select_n3A_910 = arith.select %gt3A_909, %get3A_908, %select_n3A_874 : vector<16xi1>, vector<16xf32>
        %jit3A_911 = arith.constant 34 : i32
        %broadcast_in_dim3A_912 = vector.broadcast %jit3A_911 : i32 to vector<16xi32>
        %select_n3A_913 = arith.select %gt3A_909, %broadcast_in_dim3A_912, %select_n3A_877 : vector<16xi1>, vector<16xi32>
        %get3A_914 = arith.index_cast %add3A_613 : i32 to index
        %get3A_915 = arith.constant 560 : index
        %get3A_916 = tpu.vector_load %arg5[%get3A_914, %get3A_915] {strides = array<i32>} : memref<32x1000xf32, #tpu.memory_space<vmem>>, vector<1x16xf32>,
        %get3A_917 = vector.shape_cast %get3A_916 : vector<1x16xf32> to vector<16xf32>
        %gt3A_918 = arith.cmpf ogt, %get3A_917, %select_n3A_883 : vector<16xf32>
        %select_n3A_919 = arith.select %gt3A_918, %get3A_917, %select_n3A_883 : vector<16xi1>, vector<16xf32>
        %jit3A_920 = arith.constant 35 : i32
        %broadcast_in_dim3A_921 = vector.broadcast %jit3A_920 : i32 to vector<16xi32>
        %select_n3A_922 = arith.select %gt3A_918, %broadcast_in_dim3A_921, %select_n3A_886 : vector<16xi1>, vector<16xi32>
        %get3A_923 = arith.index_cast %add3A_613 : i32 to index
        %get3A_924 = arith.constant 576 : index
        %get3A_925 = tpu.vector_load %arg5[%get3A_923, %get3A_924] {strides = array<i32>} : memref<32x1000xf32, #tpu.memory_space<vmem>>, vector<1x16xf32>,
        %get3A_926 = vector.shape_cast %get3A_925 : vector<1x16xf32> to vector<16xf32>
        %gt3A_927 = arith.cmpf ogt, %get3A_926, %select_n3A_892 : vector<16xf32>
        %select_n3A_928 = arith.select %gt3A_927, %get3A_926, %select_n3A_892 : vector<16xi1>, vector<16xf32>
        %jit3A_929 = arith.constant 36 : i32
        %broadcast_in_dim3A_930 = vector.broadcast %jit3A_929 : i32 to vector<16xi32>
        %select_n3A_931 = arith.select %gt3A_927, %broadcast_in_dim3A_930, %select_n3A_895 : vector<16xi1>, vector<16xi32>
        %get3A_932 = arith.index_cast %add3A_613 : i32 to index
        %get3A_933 = arith.constant 592 : index
        %get3A_934 = tpu.vector_load %arg5[%get3A_932, %get3A_933] {strides = array<i32>} : memref<32x1000xf32, #tpu.memory_space<vmem>>, vector<1x16xf32>,
        %get3A_935 = vector.shape_cast %get3A_934 : vector<1x16xf32> to vector<16xf32>
        %gt3A_936 = arith.cmpf ogt, %get3A_935, %select_n3A_901 : vector<16xf32>
        %select_n3A_937 = arith.select %gt3A_936, %get3A_935, %select_n3A_901 : vector<16xi1>, vector<16xf32>
        %jit3A_938 = arith.constant 37 : i32
        %broadcast_in_dim3A_939 = vector.broadcast %jit3A_938 : i32 to vector<16xi32>
        %select_n3A_940 = arith.select %gt3A_936, %broadcast_in_dim3A_939, %select_n3A_904 : vector<16xi1>, vector<16xi32>
        %get3A_941 = arith.index_cast %add3A_613 : i32 to index
        %get3A_942 = arith.constant 608 : index
        %get3A_943 = tpu.vector_load %arg5[%get3A_941, %get3A_942] {strides = array<i32>} : memref<32x1000xf32, #tpu.memory_space<vmem>>, vector<1x16xf32>,
        %get3A_944 = vector.shape_cast %get3A_943 : vector<1x16xf32> to vector<16xf32>
        %gt3A_945 = arith.cmpf ogt, %get3A_944, %select_n3A_910 : vector<16xf32>
        %select_n3A_946 = arith.select %gt3A_945, %get3A_944, %select_n3A_910 : vector<16xi1>, vector<16xf32>
        %jit3A_947 = arith.constant 38 : i32
        %broadcast_in_dim3A_948 = vector.broadcast %jit3A_947 : i32 to vector<16xi32>
        %select_n3A_949 = arith.select %gt3A_945, %broadcast_in_dim3A_948, %select_n3A_913 : vector<16xi1>, vector<16xi32>
        %get3A_950 = arith.index_cast %add3A_613 : i32 to index
        %get3A_951 = arith.constant 624 : index
        %get3A_952 = tpu.vector_load %arg5[%get3A_950, %get3A_951] {strides = array<i32>} : memref<32x1000xf32, #tpu.memory_space<vmem>>, vector<1x16xf32>,
        %get3A_953 = vector.shape_cast %get3A_952 : vector<1x16xf32> to vector<16xf32>
        %gt3A_954 = arith.cmpf ogt, %get3A_953, %select_n3A_919 : vector<16xf32>
        %select_n3A_955 = arith.select %gt3A_954, %get3A_953, %select_n3A_919 : vector<16xi1>, vector<16xf32>
        %jit3A_956 = arith.constant 39 : i32
        %broadcast_in_dim3A_957 = vector.broadcast %jit3A_956 : i32 to vector<16xi32>
        %select_n3A_958 = arith.select %gt3A_954, %broadcast_in_dim3A_957, %select_n3A_922 : vector<16xi1>, vector<16xi32>
        %get3A_959 = arith.index_cast %add3A_613 : i32 to index
        %get3A_960 = arith.constant 640 : index
        %get3A_961 = tpu.vector_load %arg5[%get3A_959, %get3A_960] {strides = array<i32>} : memref<32x1000xf32, #tpu.memory_space<vmem>>, vector<1x16xf32>,
        %get3A_962 = vector.shape_cast %get3A_961 : vector<1x16xf32> to vector<16xf32>
        %gt3A_963 = arith.cmpf ogt, %get3A_962, %select_n3A_928 : vector<16xf32>
        %select_n3A_964 = arith.select %gt3A_963, %get3A_962, %select_n3A_928 : vector<16xi1>, vector<16xf32>
        %jit3A_965 = arith.constant 40 : i32
        %broadcast_in_dim3A_966 = vector.broadcast %jit3A_965 : i32 to vector<16xi32>
        %select_n3A_967 = arith.select %gt3A_963, %broadcast_in_dim3A_966, %select_n3A_931 : vector<16xi1>, vector<16xi32>
        %get3A_968 = arith.index_cast %add3A_613 : i32 to index
        %get3A_969 = arith.constant 656 : index
        %get3A_970 = tpu.vector_load %arg5[%get3A_968, %get3A_969] {strides = array<i32>} : memref<32x1000xf32, #tpu.memory_space<vmem>>, vector<1x16xf32>,
        %get3A_971 = vector.shape_cast %get3A_970 : vector<1x16xf32> to vector<16xf32>
        %gt3A_972 = arith.cmpf ogt, %get3A_971, %select_n3A_937 : vector<16xf32>
        %select_n3A_973 = arith.select %gt3A_972, %get3A_971, %select_n3A_937 : vector<16xi1>, vector<16xf32>
        %jit3A_974 = arith.constant 41 : i32
        %broadcast_in_dim3A_975 = vector.broadcast %jit3A_974 : i32 to vector<16xi32>
        %select_n3A_976 = arith.select %gt3A_972, %broadcast_in_dim3A_975, %select_n3A_940 : vector<16xi1>, vector<16xi32>
        %get3A_977 = arith.index_cast %add3A_613 : i32 to index
        %get3A_978 = arith.constant 672 : index
        %get3A_979 = tpu.vector_load %arg5[%get3A_977, %get3A_978] {strides = array<i32>} : memref<32x1000xf32, #tpu.memory_space<vmem>>, vector<1x16xf32>,
        %get3A_980 = vector.shape_cast %get3A_979 : vector<1x16xf32> to vector<16xf32>
        %gt3A_981 = arith.cmpf ogt, %get3A_980, %select_n3A_946 : vector<16xf32>
        %select_n3A_982 = arith.select %gt3A_981, %get3A_980, %select_n3A_946 : vector<16xi1>, vector<16xf32>
        %jit3A_983 = arith.constant 42 : i32
        %broadcast_in_dim3A_984 = vector.broadcast %jit3A_983 : i32 to vector<16xi32>
        %select_n3A_985 = arith.select %gt3A_981, %broadcast_in_dim3A_984, %select_n3A_949 : vector<16xi1>, vector<16xi32>
        %get3A_986 = arith.index_cast %add3A_613 : i32 to index
        %get3A_987 = arith.constant 688 : index
        %get3A_988 = tpu.vector_load %arg5[%get3A_986, %get3A_987] {strides = array<i32>} : memref<32x1000xf32, #tpu.memory_space<vmem>>, vector<1x16xf32>,
        %get3A_989 = vector.shape_cast %get3A_988 : vector<1x16xf32> to vector<16xf32>
        %gt3A_990 = arith.cmpf ogt, %get3A_989, %select_n3A_955 : vector<16xf32>
        %select_n3A_991 = arith.select %gt3A_990, %get3A_989, %select_n3A_955 : vector<16xi1>, vector<16xf32>
        %jit3A_992 = arith.constant 43 : i32
        %broadcast_in_dim3A_993 = vector.broadcast %jit3A_992 : i32 to vector<16xi32>
        %select_n3A_994 = arith.select %gt3A_990, %broadcast_in_dim3A_993, %select_n3A_958 : vector<16xi1>, vector<16xi32>
        %get3A_995 = arith.index_cast %add3A_613 : i32 to index
        %get3A_996 = arith.constant 704 : index
        %get3A_997 = tpu.vector_load %arg5[%get3A_995, %get3A_996] {strides = array<i32>} : memref<32x1000xf32, #tpu.memory_space<vmem>>, vector<1x16xf32>,
        %get3A_998 = vector.shape_cast %get3A_997 : vector<1x16xf32> to vector<16xf32>
        %gt3A_999 = arith.cmpf ogt, %get3A_998, %select_n3A_964 : vector<16xf32>
        %select_n3A_1000 = arith.select %gt3A_999, %get3A_998, %select_n3A_964 : vector<16xi1>, vector<16xf32>
        %jit3A_1001 = arith.constant 44 : i32
        %broadcast_in_dim3A_1002 = vector.broadcast %jit3A_1001 : i32 to vector<16xi32>
        %select_n3A_1003 = arith.select %gt3A_999, %broadcast_in_dim3A_1002, %select_n3A_967 : vector<16xi1>, vector<16xi32>
        %get3A_1004 = arith.index_cast %add3A_613 : i32 to index
        %get3A_1005 = arith.constant 720 : index
        %get3A_1006 = tpu.vector_load %arg5[%get3A_1004, %get3A_1005] {strides = array<i32>} : memref<32x1000xf32, #tpu.memory_space<vmem>>, vector<1x16xf32>,
        %get3A_1007 = vector.shape_cast %get3A_1006 : vector<1x16xf32> to vector<16xf32>
        %gt3A_1008 = arith.cmpf ogt, %get3A_1007, %select_n3A_973 : vector<16xf32>
        %select_n3A_1009 = arith.select %gt3A_1008, %get3A_1007, %select_n3A_973 : vector<16xi1>, vector<16xf32>
        %jit3A_1010 = arith.constant 45 : i32
        %broadcast_in_dim3A_1011 = vector.broadcast %jit3A_1010 : i32 to vector<16xi32>
        %select_n3A_1012 = arith.select %gt3A_1008, %broadcast_in_dim3A_1011, %select_n3A_976 : vector<16xi1>, vector<16xi32>
        %get3A_1013 = arith.index_cast %add3A_613 : i32 to index
        %get3A_1014 = arith.constant 736 : index
        %get3A_1015 = tpu.vector_load %arg5[%get3A_1013, %get3A_1014] {strides = array<i32>} : memref<32x1000xf32, #tpu.memory_space<vmem>>, vector<1x16xf32>,
        %get3A_1016 = vector.shape_cast %get3A_1015 : vector<1x16xf32> to vector<16xf32>
        %gt3A_1017 = arith.cmpf ogt, %get3A_1016, %select_n3A_982 : vector<16xf32>
        %select_n3A_1018 = arith.select %gt3A_1017, %get3A_1016, %select_n3A_982 : vector<16xi1>, vector<16xf32>
        %jit3A_1019 = arith.constant 46 : i32
        %broadcast_in_dim3A_1020 = vector.broadcast %jit3A_1019 : i32 to vector<16xi32>
        %select_n3A_1021 = arith.select %gt3A_1017, %broadcast_in_dim3A_1020, %select_n3A_985 : vector<16xi1>, vector<16xi32>
        %get3A_1022 = arith.index_cast %add3A_613 : i32 to index
        %get3A_1023 = arith.constant 752 : index
        %get3A_1024 = tpu.vector_load %arg5[%get3A_1022, %get3A_1023] {strides = array<i32>} : memref<32x1000xf32, #tpu.memory_space<vmem>>, vector<1x16xf32>,
        %get3A_1025 = vector.shape_cast %get3A_1024 : vector<1x16xf32> to vector<16xf32>
        %gt3A_1026 = arith.cmpf ogt, %get3A_1025, %select_n3A_991 : vector<16xf32>
        %select_n3A_1027 = arith.select %gt3A_1026, %get3A_1025, %select_n3A_991 : vector<16xi1>, vector<16xf32>
        %jit3A_1028 = arith.constant 47 : i32
        %broadcast_in_dim3A_1029 = vector.broadcast %jit3A_1028 : i32 to vector<16xi32>
        %select_n3A_1030 = arith.select %gt3A_1026, %broadcast_in_dim3A_1029, %select_n3A_994 : vector<16xi1>, vector<16xi32>
        %get3A_1031 = arith.index_cast %add3A_613 : i32 to index
        %get3A_1032 = arith.constant 768 : index
        %get3A_1033 = tpu.vector_load %arg5[%get3A_1031, %get3A_1032] {strides = array<i32>} : memref<32x1000xf32, #tpu.memory_space<vmem>>, vector<1x16xf32>,
        %get3A_1034 = vector.shape_cast %get3A_1033 : vector<1x16xf32> to vector<16xf32>
        %gt3A_1035 = arith.cmpf ogt, %get3A_1034, %select_n3A_1000 : vector<16xf32>
        %select_n3A_1036 = arith.select %gt3A_1035, %get3A_1034, %select_n3A_1000 : vector<16xi1>, vector<16xf32>
        %jit3A_1037 = arith.constant 48 : i32
        %broadcast_in_dim3A_1038 = vector.broadcast %jit3A_1037 : i32 to vector<16xi32>
        %select_n3A_1039 = arith.select %gt3A_1035, %broadcast_in_dim3A_1038, %select_n3A_1003 : vector<16xi1>, vector<16xi32>
        %get3A_1040 = arith.index_cast %add3A_613 : i32 to index
        %get3A_1041 = arith.constant 784 : index
        %get3A_1042 = tpu.vector_load %arg5[%get3A_1040, %get3A_1041] {strides = array<i32>} : memref<32x1000xf32, #tpu.memory_space<vmem>>, vector<1x16xf32>,
        %get3A_1043 = vector.shape_cast %get3A_1042 : vector<1x16xf32> to vector<16xf32>
        %gt3A_1044 = arith.cmpf ogt, %get3A_1043, %select_n3A_1009 : vector<16xf32>
        %select_n3A_1045 = arith.select %gt3A_1044, %get3A_1043, %select_n3A_1009 : vector<16xi1>, vector<16xf32>
        %jit3A_1046 = arith.constant 49 : i32
        %broadcast_in_dim3A_1047 = vector.broadcast %jit3A_1046 : i32 to vector<16xi32>
        %select_n3A_1048 = arith.select %gt3A_1044, %broadcast_in_dim3A_1047, %select_n3A_1012 : vector<16xi1>, vector<16xi32>
        %get3A_1049 = arith.index_cast %add3A_613 : i32 to index
        %get3A_1050 = arith.constant 800 : index
        %get3A_1051 = tpu.vector_load %arg5[%get3A_1049, %get3A_1050] {strides = array<i32>} : memref<32x1000xf32, #tpu.memory_space<vmem>>, vector<1x16xf32>,
        %get3A_1052 = vector.shape_cast %get3A_1051 : vector<1x16xf32> to vector<16xf32>
        %gt3A_1053 = arith.cmpf ogt, %get3A_1052, %select_n3A_1018 : vector<16xf32>
        %select_n3A_1054 = arith.select %gt3A_1053, %get3A_1052, %select_n3A_1018 : vector<16xi1>, vector<16xf32>
        %jit3A_1055 = arith.constant 50 : i32
        %broadcast_in_dim3A_1056 = vector.broadcast %jit3A_1055 : i32 to vector<16xi32>
        %select_n3A_1057 = arith.select %gt3A_1053, %broadcast_in_dim3A_1056, %select_n3A_1021 : vector<16xi1>, vector<16xi32>
        %get3A_1058 = arith.index_cast %add3A_613 : i32 to index
        %get3A_1059 = arith.constant 816 : index
        %get3A_1060 = tpu.vector_load %arg5[%get3A_1058, %get3A_1059] {strides = array<i32>} : memref<32x1000xf32, #tpu.memory_space<vmem>>, vector<1x16xf32>,
        %get3A_1061 = vector.shape_cast %get3A_1060 : vector<1x16xf32> to vector<16xf32>
        %gt3A_1062 = arith.cmpf ogt, %get3A_1061, %select_n3A_1027 : vector<16xf32>
        %select_n3A_1063 = arith.select %gt3A_1062, %get3A_1061, %select_n3A_1027 : vector<16xi1>, vector<16xf32>
        %jit3A_1064 = arith.constant 51 : i32
        %broadcast_in_dim3A_1065 = vector.broadcast %jit3A_1064 : i32 to vector<16xi32>
        %select_n3A_1066 = arith.select %gt3A_1062, %broadcast_in_dim3A_1065, %select_n3A_1030 : vector<16xi1>, vector<16xi32>
        %get3A_1067 = arith.index_cast %add3A_613 : i32 to index
        %get3A_1068 = arith.constant 832 : index
        %get3A_1069 = tpu.vector_load %arg5[%get3A_1067, %get3A_1068] {strides = array<i32>} : memref<32x1000xf32, #tpu.memory_space<vmem>>, vector<1x16xf32>,
        %get3A_1070 = vector.shape_cast %get3A_1069 : vector<1x16xf32> to vector<16xf32>
        %gt3A_1071 = arith.cmpf ogt, %get3A_1070, %select_n3A_1036 : vector<16xf32>
        %select_n3A_1072 = arith.select %gt3A_1071, %get3A_1070, %select_n3A_1036 : vector<16xi1>, vector<16xf32>
        %jit3A_1073 = arith.constant 52 : i32
        %broadcast_in_dim3A_1074 = vector.broadcast %jit3A_1073 : i32 to vector<16xi32>
        %select_n3A_1075 = arith.select %gt3A_1071, %broadcast_in_dim3A_1074, %select_n3A_1039 : vector<16xi1>, vector<16xi32>
        %get3A_1076 = arith.index_cast %add3A_613 : i32 to index
        %get3A_1077 = arith.constant 848 : index
        %get3A_1078 = tpu.vector_load %arg5[%get3A_1076, %get3A_1077] {strides = array<i32>} : memref<32x1000xf32, #tpu.memory_space<vmem>>, vector<1x16xf32>,
        %get3A_1079 = vector.shape_cast %get3A_1078 : vector<1x16xf32> to vector<16xf32>
        %gt3A_1080 = arith.cmpf ogt, %get3A_1079, %select_n3A_1045 : vector<16xf32>
        %select_n3A_1081 = arith.select %gt3A_1080, %get3A_1079, %select_n3A_1045 : vector<16xi1>, vector<16xf32>
        %jit3A_1082 = arith.constant 53 : i32
        %broadcast_in_dim3A_1083 = vector.broadcast %jit3A_1082 : i32 to vector<16xi32>
        %select_n3A_1084 = arith.select %gt3A_1080, %broadcast_in_dim3A_1083, %select_n3A_1048 : vector<16xi1>, vector<16xi32>
        %get3A_1085 = arith.index_cast %add3A_613 : i32 to index
        %get3A_1086 = arith.constant 864 : index
        %get3A_1087 = tpu.vector_load %arg5[%get3A_1085, %get3A_1086] {strides = array<i32>} : memref<32x1000xf32, #tpu.memory_space<vmem>>, vector<1x16xf32>,
        %get3A_1088 = vector.shape_cast %get3A_1087 : vector<1x16xf32> to vector<16xf32>
        %gt3A_1089 = arith.cmpf ogt, %get3A_1088, %select_n3A_1054 : vector<16xf32>
        %select_n3A_1090 = arith.select %gt3A_1089, %get3A_1088, %select_n3A_1054 : vector<16xi1>, vector<16xf32>
        %jit3A_1091 = arith.constant 54 : i32
        %broadcast_in_dim3A_1092 = vector.broadcast %jit3A_1091 : i32 to vector<16xi32>
        %select_n3A_1093 = arith.select %gt3A_1089, %broadcast_in_dim3A_1092, %select_n3A_1057 : vector<16xi1>, vector<16xi32>
        %get3A_1094 = arith.index_cast %add3A_613 : i32 to index
        %get3A_1095 = arith.constant 880 : index
        %get3A_1096 = tpu.vector_load %arg5[%get3A_1094, %get3A_1095] {strides = array<i32>} : memref<32x1000xf32, #tpu.memory_space<vmem>>, vector<1x16xf32>,
        %get3A_1097 = vector.shape_cast %get3A_1096 : vector<1x16xf32> to vector<16xf32>
        %gt3A_1098 = arith.cmpf ogt, %get3A_1097, %select_n3A_1063 : vector<16xf32>
        %select_n3A_1099 = arith.select %gt3A_1098, %get3A_1097, %select_n3A_1063 : vector<16xi1>, vector<16xf32>
        %jit3A_1100 = arith.constant 55 : i32
        %broadcast_in_dim3A_1101 = vector.broadcast %jit3A_1100 : i32 to vector<16xi32>
        %select_n3A_1102 = arith.select %gt3A_1098, %broadcast_in_dim3A_1101, %select_n3A_1066 : vector<16xi1>, vector<16xi32>
        %get3A_1103 = arith.index_cast %add3A_613 : i32 to index
        %get3A_1104 = arith.constant 896 : index
        %get3A_1105 = tpu.vector_load %arg5[%get3A_1103, %get3A_1104] {strides = array<i32>} : memref<32x1000xf32, #tpu.memory_space<vmem>>, vector<1x16xf32>,
        %get3A_1106 = vector.shape_cast %get3A_1105 : vector<1x16xf32> to vector<16xf32>
        %gt3A_1107 = arith.cmpf ogt, %get3A_1106, %select_n3A_1072 : vector<16xf32>
        %select_n3A_1108 = arith.select %gt3A_1107, %get3A_1106, %select_n3A_1072 : vector<16xi1>, vector<16xf32>
        %jit3A_1109 = arith.constant 56 : i32
        %broadcast_in_dim3A_1110 = vector.broadcast %jit3A_1109 : i32 to vector<16xi32>
        %select_n3A_1111 = arith.select %gt3A_1107, %broadcast_in_dim3A_1110, %select_n3A_1075 : vector<16xi1>, vector<16xi32>
        %get3A_1112 = arith.index_cast %add3A_613 : i32 to index
        %get3A_1113 = arith.constant 912 : index
        %get3A_1114 = tpu.vector_load %arg5[%get3A_1112, %get3A_1113] {strides = array<i32>} : memref<32x1000xf32, #tpu.memory_space<vmem>>, vector<1x16xf32>,
        %get3A_1115 = vector.shape_cast %get3A_1114 : vector<1x16xf32> to vector<16xf32>
        %gt3A_1116 = arith.cmpf ogt, %get3A_1115, %select_n3A_1081 : vector<16xf32>
        %select_n3A_1117 = arith.select %gt3A_1116, %get3A_1115, %select_n3A_1081 : vector<16xi1>, vector<16xf32>
        %jit3A_1118 = arith.constant 57 : i32
        %broadcast_in_dim3A_1119 = vector.broadcast %jit3A_1118 : i32 to vector<16xi32>
        %select_n3A_1120 = arith.select %gt3A_1116, %broadcast_in_dim3A_1119, %select_n3A_1084 : vector<16xi1>, vector<16xi32>
        %get3A_1121 = arith.index_cast %add3A_613 : i32 to index
        %get3A_1122 = arith.constant 928 : index
        %get3A_1123 = tpu.vector_load %arg5[%get3A_1121, %get3A_1122] {strides = array<i32>} : memref<32x1000xf32, #tpu.memory_space<vmem>>, vector<1x16xf32>,
        %get3A_1124 = vector.shape_cast %get3A_1123 : vector<1x16xf32> to vector<16xf32>
        %gt3A_1125 = arith.cmpf ogt, %get3A_1124, %select_n3A_1090 : vector<16xf32>
        %select_n3A_1126 = arith.select %gt3A_1125, %get3A_1124, %select_n3A_1090 : vector<16xi1>, vector<16xf32>
        %jit3A_1127 = arith.constant 58 : i32
        %broadcast_in_dim3A_1128 = vector.broadcast %jit3A_1127 : i32 to vector<16xi32>
        %select_n3A_1129 = arith.select %gt3A_1125, %broadcast_in_dim3A_1128, %select_n3A_1093 : vector<16xi1>, vector<16xi32>
        %get3A_1130 = arith.index_cast %add3A_613 : i32 to index
        %get3A_1131 = arith.constant 944 : index
        %get3A_1132 = tpu.vector_load %arg5[%get3A_1130, %get3A_1131] {strides = array<i32>} : memref<32x1000xf32, #tpu.memory_space<vmem>>, vector<1x16xf32>,
        %get3A_1133 = vector.shape_cast %get3A_1132 : vector<1x16xf32> to vector<16xf32>
        %gt3A_1134 = arith.cmpf ogt, %get3A_1133, %select_n3A_1099 : vector<16xf32>
        %select_n3A_1135 = arith.select %gt3A_1134, %get3A_1133, %select_n3A_1099 : vector<16xi1>, vector<16xf32>
        %jit3A_1136 = arith.constant 59 : i32
        %broadcast_in_dim3A_1137 = vector.broadcast %jit3A_1136 : i32 to vector<16xi32>
        %select_n3A_1138 = arith.select %gt3A_1134, %broadcast_in_dim3A_1137, %select_n3A_1102 : vector<16xi1>, vector<16xi32>
        %get3A_1139 = arith.index_cast %add3A_613 : i32 to index
        %get3A_1140 = arith.constant 960 : index
        %get3A_1141 = tpu.vector_load %arg5[%get3A_1139, %get3A_1140] {strides = array<i32>} : memref<32x1000xf32, #tpu.memory_space<vmem>>, vector<1x16xf32>,
        %get3A_1142 = vector.shape_cast %get3A_1141 : vector<1x16xf32> to vector<16xf32>
        %gt3A_1143 = arith.cmpf ogt, %get3A_1142, %select_n3A_1108 : vector<16xf32>
        %select_n3A_1144 = arith.select %gt3A_1143, %get3A_1142, %select_n3A_1108 : vector<16xi1>, vector<16xf32>
        %jit3A_1145 = arith.constant 60 : i32
        %broadcast_in_dim3A_1146 = vector.broadcast %jit3A_1145 : i32 to vector<16xi32>
        %select_n3A_1147 = arith.select %gt3A_1143, %broadcast_in_dim3A_1146, %select_n3A_1111 : vector<16xi1>, vector<16xi32>
        %get3A_1148 = arith.index_cast %add3A_613 : i32 to index
        %get3A_1149 = arith.constant 976 : index
        %get3A_1150 = tpu.vector_load %arg5[%get3A_1148, %get3A_1149] {strides = array<i32>} : memref<32x1000xf32, #tpu.memory_space<vmem>>, vector<1x16xf32>,
        %get3A_1151 = vector.shape_cast %get3A_1150 : vector<1x16xf32> to vector<16xf32>
        %gt3A_1152 = arith.cmpf ogt, %get3A_1151, %select_n3A_1117 : vector<16xf32>
        %select_n3A_1153 = arith.select %gt3A_1152, %get3A_1151, %select_n3A_1117 : vector<16xi1>, vector<16xf32>
        %jit3A_1154 = arith.constant 61 : i32
        %broadcast_in_dim3A_1155 = vector.broadcast %jit3A_1154 : i32 to vector<16xi32>
        %select_n3A_1156 = arith.select %gt3A_1152, %broadcast_in_dim3A_1155, %select_n3A_1120 : vector<16xi1>, vector<16xi32>
        %gt3A_1157 = arith.cmpf ogt, %select_n3A_1153, %select_n3A_1144 : vector<16xf32>
        %eq3A = arith.cmpf oeq, %select_n3A_1153, %select_n3A_1144 : vector<16xf32>
        %lt3A_1158 = arith.cmpi slt, %select_n3A_1156, %select_n3A_1147 : vector<16xi32>
        %and3A = arith.andi %eq3A, %lt3A_1158 : vector<16xi1>
        %or3A = arith.ori %gt3A_1157, %and3A : vector<16xi1>
        %select_n3A_1159 = arith.select %or3A, %select_n3A_1153, %select_n3A_1144 : vector<16xi1>, vector<16xf32>
        %select_n3A_1160 = arith.select %or3A, %select_n3A_1156, %select_n3A_1147 : vector<16xi1>, vector<16xi32>
        %gt3A_1161 = arith.cmpf ogt, %select_n3A_1135, %select_n3A_1126 : vector<16xf32>
        %eq3A_1162 = arith.cmpf oeq, %select_n3A_1135, %select_n3A_1126 : vector<16xf32>
        %lt3A_1163 = arith.cmpi slt, %select_n3A_1138, %select_n3A_1129 : vector<16xi32>
        %and3A_1164 = arith.andi %eq3A_1162, %lt3A_1163 : vector<16xi1>
        %or3A_1165 = arith.ori %gt3A_1161, %and3A_1164 : vector<16xi1>
        %select_n3A_1166 = arith.select %or3A_1165, %select_n3A_1135, %select_n3A_1126 : vector<16xi1>, vector<16xf32>
        %select_n3A_1167 = arith.select %or3A_1165, %select_n3A_1138, %select_n3A_1129 : vector<16xi1>, vector<16xi32>
        %gt3A_1168 = arith.cmpf ogt, %select_n3A_1166, %select_n3A_1159 : vector<16xf32>
        %eq3A_1169 = arith.cmpf oeq, %select_n3A_1166, %select_n3A_1159 : vector<16xf32>
        %lt3A_1170 = arith.cmpi slt, %select_n3A_1167, %select_n3A_1160 : vector<16xi32>
        %and3A_1171 = arith.andi %eq3A_1169, %lt3A_1170 : vector<16xi1>
        %or3A_1172 = arith.ori %gt3A_1168, %and3A_1171 : vector<16xi1>
        %select_n3A_1173 = arith.select %or3A_1172, %select_n3A_1166, %select_n3A_1159 : vector<16xi1>, vector<16xf32>
        %select_n3A_1174 = arith.select %or3A_1172, %select_n3A_1167, %select_n3A_1160 : vector<16xi1>, vector<16xi32>
        %mul3A_1175 = arith.constant 16 : i32
        %mul3A_1176 = vector.broadcast %mul3A_1175 : i32 to vector<16xi32>
        %mul3A_1177 = arith.muli %select_n3A_1174, %mul3A_1176 : vector<16xi32>
        %add3A_1178 = arith.addi %mul3A_1177, %iota3A : vector<16xi32>
        %get3A_1179 = arith.index_cast %add3A_613 : i32 to index
        %get3A_1180 = arith.constant 984 : index
        %get3A_1181 = tpu.vector_load %arg5[%get3A_1179, %get3A_1180] {strides = array<i32>} : memref<32x1000xf32, #tpu.memory_space<vmem>>, vector<1x16xf32>,
        %get3A_1182 = vector.shape_cast %get3A_1181 : vector<1x16xf32> to vector<16xf32>
        %xor3A = arith.constant 8 : i32
        %xor3A_1183 = vector.broadcast %xor3A : i32 to vector<16xi32>
        %xor3A_1184 = arith.xori %iota3A, %xor3A_1183 : vector<16xi32>
        %lt3A_1185 = arith.constant 0 : i32
        %lt3A_1186 = vector.broadcast %lt3A_1185 : i32 to vector<16xi32>
        %lt3A_1187 = arith.cmpi slt, %xor3A_1184, %lt3A_1186 : vector<16xi32>
        %add3A_1188 = arith.constant 16 : i32
        %add3A_1189 = vector.broadcast %add3A_1188 : i32 to vector<16xi32>
        %add3A_1190 = arith.addi %xor3A_1184, %add3A_1189 : vector<16xi32>
        %select_n3A_1191 = arith.select %lt3A_1187, %add3A_1190, %xor3A_1184 : vector<16xi1>, vector<16xi32>
        %broadcast_in_dim3A_1192 = vector.shape_cast %select_n3A_1191 : vector<16xi32> to vector<16x1xi32>
        %gather3A = vector.shape_cast %broadcast_in_dim3A_1192 : vector<16x1xi32> to vector<16xi32>
        %gather3A_1193 = tpu.dynamic_gather %get3A_1182[%gather3A] in [0] : vector<16xf32>, vector<16xi32> -> vector<16xf32>
        %gt3A_1194 = arith.cmpf ogt, %gather3A_1193, %select_n3A_1173 : vector<16xf32>
        %select_n3A_1195 = arith.select %gt3A_1194, %gather3A_1193, %select_n3A_1173 : vector<16xi1>, vector<16xf32>
        %add3A_1196 = arith.constant 992 : i32
        %add3A_1197 = vector.broadcast %add3A_1196 : i32 to vector<16xi32>
        %add3A_1198 = arith.addi %add3A_1197, %iota3A : vector<16xi32>
        %select_n3A_1199 = arith.select %gt3A_1194, %add3A_1198, %add3A_1178 : vector<16xi1>, vector<16xi32>
        %xor3A_1200 = arith.constant 8 : i32
        %xor3A_1201 = vector.broadcast %xor3A_1200 : i32 to vector<16xi32>
        %xor3A_1202 = arith.xori %iota3A, %xor3A_1201 : vector<16xi32>
        %lt3A_1203 = arith.constant 0 : i32
        %lt3A_1204 = vector.broadcast %lt3A_1203 : i32 to vector<16xi32>
        %lt3A_1205 = arith.cmpi slt, %xor3A_1202, %lt3A_1204 : vector<16xi32>
        %add3A_1206 = arith.constant 16 : i32
        %add3A_1207 = vector.broadcast %add3A_1206 : i32 to vector<16xi32>
        %add3A_1208 = arith.addi %xor3A_1202, %add3A_1207 : vector<16xi32>
        %select_n3A_1209 = arith.select %lt3A_1205, %add3A_1208, %xor3A_1202 : vector<16xi1>, vector<16xi32>
        %broadcast_in_dim3A_1210 = vector.shape_cast %select_n3A_1209 : vector<16xi32> to vector<16x1xi32>
        %gather3A_1211 = vector.shape_cast %broadcast_in_dim3A_1210 : vector<16x1xi32> to vector<16xi32>
        %gather3A_1212 = tpu.dynamic_gather %select_n3A_1195[%gather3A_1211] in [0] : vector<16xf32>, vector<16xi32> -> vector<16xf32>
        %lt3A_1213 = arith.constant 0 : i32
        %lt3A_1214 = vector.broadcast %lt3A_1213 : i32 to vector<16xi32>
        %lt3A_1215 = arith.cmpi slt, %xor3A_1202, %lt3A_1214 : vector<16xi32>
        %add3A_1216 = arith.constant 16 : i32
        %add3A_1217 = vector.broadcast %add3A_1216 : i32 to vector<16xi32>
        %add3A_1218 = arith.addi %xor3A_1202, %add3A_1217 : vector<16xi32>
        %select_n3A_1219 = arith.select %lt3A_1215, %add3A_1218, %xor3A_1202 : vector<16xi1>, vector<16xi32>
        %broadcast_in_dim3A_1220 = vector.shape_cast %select_n3A_1219 : vector<16xi32> to vector<16x1xi32>
        %gather3A_1221 = vector.shape_cast %broadcast_in_dim3A_1220 : vector<16x1xi32> to vector<16xi32>
        %gather3A_1222 = tpu.dynamic_gather %select_n3A_1199[%gather3A_1221] in [0] : vector<16xi32>, vector<16xi32> -> vector<16xi32>
        %gt3A_1223 = arith.cmpf ogt, %gather3A_1212, %select_n3A_1195 : vector<16xf32>
        %eq3A_1224 = arith.cmpf oeq, %gather3A_1212, %select_n3A_1195 : vector<16xf32>
        %lt3A_1225 = arith.cmpi slt, %gather3A_1222, %select_n3A_1199 : vector<16xi32>
        %and3A_1226 = arith.andi %eq3A_1224, %lt3A_1225 : vector<16xi1>
        %or3A_1227 = arith.ori %gt3A_1223, %and3A_1226 : vector<16xi1>
        %select_n3A_1228 = arith.select %or3A_1227, %gather3A_1212, %select_n3A_1195 : vector<16xi1>, vector<16xf32>
        %select_n3A_1229 = arith.select %or3A_1227, %gather3A_1222, %select_n3A_1199 : vector<16xi1>, vector<16xi32>
        %xor3A_1230 = arith.constant 4 : i32
        %xor3A_1231 = vector.broadcast %xor3A_1230 : i32 to vector<16xi32>
        %xor3A_1232 = arith.xori %iota3A, %xor3A_1231 : vector<16xi32>
        %lt3A_1233 = arith.constant 0 : i32
        %lt3A_1234 = vector.broadcast %lt3A_1233 : i32 to vector<16xi32>
        %lt3A_1235 = arith.cmpi slt, %xor3A_1232, %lt3A_1234 : vector<16xi32>
        %add3A_1236 = arith.constant 16 : i32
        %add3A_1237 = vector.broadcast %add3A_1236 : i32 to vector<16xi32>
        %add3A_1238 = arith.addi %xor3A_1232, %add3A_1237 : vector<16xi32>
        %select_n3A_1239 = arith.select %lt3A_1235, %add3A_1238, %xor3A_1232 : vector<16xi1>, vector<16xi32>
        %broadcast_in_dim3A_1240 = vector.shape_cast %select_n3A_1239 : vector<16xi32> to vector<16x1xi32>
        %gather3A_1241 = vector.shape_cast %broadcast_in_dim3A_1240 : vector<16x1xi32> to vector<16xi32>
        %gather3A_1242 = tpu.dynamic_gather %select_n3A_1228[%gather3A_1241] in [0] : vector<16xf32>, vector<16xi32> -> vector<16xf32>
        %lt3A_1243 = arith.constant 0 : i32
        %lt3A_1244 = vector.broadcast %lt3A_1243 : i32 to vector<16xi32>
        %lt3A_1245 = arith.cmpi slt, %xor3A_1232, %lt3A_1244 : vector<16xi32>
        %add3A_1246 = arith.constant 16 : i32
        %add3A_1247 = vector.broadcast %add3A_1246 : i32 to vector<16xi32>
        %add3A_1248 = arith.addi %xor3A_1232, %add3A_1247 : vector<16xi32>
        %select_n3A_1249 = arith.select %lt3A_1245, %add3A_1248, %xor3A_1232 : vector<16xi1>, vector<16xi32>
        %broadcast_in_dim3A_1250 = vector.shape_cast %select_n3A_1249 : vector<16xi32> to vector<16x1xi32>
        %gather3A_1251 = vector.shape_cast %broadcast_in_dim3A_1250 : vector<16x1xi32> to vector<16xi32>
        %gather3A_1252 = tpu.dynamic_gather %select_n3A_1229[%gather3A_1251] in [0] : vector<16xi32>, vector<16xi32> -> vector<16xi32>
        %gt3A_1253 = arith.cmpf ogt, %gather3A_1242, %select_n3A_1228 : vector<16xf32>
        %eq3A_1254 = arith.cmpf oeq, %gather3A_1242, %select_n3A_1228 : vector<16xf32>
        %lt3A_1255 = arith.cmpi slt, %gather3A_1252, %select_n3A_1229 : vector<16xi32>
        %and3A_1256 = arith.andi %eq3A_1254, %lt3A_1255 : vector<16xi1>
        %or3A_1257 = arith.ori %gt3A_1253, %and3A_1256 : vector<16xi1>
        %select_n3A_1258 = arith.select %or3A_1257, %gather3A_1242, %select_n3A_1228 : vector<16xi1>, vector<16xf32>
        %select_n3A_1259 = arith.select %or3A_1257, %gather3A_1252, %select_n3A_1229 : vector<16xi1>, vector<16xi32>
        %xor3A_1260 = arith.constant 2 : i32
        %xor3A_1261 = vector.broadcast %xor3A_1260 : i32 to vector<16xi32>
        %xor3A_1262 = arith.xori %iota3A, %xor3A_1261 : vector<16xi32>
        %lt3A_1263 = arith.constant 0 : i32
        %lt3A_1264 = vector.broadcast %lt3A_1263 : i32 to vector<16xi32>
        %lt3A_1265 = arith.cmpi slt, %xor3A_1262, %lt3A_1264 : vector<16xi32>
        %add3A_1266 = arith.constant 16 : i32
        %add3A_1267 = vector.broadcast %add3A_1266 : i32 to vector<16xi32>
        %add3A_1268 = arith.addi %xor3A_1262, %add3A_1267 : vector<16xi32>
        %select_n3A_1269 = arith.select %lt3A_1265, %add3A_1268, %xor3A_1262 : vector<16xi1>, vector<16xi32>
        %broadcast_in_dim3A_1270 = vector.shape_cast %select_n3A_1269 : vector<16xi32> to vector<16x1xi32>
        %gather3A_1271 = vector.shape_cast %broadcast_in_dim3A_1270 : vector<16x1xi32> to vector<16xi32>
        %gather3A_1272 = tpu.dynamic_gather %select_n3A_1258[%gather3A_1271] in [0] : vector<16xf32>, vector<16xi32> -> vector<16xf32>
        %lt3A_1273 = arith.constant 0 : i32
        %lt3A_1274 = vector.broadcast %lt3A_1273 : i32 to vector<16xi32>
        %lt3A_1275 = arith.cmpi slt, %xor3A_1262, %lt3A_1274 : vector<16xi32>
        %add3A_1276 = arith.constant 16 : i32
        %add3A_1277 = vector.broadcast %add3A_1276 : i32 to vector<16xi32>
        %add3A_1278 = arith.addi %xor3A_1262, %add3A_1277 : vector<16xi32>
        %select_n3A_1279 = arith.select %lt3A_1275, %add3A_1278, %xor3A_1262 : vector<16xi1>, vector<16xi32>
        %broadcast_in_dim3A_1280 = vector.shape_cast %select_n3A_1279 : vector<16xi32> to vector<16x1xi32>
        %gather3A_1281 = vector.shape_cast %broadcast_in_dim3A_1280 : vector<16x1xi32> to vector<16xi32>
        %gather3A_1282 = tpu.dynamic_gather %select_n3A_1259[%gather3A_1281] in [0] : vector<16xi32>, vector<16xi32> -> vector<16xi32>
        %gt3A_1283 = arith.cmpf ogt, %gather3A_1272, %select_n3A_1258 : vector<16xf32>
        %eq3A_1284 = arith.cmpf oeq, %gather3A_1272, %select_n3A_1258 : vector<16xf32>
        %lt3A_1285 = arith.cmpi slt, %gather3A_1282, %select_n3A_1259 : vector<16xi32>
        %and3A_1286 = arith.andi %eq3A_1284, %lt3A_1285 : vector<16xi1>
        %or3A_1287 = arith.ori %gt3A_1283, %and3A_1286 : vector<16xi1>
        %select_n3A_1288 = arith.select %or3A_1287, %gather3A_1272, %select_n3A_1258 : vector<16xi1>, vector<16xf32>
        %select_n3A_1289 = arith.select %or3A_1287, %gather3A_1282, %select_n3A_1259 : vector<16xi1>, vector<16xi32>
        %xor3A_1290 = arith.constant 1 : i32
        %xor3A_1291 = vector.broadcast %xor3A_1290 : i32 to vector<16xi32>
        %xor3A_1292 = arith.xori %iota3A, %xor3A_1291 : vector<16xi32>
        %lt3A_1293 = arith.constant 0 : i32
        %lt3A_1294 = vector.broadcast %lt3A_1293 : i32 to vector<16xi32>
        %lt3A_1295 = arith.cmpi slt, %xor3A_1292, %lt3A_1294 : vector<16xi32>
        %add3A_1296 = arith.constant 16 : i32
        %add3A_1297 = vector.broadcast %add3A_1296 : i32 to vector<16xi32>
        %add3A_1298 = arith.addi %xor3A_1292, %add3A_1297 : vector<16xi32>
        %select_n3A_1299 = arith.select %lt3A_1295, %add3A_1298, %xor3A_1292 : vector<16xi1>, vector<16xi32>
        %broadcast_in_dim3A_1300 = vector.shape_cast %select_n3A_1299 : vector<16xi32> to vector<16x1xi32>
        %gather3A_1301 = vector.shape_cast %broadcast_in_dim3A_1300 : vector<16x1xi32> to vector<16xi32>
        %gather3A_1302 = tpu.dynamic_gather %select_n3A_1288[%gather3A_1301] in [0] : vector<16xf32>, vector<16xi32> -> vector<16xf32>
        %lt3A_1303 = arith.constant 0 : i32
        %lt3A_1304 = vector.broadcast %lt3A_1303 : i32 to vector<16xi32>
        %lt3A_1305 = arith.cmpi slt, %xor3A_1292, %lt3A_1304 : vector<16xi32>
        %add3A_1306 = arith.constant 16 : i32
        %add3A_1307 = vector.broadcast %add3A_1306 : i32 to vector<16xi32>
        %add3A_1308 = arith.addi %xor3A_1292, %add3A_1307 : vector<16xi32>
        %select_n3A_1309 = arith.select %lt3A_1305, %add3A_1308, %xor3A_1292 : vector<16xi1>, vector<16xi32>
        %broadcast_in_dim3A_1310 = vector.shape_cast %select_n3A_1309 : vector<16xi32> to vector<16x1xi32>
        %gather3A_1311 = vector.shape_cast %broadcast_in_dim3A_1310 : vector<16x1xi32> to vector<16xi32>
        %gather3A_1312 = tpu.dynamic_gather %select_n3A_1289[%gather3A_1311] in [0] : vector<16xi32>, vector<16xi32> -> vector<16xi32>
        %gt3A_1313 = arith.cmpf ogt, %gather3A_1302, %select_n3A_1288 : vector<16xf32>
        %eq3A_1314 = arith.cmpf oeq, %gather3A_1302, %select_n3A_1288 : vector<16xf32>
        %lt3A_1315 = arith.cmpi slt, %gather3A_1312, %select_n3A_1289 : vector<16xi32>
        %and3A_1316 = arith.andi %eq3A_1314, %lt3A_1315 : vector<16xi1>
        %or3A_1317 = arith.ori %gt3A_1313, %and3A_1316 : vector<16xi1>
        %select_n3A_1318 = arith.select %or3A_1317, %gather3A_1302, %select_n3A_1288 : vector<16xi1>, vector<16xf32>
        %select_n3A_1319 = arith.select %or3A_1317, %gather3A_1312, %select_n3A_1289 : vector<16xi1>, vector<16xi32>
        %slice3A = vector.extract_strided_slice %select_n3A_1319 {offsets = [0], sizes = [1], strides = [1]} : vector<16xi32> to vector<1xi32>
        %squeeze3A = vector.extract %slice3A[0] : i32 from vector<1xi32>
        %get3A_1320 = arith.index_cast %squeeze3A : i32 to index
        %get3A_1321 = tpu.vector_load %arg6[%get3A_1320] {strides = array<i32>} : memref<1024xf32, #tpu.memory_space<vmem>>, vector<16xf32>,
        %get3A_1322 = vector.shape_cast %get3A_1321 : vector<16xf32> to vector<16xf32>
        %eq3A_1323 = vector.broadcast %scan3A_610 : i32 to vector<16xi32>
        %eq3A_1324 = arith.cmpi eq, %iota3A, %eq3A_1323 : vector<16xi32>
        %slice3A_1325 = vector.extract_strided_slice %get3A_1322 {offsets = [0], sizes = [1], strides = [1]} : vector<16xf32> to vector<1xf32>
        %squeeze3A_1326 = vector.extract %slice3A_1325[0] : f32 from vector<1xf32>
        %broadcast_in_dim3A_1327 = vector.broadcast %squeeze3A_1326 : f32 to vector<16xf32>
        %select_n3A_1328 = arith.select %eq3A_1324, %broadcast_in_dim3A_1327, %scan3A_611 : vector<16xi1>, vector<16xf32>
        scf.yield %select_n3A_1328 : vector<16xf32>
      }
      %scan3A_596 = arith.constant 16 : i32
      %mul3A_597 = arith.constant 16 : i32
      %mul3A_598 = arith.muli %add3A_588, %mul3A_597 : i32
      %swap3A_599 = arith.index_cast %mul3A_598 : i32 to index
      %swap3A_600 = tpu.vector_load %arg7[%swap3A_599] {strides = array<i32>} : memref<256xf32, #tpu.memory_space<vmem>>, vector<16xf32>,
      %swap3A_601 = vector.shape_cast %swap3A_600 : vector<16xf32> to vector<16xf32>
      %swap3A_602 = vector.shape_cast %scan3A_595 : vector<16xf32> to vector<16xf32>
      tpu.vector_store %arg7[%swap3A_599], %swap3A_602 {strides = array<i32>} : memref<256xf32, #tpu.memory_space<vmem>>, vector<16xf32>,
      %add3A_603 = arith.constant 3 : i32
      %add3A_604 = arith.addi %mul3A_546, %add3A_603 : i32
      %lt3A_605 = arith.constant 16 : i32
      %lt3A_606 = arith.cmpi slt, %add3A_604, %lt3A_605 : i32
      %convert_element_type3A_607 = arith.extui %lt3A_606 : i1 to i32
      %cond3A_608 = arith.constant 0 : i32
      %cond3A_609 = arith.cmpi ne, %convert_element_type3A_607, %cond3A_608 : i32
      scf.if %cond3A_609 {
        %add3A_610 = arith.constant 3 : i32
        %add3A_611 = arith.addi %mul3A_546, %add3A_610 : i32
        %mul3A_612 = arith.constant 16 : i32
        %mul3A_613 = arith.muli %add3A_611, %mul3A_612 : i32
        %add3A_614 = arith.addi %add3A_4, %mul3A_613 : i32
        %dma_start3A_615 = arith.constant 16 : i32
        %dma_start3A_616 = arith.constant 0 : i32
        %dma_start3A_617 = tpu.memref_slice %arg5[%dma_start3A_615, %dma_start3A_616] : memref<32x1000xf32, #tpu.memory_space<vmem>> -> memref<16x1000xf32, #tpu.memory_space<vmem>>
        %dma_start3A_618 = arith.constant 0 : i32
        %dma_start3A_619 = tpu.memref_slice %arg2[%add3A_614, %dma_start3A_618] : memref<16384x1000xf32, #tpu.memory_space<hbm>> -> memref<16x1000xf32, #tpu.memory_space<hbm>>
        %dma_start3A_620 = arith.constant 16 : i32
        %dma_start3A_621 = arith.constant 0 : i32
        %dma_start3A_622 = tpu.memref_slice %arg5[%dma_start3A_620, %dma_start3A_621] : memref<32x1000xf32, #tpu.memory_space<vmem>> -> memref<16x1000xf32, #tpu.memory_space<vmem>>
        %dma_start3A_623 = arith.constant 0 : i32
        %dma_start3A_624 = tpu.memref_slice %arg2[%add3A_614, %dma_start3A_623] : memref<16384x1000xf32, #tpu.memory_space<hbm>> -> memref<16x1000xf32, #tpu.memory_space<hbm>>
        tpu.enqueue_dma source(%dma_start3A_624 : memref<16x1000xf32, #tpu.memory_space<hbm>>) target(%dma_start3A_622 : memref<16x1000xf32, #tpu.memory_space<vmem>>) target_semaphore(%arg9 : memref<!tpu.dma_semaphore, #tpu.memory_space<semaphore_mem>>)
      } else {
      }
    }
    %scan3A_541 = arith.constant 8 : i32
    %mul3A_542 = arith.constant 256 : i32
    %mul3A_543 = arith.muli %add3A, %mul3A_542 : i32
    "tpu.region"() ({
      %run_scoped3A = tpu.sem_alloc : memref<!tpu.dma_semaphore, #tpu.memory_space<semaphore_mem>>
      %dma_start3A_544 = tpu.memref_slice %arg4[%mul3A_543] : memref<8192xf32, #tpu.memory_space<hbm>> -> memref<256xf32, #tpu.memory_space<hbm>>
      %dma_start3A_545 = tpu.memref_slice %arg4[%mul3A_543] : memref<8192xf32, #tpu.memory_space<hbm>> -> memref<256xf32, #tpu.memory_space<hbm>>
      tpu.enqueue_dma source(%arg7 : memref<256xf32, #tpu.memory_space<vmem>>) target(%dma_start3A_545 : memref<256xf32, #tpu.memory_space<hbm>>) target_semaphore(%run_scoped3A : memref<!tpu.dma_semaphore, #tpu.memory_space<semaphore_mem>>)
      %dma_wait3A = tpu.memref_slice %arg4[%mul3A_543] : memref<8192xf32, #tpu.memory_space<hbm>> -> memref<256xf32, #tpu.memory_space<hbm>>
      %dma_wait3A_546 = tpu.memref_slice %arg4[%mul3A_543] : memref<8192xf32, #tpu.memory_space<hbm>> -> memref<256xf32, #tpu.memory_space<hbm>>
      tpu.wait_dma2 semaphore(%run_scoped3A : memref<!tpu.dma_semaphore, #tpu.memory_space<semaphore_mem>>) src(%arg7 : memref<256xf32, #tpu.memory_space<vmem>>) dst(%dma_wait3A_546 : memref<256xf32, #tpu.memory_space<hbm>>)
      tpu.yield
    }) : () -> ()
    return
  }
}

module attributes {stable_mosaic.version = 14 : i64} {
  func.func @_tc_body(%arg0: i32, %arg1: memref<512x1000xf32, #tpu.memory_space<vmem>>, %arg2: memref<512x1000xf32, #tpu.memory_space<vmem>>, %arg3: memref<1x1000xf32, #tpu.memory_space<vmem>>, %arg4: memref<1024x1xf32, #tpu.memory_space<vmem>>) attributes {dimension_semantics = [#tpu.dimension_semantics<arbitrary>], iteration_bounds = array<i64: 8>, scalar_prefetch = 0 : i64, scratch_operands = 0 : i64, tpu.core_type = #tpu.core_type<tc>, window_params = [{transform_indices = @transform_0, window_bounds = array<i64: 512, 1000>}, {transform_indices = @transform_1, window_bounds = array<i64: 512, 1000>}, {pipeline_mode = #tpu.pipeline_mode<synchronous>, transform_indices = @transform_2, window_bounds = array<i64: 1, 1000>}, {transform_indices = @transform_3, window_bounds = array<i64: 1024, 1>}]} {
    %get3A = arith.constant 0 : index
    %get3A_0 = arith.constant 0 : index
    %get3A_1 = vector.load %arg3[%get3A, %get3A_0] : memref<1x1000xf32, #tpu.memory_space<vmem>>, vector<1x1000xf32>
    %exp3A = math.exp %get3A_1 : vector<1x1000xf32>
    %get3A_2 = arith.constant 0 : index
    %get3A_3 = arith.constant 0 : index
    %get3A_4 = vector.load %arg1[%get3A_2, %get3A_3] : memref<512x1000xf32, #tpu.memory_space<vmem>>, vector<512x1000xf32>
    %reduce_max3A = arith.constant dense<0xFF800000> : vector<512xf32>
    %reduce_max3A_5 = vector.multi_reduction <maximumf>, %get3A_4, %reduce_max3A [1] : vector<512x1000xf32> to vector<512xf32>
    %broadcast_in_dim3A = vector.shape_cast %reduce_max3A_5 : vector<512xf32> to vector<512x1xf32>
    %iota3A = tpu.iota {dimensions = array<i32: 1>} : vector<512x1000xi32>
    %eq3A = vector.broadcast %broadcast_in_dim3A : vector<512x1xf32> to vector<512x1000xf32>
    %eq3A_6 = arith.cmpf oeq, %get3A_4, %eq3A : vector<512x1000xf32>
    %jit3A = arith.constant 1000 : i32
    %broadcast_in_dim3A_7 = vector.broadcast %jit3A : i32 to vector<512x1000xi32>
    %select_n3A = arith.select %eq3A_6, %iota3A, %broadcast_in_dim3A_7 : vector<512x1000xi1>, vector<512x1000xi32>
    %reduce_min3A = arith.constant dense<2147483647> : vector<512xi32>
    %reduce_min3A_8 = vector.multi_reduction <minsi>, %select_n3A, %reduce_min3A [1] : vector<512x1000xi32> to vector<512xi32>
    %broadcast_in_dim3A_9 = vector.shape_cast %reduce_min3A_8 : vector<512xi32> to vector<512x1xi32>
    %eq3A_10 = vector.broadcast %broadcast_in_dim3A_9 : vector<512x1xi32> to vector<512x1000xi32>
    %eq3A_11 = arith.cmpi eq, %iota3A, %eq3A_10 : vector<512x1000xi32>
    %jit3A_12 = arith.constant 0.000000e+00 : f32
    %broadcast_in_dim3A_13 = vector.shape_cast %exp3A : vector<1x1000xf32> to vector<1x1000xf32>
    %broadcast_in_dim3A_14 = vector.broadcast %broadcast_in_dim3A_13 : vector<1x1000xf32> to vector<512x1000xf32>
    %broadcast_in_dim3A_15 = vector.broadcast %jit3A_12 : f32 to vector<512x1000xf32>
    %select_n3A_16 = arith.select %eq3A_11, %broadcast_in_dim3A_14, %broadcast_in_dim3A_15 : vector<512x1000xi1>, vector<512x1000xf32>
    %reduce_sum3A = arith.constant dense<0.000000e+00> : vector<512xf32>
    %reduce_sum3A_17 = vector.multi_reduction <add>, %select_n3A_16, %reduce_sum3A [1] : vector<512x1000xf32> to vector<512xf32>
    %broadcast_in_dim3A_18 = vector.shape_cast %reduce_sum3A_17 : vector<512xf32> to vector<512x1xf32>
    %swap3A = arith.constant 0 : index
    %swap3A_19 = arith.constant 0 : index
    %swap3A_20 = vector.load %arg4[%swap3A, %swap3A_19] : memref<1024x1xf32, #tpu.memory_space<vmem>>, vector<512x1xf32>
    tpu.vector_store %arg4[%swap3A, %swap3A_19], %broadcast_in_dim3A_18 {strides = array<i32>} : memref<1024x1xf32, #tpu.memory_space<vmem>>, vector<512x1xf32>,
    %get3A_21 = arith.constant 0 : index
    %get3A_22 = arith.constant 0 : index
    %get3A_23 = vector.load %arg2[%get3A_21, %get3A_22] : memref<512x1000xf32, #tpu.memory_space<vmem>>, vector<512x1000xf32>
    %reduce_max3A_24 = arith.constant dense<0xFF800000> : vector<512xf32>
    %reduce_max3A_25 = vector.multi_reduction <maximumf>, %get3A_23, %reduce_max3A_24 [1] : vector<512x1000xf32> to vector<512xf32>
    %broadcast_in_dim3A_26 = vector.shape_cast %reduce_max3A_25 : vector<512xf32> to vector<512x1xf32>
    %iota3A_27 = tpu.iota {dimensions = array<i32: 1>} : vector<512x1000xi32>
    %eq3A_28 = vector.broadcast %broadcast_in_dim3A_26 : vector<512x1xf32> to vector<512x1000xf32>
    %eq3A_29 = arith.cmpf oeq, %get3A_23, %eq3A_28 : vector<512x1000xf32>
    %jit3A_30 = arith.constant 1000 : i32
    %broadcast_in_dim3A_31 = vector.broadcast %jit3A_30 : i32 to vector<512x1000xi32>
    %select_n3A_32 = arith.select %eq3A_29, %iota3A_27, %broadcast_in_dim3A_31 : vector<512x1000xi1>, vector<512x1000xi32>
    %reduce_min3A_33 = arith.constant dense<2147483647> : vector<512xi32>
    %reduce_min3A_34 = vector.multi_reduction <minsi>, %select_n3A_32, %reduce_min3A_33 [1] : vector<512x1000xi32> to vector<512xi32>
    %broadcast_in_dim3A_35 = vector.shape_cast %reduce_min3A_34 : vector<512xi32> to vector<512x1xi32>
    %eq3A_36 = vector.broadcast %broadcast_in_dim3A_35 : vector<512x1xi32> to vector<512x1000xi32>
    %eq3A_37 = arith.cmpi eq, %iota3A_27, %eq3A_36 : vector<512x1000xi32>
    %jit3A_38 = arith.constant 0.000000e+00 : f32
    %broadcast_in_dim3A_39 = vector.shape_cast %exp3A : vector<1x1000xf32> to vector<1x1000xf32>
    %broadcast_in_dim3A_40 = vector.broadcast %broadcast_in_dim3A_39 : vector<1x1000xf32> to vector<512x1000xf32>
    %broadcast_in_dim3A_41 = vector.broadcast %jit3A_38 : f32 to vector<512x1000xf32>
    %select_n3A_42 = arith.select %eq3A_37, %broadcast_in_dim3A_40, %broadcast_in_dim3A_41 : vector<512x1000xi1>, vector<512x1000xf32>
    %reduce_sum3A_43 = arith.constant dense<0.000000e+00> : vector<512xf32>
    %reduce_sum3A_44 = vector.multi_reduction <add>, %select_n3A_42, %reduce_sum3A_43 [1] : vector<512x1000xf32> to vector<512xf32>
    %broadcast_in_dim3A_45 = vector.shape_cast %reduce_sum3A_44 : vector<512xf32> to vector<512x1xf32>
    %swap3A_46 = arith.constant 512 : index
    %swap3A_47 = arith.constant 0 : index
    %swap3A_48 = vector.load %arg4[%swap3A_46, %swap3A_47] : memref<1024x1xf32, #tpu.memory_space<vmem>>, vector<512x1xf32>
    tpu.vector_store %arg4[%swap3A_46, %swap3A_47], %broadcast_in_dim3A_45 {strides = array<i32>} : memref<1024x1xf32, #tpu.memory_space<vmem>>, vector<512x1xf32>,
    return
  }
  func.func @transform_0(%arg0: i32) -> (i32, i32) {
    %mul3A = arith.constant 2 : i32
    %mul3A_0 = arith.muli %mul3A, %arg0 : i32
    %c0_i32 = arith.constant 0 : i32
    %c0_i32_1 = arith.constant 0 : i32
    return %mul3A_0, %c0_i32 : i32, i32
  }
  func.func @transform_1(%arg0: i32) -> (i32, i32) {
    %mul3A = arith.constant 2 : i32
    %mul3A_0 = arith.muli %mul3A, %arg0 : i32
    %add3A = arith.constant 1 : i32
    %add3A_1 = arith.addi %mul3A_0, %add3A : i32
    %c0_i32 = arith.constant 0 : i32
    %c0_i32_2 = arith.constant 0 : i32
    return %add3A_1, %c0_i32 : i32, i32
  }
  func.func @transform_2(%arg0: i32) -> (i32, i32) {
    %c0_i32 = arith.constant 0 : i32
    %c0_i32_0 = arith.constant 0 : i32
    %c0_i32_1 = arith.constant 0 : i32
    return %c0_i32, %c0_i32_0 : i32, i32
  }
  func.func @transform_3(%arg0: i32) -> (i32, i32) {
    %c0_i32 = arith.constant 0 : i32
    %c0_i32_0 = arith.constant 0 : i32
    return %arg0, %c0_i32 : i32, i32
  }
}

</mosaic_0001>

<sc_bundles>
// kernel: kernel.4.cloned.1.call-start
scs
__scs_entry_jumppad:
0x0: {  	(pc) =	sbr.rel $0x88, $3  }
0x1: {  	(tag) =	ssettag $0x0;
	lr =	simm.s32 $0x1  }
0x2: {  	[smem:$0x3F9F] =	sst lr;
	_ =	strace $0xD0000000  }
0x3: {  	_ = 	snop  }
0x4: {  	_ = 	snop  }
0x5: {  	_ = 	snop  }
0x6: {  	_ = 	snop  }
0x7: {  	_ = 	snop  }
__scs_overlays_trampoline_lowered:
0x8: {  	[smem:$0x3FAE] =	sst s0  }
0x9: {  	[smem:$0x3FAF] =	sst s1  }
0xa: {  	[smem:$0x3FB0] =	sst s2  }
0xb: {  	[smem:$0x3FB1] =	sst s3  }
0xc: {  	[smem:$0x3FB2] =	sst s4  }
0xd: {  	[smem:$0x3FB3] =	sst s5  }
0xe: {  	[smem:$0x3FB4] =	sst s6  }
0xf: {  	[smem:$0x3FB5] =	sst s7  }
0x10: {  	[smem:$0x3FB6] =	sst s8  }
0x11: {  	[smem:$0x3FB7] =	sst s9;
	s0 =	simm.s32 @!p0 $0x0  }
0x12: {  	s1 =	sld [smem:$0x3F9D];
	s0 =	simm.s32 @p0 $0x1  }
0x13: {  	[smem:$0x3FB8] =	sst s0;
	s0 =	simm.s32 @!p1 $0x0  }
0x14: {  	s2 =	sld [smem:$0x3F9C];
	s0 =	simm.s32 @p1 $0x1  }
0x15: {  	[smem:$0x3FB9] =	sst s0;
	s0 =	simm.s32 @!p2 $0x0  }
0x16: {  	s3 =	sld [smem:$0x3FDB];
	s0 =	simm.s32 @p2 $0x1  }
0x17: {  	s4 =	simm.s32 $0x1BF5;
	[smem:$0x3FBB] =	sst s0  }
0x18: {  	s0 =	sld [smem:$0x3F9E];
	_ =	swait.ge [sflag:s4], $0x0  }
0x19: {  	s7 =	sld [smem:$0x3F9F]  }
0x1a: {  	s8 =	sadd.s32 $0xFFFFE003, lr  }
0x1b: {  	s9 =	sadd.s32 $0xFFFFFEF7, lr;
	s5 =	simm.s32 $0xFFFFFFFF;
	p2 =	slt.u32 s8, $0xFFFFF086  }
0x1c: {  	p1 =	slt.u32 s9, $0xF7A;
	s5 =	simm.s32 @!p2 $0x0  }
0x1d: {  	s5 =	simm.s32 @p1 $0x1;
	p0 =	seq.s32 s7, s2  }
0x1e: {  	s7 =	smul.u32 @!p0 $0xF7A, s2;
	p2 =	seq.s32 @!p0 s5, $0x0  }
0x1f: {  	s9 =	smul.u32 $0xF7A, s1;
	s8 =	simm.s32 @!p0 $0x1BF5;
	p2 =	por !p2, p0  }
0x20: {  	[sflag:s8] =	ssyncset.s32 @!p0 $0xFFFFF086;
	s6 =	sadd.s32 @!p0 s3, s7;
	s7 =	simm.s32 @!p0 $0x108  }
0x21: {  	s3 =	sadd.s32 s3, s9;
	s6 =	sadd.s32 @!p0 $0x88, s6;
	s7 =	simm.s32 @p2 $0x1082  }
0x22: {  	[simem:s7], [sflag:s8] =	dma.local @!p0 [hbm:s6], $0xF7A  }
0x23: {  	s9 =	sor.u32 $0xD0000000, s2;
	s6 =	simm.s32 $0x108;
	_ =	swait.ge @!p0 [sflag:s8], $0x0  }
0x24: {  	s3 =	sadd.s32 $0x88, s3;
	s6 =	simm.s32 @!p1 $0x1082;
	[sflag:s4] =	ssyncset.s32 $0xFFFFF086  }
0x25: {  	[simem:s6], [sflag:s4] =	dma.local [hbm:s3], $0xF7A  }
0x26: {  	[smem:$0x3F9F] =	sst s1;
	(tag) =	ssettag s2;
	_ =	strace s9  }
0x27: {  	s1 =	sld [smem:$0x3FAF]  }
0x28: {  	s2 =	sld [smem:$0x3FB0]  }
0x29: {  	s4 =	sld [smem:$0x3FB2]  }
0x2a: {  	p0 =	seq.s32 s5, $0x0;
	s5 =	sld [smem:$0x3FB3]  }
0x2b: {  	s6 =	sld [smem:$0x3FB4]  }
0x2c: {  	s7 =	sld [smem:$0x3FB5]  }
0x2d: {  	s3 =	simm.s32 $0x108;
	s8 =	sld [smem:$0x3FB6]  }
0x2e: {  	s3 =	simm.s32 @!p0 $0x1082;
	s9 =	sld [smem:$0x3FB7]  }
0x2f: {  	lr =	sadd.s32 s0, s3;
	s0 =	sld [smem:$0x3FAE]  }
0x30: {  	s3 =	sld [smem:$0x3FB1]  }
0x31: {  	[smem:$0x3FBA] =	sst s10  }
0x32: {  	s10 =	sld [smem:$0x3FB8];
	_ =	sdelay $0x3  }
0x33: {  	p0 =	seq.s32 s10, $0x1;
	s10 =	sld [smem:$0x3FBA];
	_ =	sdelay $0x3  }
0x34: {  	[smem:$0x3FBA] =	sst s10  }
0x35: {  	s10 =	sld [smem:$0x3FB9];
	_ =	sdelay $0x3  }
0x36: {  	p1 =	seq.s32 s10, $0x1;
	s10 =	sld [smem:$0x3FBA];
	_ =	sdelay $0x3  }
0x37: {  	[smem:$0x3FBA] =	sst s10  }
0x38: {  	s10 =	sld [smem:$0x3FBB]  }
0x39: {  	_ = 	snop;
	(pc) =	sbr.ind lr, $3  }
0x3a: {  	_ = 	snop  }
0x3b: {  	_ = 	snop  }
0x3c: {  	p2 =	seq.s32 s10, $0x1;
	s10 =	sld [smem:$0x3FBA]  }
0x3d: {  	_ =	shalt  }
0x3e: {  	_ =	shalt  }
0x3f: {  	_ =	shalt  }
0x40: {  	_ =	shalt  }
0x41: {  	_ =	shalt  }
0x42: {  	_ =	shalt  }
0x43: {  	_ =	shalt  }
0x44: {  	_ =	shalt  }
0x45: {  	_ =	shalt  }
0x46: {  	_ =	shalt  }
0x47: {  	_ =	shalt  }
0x48: {  	_ =	shalt  }
0x49: {  	_ =	shalt  }
0x4a: {  	_ =	shalt  }
0x4b: {  	_ =	shalt  }
0x4c: {  	_ =	shalt  }
0x4d: {  	_ =	shalt  }
0x4e: {  	_ =	shalt  }
0x4f: {  	_ =	shalt  }
0x50: {  	_ =	shalt  }
0x51: {  	_ =	shalt  }
0x52: {  	_ =	shalt  }
0x53: {  	_ =	shalt  }
0x54: {  	_ =	shalt  }
0x55: {  	_ =	shalt  }
0x56: {  	_ =	shalt  }
0x57: {  	_ =	shalt  }
0x58: {  	_ =	shalt  }
0x59: {  	_ =	shalt  }
0x5a: {  	_ =	shalt  }
0x5b: {  	_ =	shalt  }
0x5c: {  	_ =	shalt  }
0x5d: {  	_ =	shalt  }
0x5e: {  	_ =	shalt  }
0x5f: {  	_ =	shalt  }
0x60: {  	_ =	shalt  }
0x61: {  	_ =	shalt  }
0x62: {  	_ =	shalt  }
0x63: {  	_ =	shalt  }
0x64: {  	_ =	shalt  }
0x65: {  	_ =	shalt  }
0x66: {  	_ =	shalt  }
0x67: {  	_ =	shalt  }
0x68: {  	_ =	shalt  }
0x69: {  	_ =	shalt  }
0x6a: {  	_ =	shalt  }
0x6b: {  	_ =	shalt  }
0x6c: {  	_ =	shalt  }
0x6d: {  	_ =	shalt  }
0x6e: {  	_ =	shalt  }
0x6f: {  	_ =	shalt  }
0x70: {  	_ =	shalt  }
0x71: {  	_ =	shalt  }
0x72: {  	_ =	shalt  }
0x73: {  	_ =	shalt  }
0x74: {  	_ =	shalt  }
0x75: {  	_ =	shalt  }
0x76: {  	_ =	shalt  }
0x77: {  	_ =	shalt  }
0x78: {  	_ =	shalt  }
0x79: {  	_ =	shalt  }
0x7a: {  	_ =	shalt  }
0x7b: {  	_ =	shalt  }
0x7c: {  	_ =	shalt  }
0x7d: {  	_ =	shalt  }
0x7e: {  	_ =	shalt  }
0x7f: {  	_ =	shalt  }
0x80: {  	_ =	shalt  }
0x81: {  	_ =	shalt  }
0x82: {  	_ =	shalt  }
0x83: {  	_ =	shalt  }
0x84: {  	_ =	shalt  }
0x85: {  	_ =	shalt  }
0x86: {  	_ =	shalt  }
0x87: {  	_ =	shalt  }
.Lfunc_end0:
.L_simem_size_0:
called_computation_lowered:
.L_overlay_start_0:
0x88: {  	s2 =	sld [smem:$0x3FD9]  }
0x89: {  	s3 =	sld [smem:$0x3FFE];
	_ =	sdelay $0x1  }
0x8a: {  	s1 =	srdreg.scid  }
0x8b: {  	s0 =	sand.u32 $0x1, s1  }
0x8c: {  	s17 =	sshll.u32 s0, $0xA;
	s2 =	sadd.s32 s3, s2  }
0x8d: {  	s2 =	sadd.s32 s2, s17  }
0x8e: {  	[smem:$0x3FC6] =	sst s2  }
0x8f: {  	_ = 	snop  }
0x90: {  	s2 =	sld [smem:$0x3FD0];
	(tm) =	ssettm $0x1  }
0x91: {  	s18 =	sld [smem:$0x3FFB];
	_ =	sdelay $0x3  }
0x92: {  	_ =	strace s18  }
0x93: {  	s3 =	sld [smem:$0x3FFC];
	_ =	sdelay $0x3  }
0x94: {  	_ =	strace s3  }
0x95: {  	s3 =	sld [smem:$0x3FFD];
	_ =	sdelay $0x3  }
0x96: {  	_ =	strace s3  }
0x97: {  	_ =	strace $0x8FFFFFFF  }
0x98: {  	s19 =	sld [smem:$0x3FDB];
	_ =	sdelay $0x1  }
0x99: {  	s4 =	simm.s32 $_scs_section_size  }
0x9a: {  	s5 =	simm.s32 $_size__tile_overlayer_lowered;
	s6 =	simm.s32 $_tile_overlayer_lowered  }
0x9b: {  	s22 =	simm.s32 $0x1BFF;
	s21 =	sshll.u32 s6, $0x1;
	s3 =	sadd.s32 s4, s19  }
0x9c: {  	s7 =	simm.s32 $0x0;
	s20 =	sshll.u32 s5, $0x1;
	s5 =	sadd.s32 s21, s3  }
0x9d: {  	[timem:s7], [sflag:s22] =	dma.local [hbm:s5], s20  }
0x9e: {  	_ =	swait.ge [sflag:s22], s20  }
0x9f: {  	s4 =	ssub.s32 $0x0, s20;
	[sflag:s22] =	ssyncset.done $0x0  }
0xa0: {  	[sflag:s22] =	ssyncadd.s32 s4;
	_ =	sdelay $0x1  }
0xa1: {  	s23 =	simm.s32 $0x1B8B  }
0xa2: {  	_ =	swait.ge [sflag:s23], $0x1  }
0xa3: {  	[sflag:s23] =	ssyncset.done $0x0  }
0xa4: {  	s25 =	simm.s32 $0x1B8E;
	s24 =	sld [smem:$0x3FFE];
	[sflag:s23] =	ssyncadd.s32 $0xFFFFFFFF  }
0xa5: {  	s26 =	simm.s32 $execute0_lowered;
	[smem:$0x3FD2] =	sst s25  }
0xa6: {  	s5 =	sshll.u32 s26, $0x1;
	_ =	strace $0x80000046;
	[dreg:$0x1] =	wrdreg $0xFFFFFFFF  }
0xa7: {  	s28 =	simm.s32 $_size_execute0_lowered;
	s3 =	sadd.s32 s3, s5;
	[dreg:$0x0] =	wrdreg $0x0  }
0xa8: {  	s5 =	sshll.u32 s28, $0x1;
	[dreg:$0x2] =	wrdreg s3  }
0xa9: {  	[dreg:$0x3] =	wrdreg s5  }
0xaa: {  	[dreg:$0x4] =	wrdreg $0xC0  }
0xab: {  	_ =	task [dreg:s7], $0x5FFFF  }
0xac: {  	[dreg:$0x1] =	wrdreg $0xFFFFFFFF  }
0xad: {  	[dreg:$0x0] =	wrdreg $0x60  }
0xae: {  	[dreg:$0x2] =	wrdreg s24  }
0xaf: {  	[dreg:$0x3] =	wrdreg s2  }
0xb0: {  	[dreg:$0x4] =	wrdreg $0x9  }
0xb1: {  	_ =	task.clear_ibuf [dreg:s7], $0x5FFFF;
	_ =	strace $0x90000046  }
0xb2: {  	s29 =	simm.s32 $0x9;
	_ =	strace $0x80000048  }
0xb3: {  	_ =	swait.ge [sflag:s29], $0x1  }
0xb4: {  	[sflag:s29] =	ssyncadd.s32 $0xFFFFFFFF  }
0xb5: {  	_ =	strace $0x90000048  }
0xb6: {  	_ =	sfence  }
0xb7: {  	s30 =	sld [smem:$0x0];
	_ =	sdelay $0x2  }
0xb8: {  	s31 =	sshll.u32 s1, $0xD;
	s1 =	sshrl.u32 s1, $0x2  }
0xb9: {  	s3 =	sand.u32 $0x4000, s31;
	s1 =	sadd.s32 s1, s30  }
0xba: {  	s0 =	sor.u32 s3, s0;
	s1 =	sshll.u32 s1, $0x11  }
0xbb: {  	s0 =	sor.u32 s1, s0  }
0xbc: {  	s0 =	sadd.s32 $0x8F2B, s0  }
0xbd: {  	[sflag:s0] =	ssyncadd.remote.s32 $0x1  }
0xbe: {  	_ =	sfence.sel $0xFFFF  }
0xbf: {  	[dreg:$0x0] =	wrdreg $0xFFFFFFFF;
	(pc) =	sbr.abs _section_cstart, $3  }
0xc0: {  	[dreg:$0x1] =	wrdreg $0xFFFFFFFF  }
0xc1: {  	_ =	task.clear_ibuf [dreg:s7], $0x2FFFF;
	_ =	strace $0x9FFFFFFF  }
0xc2: {  	(tm) =	ssettm $0x7FFFFFFF  }
0xc3: {  	_ =	shalt  }
tec
execute0_lowered:
.L_overlay_start_1:
0x0: {  	(tag) =	ssettag $0x1  }
0x1: {  	v0 =	vimm.s32 $0x0;
	v1 =	vimm.s32 $0x1;
	v2 =	vimm.s32 $0xBA98FEDC  }
0x2: {  	s4 =	rddreg [dreg:$0x0];
	v3 =	vimm.s32 $0x76543210;
	v4 =	vimm.s32 $0xFEDCBA98;
	v5 =	vunpack.c.l.s4.s8 v2  }
0x3: {  	s1 =	rddreg [dreg:$0x1];
	s3 =	srdreg.scid;
	v7 =	vimm.s32 $0xDCFE98BA;
	v8 =	vimm.s32 $0x54761032;
	v6 =	vunpack.c.l.s4.s8 v3  }
0x4: {  	s0 =	rddreg [dreg:$0x2];
	s2 =	stileid.u32;
	s10 =	simm.s32 $0x8000;
	v3 =	vunpack.c.l.s4.s8 v4;
	v4 =	vunpack.c.0.s8.s32 v5;
	v5 =	vimm.s32 $0x32107654  }
0x5: {  	v9 =	vimm.s32 $0xEFCDAB89;
	v10 =	vimm.s32 $0x67452301;
	s11 =	simm.s32 $0x3;
	s12 =	simm.s32 $0x4000;
	s13 =	simm.s32 $0x1;
	v5 =	vunpack.c.l.s4.s8 v5  }
0x6: {  	vm0 =	vmmov $0xff;
	s14 =	simm.s32 $0x2;
	s15 =	simm.s32 $0x8400;
	s5 =	sand.u32 $0x1, s3;
	v7 =	vunpack.c.l.s4.s8 v7;
	v8 =	vunpack.c.l.s4.s8 v8  }
0x7: {  	s3 =	simm.s32 $0x0;
	s6 =	sshll.u32 s2, $0x9;
	v9 =	vunpack.c.l.s4.s8 v9;
	v10 =	vunpack.c.l.s4.s8 v10;
	s7 =	sshll.u32 s5, $0x8;
	v5 =	vunpack.c.0.s8.s32 v5  }
0x8: {  	s16 =	simm.s32 $0x0;
	[smem:$0x7FF] =	sst s3;
	s6 =	sor.u32 s7, s6;
	v11 =	vunpack.c.0.s8.s32 v3;
	v7 =	vunpack.c.0.s8.s32 v7;
	v8 =	vunpack.c.0.s8.s32 v8  }
.Ltmp0:
0x9: {  	s31 =	ssub.s32 $0x2, s5;
	s7 =	sshll.u32 s6, $0x7;
	v12 =	vcombine.low v5, v4;
	v5 =	vunpack.c.0.s8.s32 v9;
	v9 =	vunpack.c.0.s8.s32 v10;
	(pc) =	sbr.rel .LBB2_1-.Ltmp0, $4  }
0xa: {  	v2 =	vimm.s32 $0x2;
	_ =	strace $0x80000047;
	v6 =	vunpack.c.0.s8.s32 v6;
	s6 =	sshrl.u32 s6, $0x3;
	s7 =	sadd.s32 s7, s4;
	v8 =	vcombine.low v8, v7  }
0xb: {  	s9 =	sshrl.u32 s31, $0x1;
	v3 =	vimm.s32 $0x3;
	s8 =	sadd.s32 s6, s4;
	v7 =	vand.u32 $0xF, v11;
	s4 =	sadd.s32 $0x100600, s7;
	v9 =	vcombine.low v9, v5  }
0xc: {  	s9 =	ssub.s32 s31, s9;
	s5 =	sadd.s32 $0x100E00, s7;
	s6 =	sadd.s32 $0x101600, s7;
	v6 =	vcombine.low v7, v6;
	v8 =	vand.u32 $0xF, v8;
	v4 =	vlaneseq.u32  }
0xd: {  	s9 =	smax.u32 s9, $0x1;
	s7 =	sadd.s32 $0x101E00, s7;
	s8 =	sadd.s32 $0x200600, s8;
	v5 =	vor.u32 $0x3E0, v4;
	v7 =	vand.u32 $0xF, v12;
	v9 =	vand.u32 $0xF, v9  }
.LBB2_8:
0xe: {  	s16 =	sadd.s32 $0x1, s16  }
0xf: {  	p0 =	sne.s32 s16, s9  }
.Ltmp1:
0x10: {  	_ = 	snop;
	(pc) =	sbr.rel @!p0 .LBB2_9-.Ltmp1, $4  }
0x11: {  	[hbm4b:s8+s3] =	stream.linear.scatter [tilespmem:s15], [sflag:$0x3], $0x100, $0x38;
	[tilespmem:$0x8500] =	vst v63  }
0x12: {  	_ =	swait.ge [sflag:s11], $0x100  }
0x13: {  	[sflag:s11] =	ssyncset.done $0x0  }
0x14: {  	[sflag:s11] =	ssyncadd.s32 $0xFFFFFF00  }
.LBB2_1:
0x15: {  	[tilespmem:s10], [sflag:$0x3] =	stream.linear.gather [hbm4b:s1+s3], $0x400, $0x38;
	[tilespmem:$0x8500] =	vst v63  }
0x16: {  	_ =	swait.ge [sflag:s11], $0x400  }
0x17: {  	[sflag:s11] =	ssyncset.done $0x0  }
0x18: {  	[sflag:s11] =	ssyncadd.s32 $0xFFFFFC00  }
0x19: {  	v10 =	vld [tilespmem:$0x8000]  }
0x1a: {  	v11 =	vld [tilespmem:$0x8010]  }
0x1b: {  	v12 =	vld [tilespmem:$0x8020]  }
0x1c: {  	v13 =	vld [tilespmem:$0x8030]  }
0x1d: {  	v14 =	vld [tilespmem:$0x8040]  }
0x1e: {  	v15 =	vld [tilespmem:$0x8050];
	v10 =	vmul.f32 $1.442695020e+00, v10  }
0x1f: {  	v16 =	vld [tilespmem:$0x8060];
	v11 =	vmul.f32 $1.442695020e+00, v11  }
0x20: {  	v42 =	vld [tilespmem:$0x8070];
	(erf) = vpow2.f32 v10;
	v10 =	vmul.f32 $1.442695020e+00, v12  }
0x21: {  	v43 =	vld [tilespmem:$0x8080];
	(erf) = vpow2.f32 v11;
	v11 =	vmul.f32 $1.442695020e+00, v13  }
0x22: {  	v44 =	vld [tilespmem:$0x8090];
	(erf) = vpow2.f32 v10;
	v10 =	vmul.f32 $1.442695020e+00, v14  }
0x23: {  	v45 =	vld [tilespmem:$0x80A0];
	(erf) = vpow2.f32 v11;
	v11 =	vmul.f32 $1.442695020e+00, v15  }
0x24: {  	v46 =	vld [tilespmem:$0x80B0];
	(erf) = vpow2.f32 v10;
	v10 =	vmul.f32 $1.442695020e+00, v16  }
0x25: {  	v47 =	vld [tilespmem:$0x80C0];
	(erf) = vpow2.f32 v11;
	v11 =	vmul.f32 $1.442695020e+00, v42  }
0x26: {  	v48 =	vld [tilespmem:$0x80D0];
	(erf) = vpow2.f32 v10;
	v10 =	vmul.f32 $1.442695020e+00, v43  }
0x27: {  	v49 =	vld [tilespmem:$0x80E0];
	(erf) = vpow2.f32 v11;
	v11 =	vmul.f32 $1.442695020e+00, v44  }
0x28: {  	v50 =	vld [tilespmem:$0x80F0];
	(erf) = vpow2.f32 v10;
	v10 =	vmul.f32 $1.442695020e+00, v45  }
0x29: {  	v51 =	vld [tilespmem:$0x8100];
	v17 =	vpop (erf);
	(erf) = vpow2.f32 v11;
	v11 =	vmul.f32 $1.442695020e+00, v46  }
0x2a: {  	v53 =	vld [tilespmem:$0x8110];
	v52 =	vpop (erf);
	(erf) = vpow2.f32 v10;
	v10 =	vmul.f32 $1.442695020e+00, v47  }
0x2b: {  	v55 =	vld [tilespmem:$0x8120];
	[tilespmem:$0x8000] =	vst v17;
	v54 =	vpop (erf);
	(erf) = vpow2.f32 v11;
	v11 =	vmul.f32 $1.442695020e+00, v48  }
0x2c: {  	v57 =	vld [tilespmem:$0x8130];
	[tilespmem:$0x8010] =	vst v52;
	v56 =	vpop (erf);
	(erf) = vpow2.f32 v10;
	v10 =	vmul.f32 $1.442695020e+00, v49  }
0x2d: {  	v59 =	vld [tilespmem:$0x8140];
	[tilespmem:$0x8020] =	vst v54;
	v58 =	vpop (erf);
	(erf) = vpow2.f32 v11;
	v11 =	vmul.f32 $1.442695020e+00, v50  }
0x2e: {  	v61 =	vld [tilespmem:$0x8150];
	[tilespmem:$0x8030] =	vst v56;
	v60 =	vpop (erf);
	(erf) = vpow2.f32 v10;
	v10 =	vmul.f32 $1.442695020e+00, v51  }
0x2f: {  	v63 =	vld [tilespmem:$0x8160];
	[tilespmem:$0x8040] =	vst v58;
	v62 =	vpop (erf);
	(erf) = vpow2.f32 v11;
	v11 =	vmul.f32 $1.442695020e+00, v53  }
0x30: {  	v21 =	vld [tilespmem:$0x8170];
	[tilespmem:$0x8050] =	vst v60;
	v20 =	vpop (erf);
	(erf) = vpow2.f32 v10;
	v10 =	vmul.f32 $1.442695020e+00, v55  }
0x31: {  	v23 =	vld [tilespmem:$0x8180];
	[tilespmem:$0x8060] =	vst v62;
	v22 =	vpop (erf);
	(erf) = vpow2.f32 v11;
	v11 =	vmul.f32 $1.442695020e+00, v57  }
0x32: {  	v25 =	vld [tilespmem:$0x8190];
	[tilespmem:$0x8070] =	vst v20;
	v24 =	vpop (erf);
	(erf) = vpow2.f32 v10;
	v10 =	vmul.f32 $1.442695020e+00, v59  }
0x33: {  	v27 =	vld [tilespmem:$0x81A0];
	[tilespmem:$0x8080] =	vst v22;
	v26 =	vpop (erf);
	(erf) = vpow2.f32 v11;
	v11 =	vmul.f32 $1.442695020e+00, v61  }
0x34: {  	v29 =	vld [tilespmem:$0x81B0];
	[tilespmem:$0x8090] =	vst v24;
	v28 =	vpop (erf);
	(erf) = vpow2.f32 v10;
	v10 =	vmul.f32 $1.442695020e+00, v63  }
0x35: {  	v31 =	vld [tilespmem:$0x81C0];
	[tilespmem:$0x80A0] =	vst v26;
	v30 =	vpop (erf);
	(erf) = vpow2.f32 v11;
	v11 =	vmul.f32 $1.442695020e+00, v21  }
0x36: {  	v33 =	vld [tilespmem:$0x81D0];
	[tilespmem:$0x80B0] =	vst v28;
	v32 =	vpop (erf);
	(erf) = vpow2.f32 v10;
	v10 =	vmul.f32 $1.442695020e+00, v23  }
0x37: {  	v35 =	vld [tilespmem:$0x81E0];
	[tilespmem:$0x80C0] =	vst v30;
	v34 =	vpop (erf);
	(erf) = vpow2.f32 v11;
	v11 =	vmul.f32 $1.442695020e+00, v25  }
0x38: {  	v37 =	vld [tilespmem:$0x81F0];
	[tilespmem:$0x80D0] =	vst v32;
	v36 =	vpop (erf);
	(erf) = vpow2.f32 v10;
	v10 =	vmul.f32 $1.442695020e+00, v27  }
0x39: {  	v39 =	vld [tilespmem:$0x8200];
	[tilespmem:$0x80E0] =	vst v34;
	v38 =	vpop (erf);
	(erf) = vpow2.f32 v11;
	v11 =	vmul.f32 $1.442695020e+00, v29  }
0x3a: {  	v41 =	vld [tilespmem:$0x8210];
	[tilespmem:$0x80F0] =	vst v36;
	v40 =	vpop (erf);
	(erf) = vpow2.f32 v10;
	v10 =	vmul.f32 $1.442695020e+00, v31  }
0x3b: {  	v43 =	vld [tilespmem:$0x8220];
	[tilespmem:$0x8100] =	vst v38;
	v42 =	vpop (erf);
	(erf) = vpow2.f32 v11;
	v11 =	vmul.f32 $1.442695020e+00, v33  }
0x3c: {  	v45 =	vld [tilespmem:$0x8230];
	[tilespmem:$0x8110] =	vst v40;
	v44 =	vpop (erf);
	(erf) = vpow2.f32 v10;
	v10 =	vmul.f32 $1.442695020e+00, v35  }
0x3d: {  	v47 =	vld [tilespmem:$0x8240];
	[tilespmem:$0x8120] =	vst v42;
	v46 =	vpop (erf);
	(erf) = vpow2.f32 v11;
	v11 =	vmul.f32 $1.442695020e+00, v37  }
0x3e: {  	v49 =	vld [tilespmem:$0x8250];
	[tilespmem:$0x8130] =	vst v44;
	v48 =	vpop (erf);
	(erf) = vpow2.f32 v10;
	v10 =	vmul.f32 $1.442695020e+00, v39  }
0x3f: {  	v51 =	vld [tilespmem:$0x8260];
	[tilespmem:$0x8140] =	vst v46;
	v50 =	vpop (erf);
	(erf) = vpow2.f32 v11;
	v11 =	vmul.f32 $1.442695020e+00, v41  }
0x40: {  	v53 =	vld [tilespmem:$0x8270];
	[tilespmem:$0x8150] =	vst v48;
	v52 =	vpop (erf);
	(erf) = vpow2.f32 v10;
	v10 =	vmul.f32 $1.442695020e+00, v43  }
0x41: {  	v55 =	vld [tilespmem:$0x8280];
	[tilespmem:$0x8160] =	vst v50;
	v54 =	vpop (erf);
	(erf) = vpow2.f32 v11;
	v11 =	vmul.f32 $1.442695020e+00, v45  }
0x42: {  	v57 =	vld [tilespmem:$0x8290];
	[tilespmem:$0x8170] =	vst v52;
	v56 =	vpop (erf);
	(erf) = vpow2.f32 v10;
	v10 =	vmul.f32 $1.442695020e+00, v47  }
0x43: {  	v59 =	vld [tilespmem:$0x82A0];
	[tilespmem:$0x8180] =	vst v54;
	v58 =	vpop (erf);
	(erf) = vpow2.f32 v11;
	v11 =	vmul.f32 $1.442695020e+00, v49  }
0x44: {  	v61 =	vld [tilespmem:$0x82B0];
	[tilespmem:$0x8190] =	vst v56;
	v60 =	vpop (erf);
	(erf) = vpow2.f32 v10;
	v10 =	vmul.f32 $1.442695020e+00, v51  }
0x45: {  	v63 =	vld [tilespmem:$0x82C0];
	[tilespmem:$0x81A0] =	vst v58;
	v62 =	vpop (erf);
	(erf) = vpow2.f32 v11;
	v11 =	vmul.f32 $1.442695020e+00, v53  }
0x46: {  	v21 =	vld [tilespmem:$0x82D0];
	[tilespmem:$0x81B0] =	vst v60;
	v20 =	vpop (erf);
	(erf) = vpow2.f32 v10;
	v10 =	vmul.f32 $1.442695020e+00, v55  }
0x47: {  	v23 =	vld [tilespmem:$0x82E0];
	[tilespmem:$0x81C0] =	vst v62;
	v22 =	vpop (erf);
	(erf) = vpow2.f32 v11;
	v11 =	vmul.f32 $1.442695020e+00, v57  }
0x48: {  	v25 =	vld [tilespmem:$0x82F0];
	[tilespmem:$0x81D0] =	vst v20;
	v24 =	vpop (erf);
	(erf) = vpow2.f32 v10;
	v10 =	vmul.f32 $1.442695020e+00, v59  }
0x49: {  	v27 =	vld [tilespmem:$0x8300];
	[tilespmem:$0x81E0] =	vst v22;
	v26 =	vpop (erf);
	(erf) = vpow2.f32 v11;
	v11 =	vmul.f32 $1.442695020e+00, v61  }
0x4a: {  	v29 =	vld [tilespmem:$0x8310];
	[tilespmem:$0x81F0] =	vst v24;
	v28 =	vpop (erf);
	(erf) = vpow2.f32 v10;
	v10 =	vmul.f32 $1.442695020e+00, v63  }
0x4b: {  	v31 =	vld [tilespmem:$0x8320];
	[tilespmem:$0x8200] =	vst v26;
	v30 =	vpop (erf);
	(erf) = vpow2.f32 v11;
	v11 =	vmul.f32 $1.442695020e+00, v21  }
0x4c: {  	v33 =	vld [tilespmem:$0x8330];
	[tilespmem:$0x8210] =	vst v28;
	v32 =	vpop (erf);
	(erf) = vpow2.f32 v10;
	v10 =	vmul.f32 $1.442695020e+00, v23  }
0x4d: {  	v35 =	vld [tilespmem:$0x8340];
	[tilespmem:$0x8220] =	vst v30;
	v34 =	vpop (erf);
	(erf) = vpow2.f32 v11;
	v11 =	vmul.f32 $1.442695020e+00, v25  }
0x4e: {  	v37 =	vld [tilespmem:$0x8350];
	[tilespmem:$0x8230] =	vst v32;
	v36 =	vpop (erf);
	(erf) = vpow2.f32 v10;
	v10 =	vmul.f32 $1.442695020e+00, v27  }
0x4f: {  	v39 =	vld [tilespmem:$0x8360];
	[tilespmem:$0x8240] =	vst v34;
	v38 =	vpop (erf);
	(erf) = vpow2.f32 v11;
	v11 =	vmul.f32 $1.442695020e+00, v29  }
0x50: {  	v41 =	vld [tilespmem:$0x8370];
	[tilespmem:$0x8250] =	vst v36;
	v40 =	vpop (erf);
	(erf) = vpow2.f32 v10;
	v10 =	vmul.f32 $1.442695020e+00, v31  }
0x51: {  	v43 =	vld [tilespmem:$0x8380];
	[tilespmem:$0x8260] =	vst v38;
	v42 =	vpop (erf);
	(erf) = vpow2.f32 v11;
	v11 =	vmul.f32 $1.442695020e+00, v33  }
0x52: {  	v45 =	vld [tilespmem:$0x8390];
	[tilespmem:$0x8270] =	vst v40;
	v44 =	vpop (erf);
	(erf) = vpow2.f32 v10;
	v10 =	vmul.f32 $1.442695020e+00, v35  }
0x53: {  	v47 =	vld [tilespmem:$0x83A0];
	[tilespmem:$0x8280] =	vst v42;
	v46 =	vpop (erf);
	(erf) = vpow2.f32 v11;
	v11 =	vmul.f32 $1.442695020e+00, v37  }
0x54: {  	v49 =	vld [tilespmem:$0x83B0];
	[tilespmem:$0x8290] =	vst v44;
	v48 =	vpop (erf);
	(erf) = vpow2.f32 v10;
	v10 =	vmul.f32 $1.442695020e+00, v39  }
0x55: {  	v51 =	vld [tilespmem:$0x83C0];
	[tilespmem:$0x82A0] =	vst v46;
	v50 =	vpop (erf);
	(erf) = vpow2.f32 v11;
	v11 =	vmul.f32 $1.442695020e+00, v41  }
0x56: {  	v53 =	vld [tilespmem:$0x83D0];
	[tilespmem:$0x82B0] =	vst v48;
	v52 =	vpop (erf);
	(erf) = vpow2.f32 v10;
	v10 =	vmul.f32 $1.442695020e+00, v43  }
0x57: {  	v55 =	vld [tilespmem:$0x83E0];
	[tilespmem:$0x82C0] =	vst v50;
	v54 =	vpop (erf);
	(erf) = vpow2.f32 v11;
	v11 =	vmul.f32 $1.442695020e+00, v45  }
0x58: {  	v57 =	vld [tilespmem:$0x83F0];
	[tilespmem:$0x82D0] =	vst v52;
	v56 =	vpop (erf);
	(erf) = vpow2.f32 v10;
	v10 =	vmul.f32 $1.442695020e+00, v47  }
0x59: {  	[tilespmem:$0x82E0] =	vst v54;
	v58 =	vpop (erf);
	(erf) = vpow2.f32 v11;
	v11 =	vmul.f32 $1.442695020e+00, v49  }
0x5a: {  	[tilespmem:$0x82F0] =	vst v56;
	v59 =	vpop (erf);
	(erf) = vpow2.f32 v10;
	v10 =	vmul.f32 $1.442695020e+00, v51  }
0x5b: {  	[tilespmem:$0x8300] =	vst v58;
	v60 =	vpop (erf);
	(erf) = vpow2.f32 v11;
	v11 =	vmul.f32 $1.442695020e+00, v53  }
0x5c: {  	[tilespmem:$0x8310] =	vst v59;
	v61 =	vpop (erf);
	(erf) = vpow2.f32 v10;
	v10 =	vmul.f32 $1.442695020e+00, v55  }
0x5d: {  	[tilespmem:$0x8320] =	vst v60;
	v62 =	vpop (erf);
	(erf) = vpow2.f32 v11;
	v11 =	vmul.f32 $1.442695020e+00, v57  }
0x5e: {  	[tilespmem:$0x8330] =	vst v61  }
0x5f: {  	[tilespmem:$0x8340] =	vst v62;
	v63 =	vpop (erf);
	(erf) = vpow2.f32 v10  }
0x60: {  	[tilespmem:$0x8350] =	vst v63;
	v10 =	vpop (erf);
	(erf) = vpow2.f32 v11  }
0x61: {  	v11 =	vpop (erf);
	[tilespmem:$0x8360] =	vst v10  }
0x62: {  	v10 =	vpop (erf);
	[tilespmem:$0x8370] =	vst v11  }
0x63: {  	v11 =	vpop (erf);
	[tilespmem:$0x8380] =	vst v10  }
0x64: {  	v10 =	vpop (erf);
	[tilespmem:$0x8390] =	vst v11  }
0x65: {  	v11 =	vpop (erf);
	[tilespmem:$0x83A0] =	vst v10  }
0x66: {  	v10 =	vpop (erf);
	[tilespmem:$0x83B0] =	vst v11  }
0x67: {  	v11 =	vpop (erf);
	[tilespmem:$0x83C0] =	vst v10  }
0x68: {  	v10 =	vpop (erf);
	[tilespmem:$0x83D0] =	vst v11  }
0x69: {  	[tilespmem:$0x83E0] =	vst v10;
	v10 =	vpop (erf)  }
0x6a: {  	[tilespmem:$0x83F0] =	vst v10  }
0x6b: {  	[tilespmem:s3], [sflag:$0x1] =	stream.linear.gather [hbm4b:s4+s3], $0x4000, $0x38;
	[tilespmem:$0x8500] =	vst v63  }
0x6c: {  	s17 =	simm.s32 $0x0  }
0x6d: {  	[tilespmem:s12], [sflag:$0x2] =	stream.linear.gather [hbm4b:s5+s3], $0x4000, $0x38;
	[tilespmem:$0x8500] =	vst v63  }
.LBB2_2:
0x6e: {  	_ =	swait.ge [sflag:s13], $0x4000;
	s18 =	simm.s32 $0x0  }
0x6f: {  	[sflag:s13] =	ssyncset.done $0x0;
	s19 =	sand.u32 $0x2000, s18;
	s20 =	sand.u32 $0x380, s18  }
0x70: {  	[sflag:s13] =	ssyncadd.s32 $0xFFFFC000;
	s19 =	sor.u32 s20, s19  }
0x71: {  	v10 =	vld [tilespmem:s19+$0x20]  }
0x72: {  	v11 =	vld [tilespmem:s19+$0x30]  }
0x73: {  	v12 =	vld [tilespmem:s19+$0x60]  }
0x74: {  	v13 =	vld [tilespmem:s19+$0x70]  }
0x75: {  	v14 =	vld [tilespmem:s19+$0x0]  }
0x76: {  	v15 =	vld [tilespmem:s19+$0x10]  }
0x77: {  	v16 =	vld [tilespmem:s19+$0x40]  }
0x78: {  	v17 =	vld [tilespmem:s19+$0x50]  }
0x79: {  	v18 =	vld [tilespmem:s19+$0x420]  }
0x7a: {  	v19 =	vld [tilespmem:s19+$0x430]  }
0x7b: {  	v20 =	vld [tilespmem:s19+$0x400]  }
0x7c: {  	v21 =	vld [tilespmem:s19+$0x410];
	vm1 =	vgt.f32 v12, v10;
	vm2 =	vgt.f32 v13, v11;
	vm3 =	vgt.f32 v16, v14  }
0x7d: {  	v24 =	vld [tilespmem:s19+$0x460];
	vm4 =	vgt.f32 v17, v15;
	v22 =	vsel vm1, $0x6, v2;
	v23 =	vsel vm3, $0x4, v0  }
0x7e: {  	v25 =	vsel vm4, $0x5, v1;
	v26 =	vsel vm2, $0x7, v3;
	v10 =	vsel vm1, v12, v10;
	v12 =	vld [tilespmem:s19+$0x470]  }
0x7f: {  	v11 =	vsel vm2, v13, v11;
	v13 =	vsel vm3, v16, v14;
	v14 =	vsel vm4, v17, v15;
	v15 =	vld [tilespmem:s19+$0x440]  }
0x80: {  	v16 =	vld [tilespmem:s19+$0x450];
	vm1 =	vgt.f32 v18, v10;
	vm2 =	vgt.f32 v19, v11;
	vm3 =	vgt.f32 v20, v13  }
0x81: {  	vm4 =	vgt.f32 v21, v14;
	v17 =	vsel vm1, $0xA, v22;
	v22 =	vsel vm2, $0xB, v26;
	v26 =	vld [tilespmem:s19+$0x820]  }
0x82: {  	v23 =	vsel vm3, $0x8, v23;
	v25 =	vsel vm4, $0x9, v25;
	v10 =	vsel vm1, v18, v10;
	v18 =	vld [tilespmem:s19+$0x830]  }
0x83: {  	v11 =	vsel vm2, v19, v11;
	v13 =	vsel vm3, v20, v13;
	v19 =	vld [tilespmem:s19+$0x800];
	vm1 =	vgt.f32 v24, v10  }
0x84: {  	v14 =	vsel vm4, v21, v14;
	v20 =	vld [tilespmem:s19+$0x810];
	v17 =	vsel vm1, $0xE, v17;
	vm2 =	vgt.f32 v12, v11  }
0x85: {  	v10 =	vsel vm1, v24, v10;
	vm3 =	vgt.f32 v15, v13;
	v21 =	vsel vm2, $0xF, v22;
	v22 =	vld [tilespmem:s19+$0x860]  }
0x86: {  	vm4 =	vgt.f32 v16, v14;
	v23 =	vsel vm3, $0xC, v23;
	v13 =	vsel vm3, v15, v13;
	v15 =	vld [tilespmem:s19+$0x840]  }
0x87: {  	v25 =	vsel vm4, $0xD, v25;
	v11 =	vsel vm2, v12, v11;
	v12 =	vsel vm4, v16, v14;
	v14 =	vld [tilespmem:s19+$0x850]  }
0x88: {  	v16 =	vld [tilespmem:s19+$0x870];
	vm1 =	vgt.f32 v26, v10;
	vm2 =	vgt.f32 v19, v13;
	vm3 =	vgt.f32 v18, v11  }
0x89: {  	v24 =	vld [tilespmem:s19+$0xC20];
	vm4 =	vgt.f32 v20, v12;
	v17 =	vsel vm1, $0x12, v17;
	v23 =	vsel vm2, $0x10, v23  }
0x8a: {  	v21 =	vsel vm3, $0x13, v21;
	v25 =	vsel vm4, $0x11, v25;
	v10 =	vsel vm1, v26, v10;
	v26 =	vld [tilespmem:s19+$0xC00]  }
0x8b: {  	v11 =	vsel vm3, v18, v11;
	v13 =	vsel vm2, v19, v13;
	v12 =	vsel vm4, v20, v12;
	v18 =	vld [tilespmem:s19+$0xC10]  }
0x8c: {  	v19 =	vld [tilespmem:s19+$0xC30];
	vm1 =	vgt.f32 v22, v10;
	vm2 =	vgt.f32 v15, v13;
	vm3 =	vgt.f32 v14, v12  }
0x8d: {  	v20 =	vld [tilespmem:s19+$0xC60];
	vm4 =	vgt.f32 v16, v11;
	v23 =	vsel vm2, $0x14, v23;
	v17 =	vsel vm1, $0x16, v17  }
0x8e: {  	v21 =	vsel vm4, $0x17, v21;
	v25 =	vsel vm3, $0x15, v25;
	v10 =	vsel vm1, v22, v10;
	v22 =	vld [tilespmem:s19+$0xC40]  }
0x8f: {  	v11 =	vsel vm4, v16, v11;
	v13 =	vsel vm2, v15, v13;
	v12 =	vsel vm3, v14, v12;
	v14 =	vld [tilespmem:s19+$0xC50]  }
0x90: {  	v15 =	vld [tilespmem:s19+$0xC70];
	vm1 =	vgt.f32 v24, v10;
	vm2 =	vgt.f32 v26, v13;
	vm3 =	vgt.f32 v18, v12  }
0x91: {  	v16 =	vld [tilespmem:s19+$0x1020];
	vm4 =	vgt.f32 v19, v11;
	v23 =	vsel vm2, $0x18, v23;
	v17 =	vsel vm1, $0x1A, v17  }
0x92: {  	v21 =	vsel vm4, $0x1B, v21;
	v25 =	vsel vm3, $0x19, v25;
	v10 =	vsel vm1, v24, v10;
	v24 =	vld [tilespmem:s19+$0x1000]  }
0x93: {  	v11 =	vsel vm4, v19, v11;
	v12 =	vsel vm3, v18, v12;
	v18 =	vld [tilespmem:s19+$0x1010];
	vm1 =	vgt.f32 v20, v10  }
0x94: {  	v13 =	vsel vm2, v26, v13;
	v19 =	vld [tilespmem:s19+$0x1030];
	v17 =	vsel vm1, $0x1E, v17;
	v10 =	vsel vm1, v20, v10  }
0x95: {  	v26 =	vld [tilespmem:s19+$0x1060];
	vm2 =	vgt.f32 v22, v13;
	vm3 =	vgt.f32 v14, v12;
	vm4 =	vgt.f32 v15, v11  }
0x96: {  	v20 =	vld [tilespmem:s19+$0x1040];
	vm1 =	vgt.f32 v16, v10;
	v23 =	vsel vm2, $0x1C, v23;
	v21 =	vsel vm4, $0x1F, v21  }
0x97: {  	v25 =	vsel vm3, $0x1D, v25;
	v11 =	vsel vm4, v15, v11;
	v12 =	vsel vm3, v14, v12;
	v14 =	vld [tilespmem:s19+$0x1050]  }
0x98: {  	v13 =	vsel vm2, v22, v13;
	v15 =	vld [tilespmem:s19+$0x1070];
	v17 =	vsel vm1, $0x22, v17;
	v10 =	vsel vm1, v16, v10  }
0x99: {  	v22 =	vld [tilespmem:s19+$0x1420];
	vm2 =	vgt.f32 v24, v13;
	vm3 =	vgt.f32 v18, v12;
	vm4 =	vgt.f32 v19, v11  }
0x9a: {  	v16 =	vld [tilespmem:s19+$0x1430];
	vm1 =	vgt.f32 v26, v10;
	v23 =	vsel vm2, $0x20, v23;
	v21 =	vsel vm4, $0x23, v21  }
0x9b: {  	v25 =	vsel vm3, $0x21, v25;
	v13 =	vsel vm2, v24, v13;
	v12 =	vsel vm3, v18, v12;
	v18 =	vld [tilespmem:s19+$0x1400]  }
0x9c: {  	v11 =	vsel vm4, v19, v11;
	v19 =	vld [tilespmem:s19+$0x1410];
	v17 =	vsel vm1, $0x26, v17;
	vm2 =	vgt.f32 v20, v13  }
0x9d: {  	v24 =	vld [tilespmem:s19+$0x1460];
	v10 =	vsel vm1, v26, v10;
	v23 =	vsel vm2, $0x24, v23;
	v13 =	vsel vm2, v20, v13  }
0x9e: {  	v26 =	vld [tilespmem:s19+$0x1470];
	vm3 =	vgt.f32 v14, v12;
	vm4 =	vgt.f32 v15, v11;
	vm2 =	vgt.f32 v22, v10  }
0x9f: {  	v21 =	vsel vm4, $0x27, v21;
	v25 =	vsel vm3, $0x25, v25;
	v12 =	vsel vm3, v14, v12;
	v14 =	vld [tilespmem:s19+$0x1440]  }
0xa0: {  	v11 =	vsel vm4, v15, v11;
	v15 =	vld [tilespmem:s19+$0x1450];
	v17 =	vsel vm2, $0x2A, v17;
	v10 =	vsel vm2, v22, v10  }
0xa1: {  	v22 =	vld [tilespmem:s19+$0x1830];
	vm1 =	vgt.f32 v18, v13;
	vm3 =	vgt.f32 v16, v11;
	vm4 =	vgt.f32 v19, v12  }
0xa2: {  	vm2 =	vgt.f32 v24, v10;
	v20 =	vsel vm3, $0x2B, v21;
	v21 =	vld [tilespmem:s19+$0x1820];
	v23 =	vsel vm1, $0x28, v23  }
0xa3: {  	s24 =	sand.u32 $0x7, s18;
	v25 =	vsel vm4, $0x29, v25;
	v13 =	vsel vm1, v18, v13;
	v11 =	vsel vm3, v16, v11;
	v16 =	vld [tilespmem:s19+$0x1800]  }
0xa4: {  	s20 =	sshll.u32 s24, $0x7;
	v12 =	vsel vm4, v19, v12;
	v18 =	vld [tilespmem:s19+$0x1810];
	v17 =	vsel vm2, $0x2E, v17;
	vm3 =	vgt.f32 v26, v11  }
0xa5: {  	s21 =	sadd.s32 $0x0, s20;
	v10 =	vsel vm2, v24, v10;
	v24 =	vld [tilespmem:s19+$0x1870];
	v19 =	vsel vm3, $0x2F, v20;
	v11 =	vsel vm3, v26, v11  }
0xa6: {  	s25 =	sor.u32 $0x1C20, s21;
	v20 =	vld [tilespmem:s19+$0x1860];
	vm1 =	vgt.f32 v14, v13;
	vm4 =	vgt.f32 v15, v12;
	vm3 =	vgt.f32 v22, v11  }
0xa7: {  	v26 =	vld [tilespmem:s25+$0x0];
	v23 =	vsel vm1, $0x2C, v23;
	v25 =	vsel vm4, $0x2D, v25;
	v13 =	vsel vm1, v14, v13  }
0xa8: {  	v12 =	vsel vm4, v15, v12;
	v14 =	vld [tilespmem:s19+$0x1840];
	v19 =	vsel vm3, $0x33, v19;
	v11 =	vsel vm3, v22, v11  }
0xa9: {  	s26 =	sor.u32 $0x1C30, s21;
	v15 =	vld [tilespmem:s19+$0x1850];
	vm1 =	vgt.f32 v16, v13;
	vm2 =	vgt.f32 v21, v10;
	vm4 =	vgt.f32 v18, v12  }
0xaa: {  	s20 =	sor.u32 $0x1C00, s21;
	vm3 =	vgt.f32 v24, v11;
	v17 =	vsel vm2, $0x32, v17;
	v10 =	vsel vm2, v21, v10;
	v21 =	vld [tilespmem:s26+$0x0]  }
0xab: {  	s28 =	sor.u32 $0x1C10, s21;
	v23 =	vsel vm1, $0x30, v23;
	v25 =	vsel vm4, $0x31, v25;
	v13 =	vsel vm1, v16, v13;
	v16 =	vld [tilespmem:s20+$0x0]  }
0xac: {  	v12 =	vsel vm4, v18, v12;
	v18 =	vld [tilespmem:s28+$0x0];
	v19 =	vsel vm3, $0x37, v19;
	vm2 =	vgt.f32 v20, v10  }
0xad: {  	v11 =	vsel vm3, v24, v11;
	v17 =	vsel vm2, $0x36, v17;
	v10 =	vsel vm2, v20, v10  }
0xae: {  	s29 =	sor.u32 $0x1C40, s21;
	vm1 =	vgt.f32 v14, v13;
	vm4 =	vgt.f32 v15, v12;
	vm2 =	vgt.f32 v26, v10  }
0xaf: {  	s30 =	sor.u32 $0x1C50, s21;
	v22 =	vsel vm1, $0x34, v23;
	v23 =	vsel vm4, $0x35, v25;
	v13 =	vsel vm1, v14, v13;
	v14 =	vld [tilespmem:s29+$0x0]  }
0xb0: {  	v12 =	vsel vm4, v15, v12;
	v15 =	vld [tilespmem:s30+$0x0];
	v20 =	vsel vm2, v26, v10;
	v17 =	vsel vm2, $0x3A, v17  }
0xb1: {  	vm1 =	vgt.f32 v16, v13;
	vm3 =	vgt.f32 v21, v11;
	vm4 =	vgt.f32 v18, v12  }
0xb2: {  	s22 =	simm.s32 $0x80;
	s19 =	simm.s32 $0x400;
	v10 =	vsel vm1, $0x38, v22;
	v11 =	vsel vm3, v21, v11;
	v19 =	vsel vm3, $0x3B, v19  }
0xb3: {  	s23 =	sand.u32 $0x380, s22;
	s31 =	sand.u32 $0x2000, s19;
	v13 =	vsel vm1, v16, v13;
	v12 =	vsel vm4, v18, v12;
	v16 =	vsel vm4, $0x39, v23  }
0xb4: {  	s20 =	sor.u32 s23, s31;
	vm2 =	vgt.f32 v11, v20;
	vm3 =	veq.f32 v11, v20;
	vm1 =	vgt.f32 v14, v13  }
0xb5: {  	v21 =	vld [tilespmem:s20+$0x30];
	vm5 =	vlt.u32 v19, v17;
	vm4 =	vgt.f32 v15, v12;
	v13 =	vsel vm1, v14, v13  }
0xb6: {  	v23 =	vld [tilespmem:s20+$0x70];
	v22 =	vsel vm1, $0x3C, v10;
	v12 =	vsel vm4, v15, v12;
	v16 =	vsel vm4, $0x3D, v16  }
0xb7: {  	s21 =	sor.u32 $0x1C60, s21;
	vm3 =	vmand vm3, vm5;
	vm1 =	veq.f32 v12, v13;
	vm4 =	vlt.u32 v16, v22  }
0xb8: {  	v24 =	vld.msk [tilespmem:s21+$0x0], $0xff;
	vm2 =	vmor vm2, vm3;
	vm5 =	vgt.f32 v12, v13;
	vm1 =	vmand vm1, vm4  }
0xb9: {  	v25 =	vld [tilespmem:s20+$0x0];
	v11 =	vsel vm2, v11, v20;
	v15 =	vperm.xlane v15, v4;
	vm1 =	vmor vm5, vm1  }
0xba: {  	v18 =	vld [tilespmem:s20+$0x20];
	v12 =	vsel vm1, v12, v13;
	v13 =	vsel vm1, v16, v22;
	v16 =	vsel vm2, v19, v17  }
0xbb: {  	v14 =	vld [tilespmem:s20+$0x60];
	vm4 =	vgt.f32 v23, v21;
	vm1 =	veq.f32 v11, v12;
	vm2 =	vlt.u32 v16, v13  }
0xbc: {  	v20 =	vld [tilespmem:s20+$0x10];
	v19 =	vmov s18;
	vm3 =	vgt.f32 v11, v12;
	vm2 =	vmand vm1, vm2  }
0xbd: {  	v17 =	vld [tilespmem:s20+$0x40];
	vm1 =	veq.s32 v19, v4;
	v19 =	vperm.xlane v24, v4;
	vm2 =	vmor vm3, vm2  }
0xbe: {  	v10 =	vimm.f32 $0.0e+00;
	v28 =	vsel vm4, $0x7, v3;
	v22 =	vld [tilespmem:s20+$0x50];
	v13 =	vsel vm2, v16, v13  }
0xbf: {  	v11 =	vsel vm2, v11, v12;
	v12 =	vshll.u32 v13, $0x4;
	v13 =	vsel vm0, v19, v15  }
0xc0: {  	vm3 =	vgt.f32 v14, v18;
	v12 =	vor.u32 v4, v12;
	vm5 =	vgt.f32 v13, v11  }
0xc1: {  	v14 =	vsel vm3, v14, v18;
	v11 =	vsel vm5, v13, v11;
	v12 =	vsel vm5, v5, v12  }
0xc2: {  	v18 =	vld [tilespmem:s20+$0x410];
	vm2 =	vgt.f32 v17, v25;
	v19 =	vperm.xlane v11, v6;
	v24 =	vperm.xlane v12, v6  }
0xc3: {  	v21 =	vsel vm4, v23, v21;
	vm6 =	vgt.f32 v22, v20;
	v15 =	vld [tilespmem:s20+$0x420];
	v26 =	vsel vm2, $0x4, v0  }
0xc4: {  	v29 =	vld [tilespmem:s20+$0x400];
	v13 =	vsel vm3, $0x6, v2;
	vm3 =	veq.f32 v19, v11;
	vm5 =	vlt.s32 v24, v12  }
0xc5: {  	v16 =	vld [tilespmem:s20+$0x430];
	v27 =	vsel vm6, $0x5, v1;
	vm4 =	vgt.f32 v19, v11;
	vm3 =	vmand vm3, vm5  }
0xc6: {  	v17 =	vsel vm2, v17, v25;
	v20 =	vsel vm6, v22, v20;
	vm2 =	vmor vm4, vm3  }
0xc7: {  	vm5 =	vgt.f32 v18, v20;
	v11 =	vsel vm2, v19, v11;
	v12 =	vsel vm2, v24, v12  }
0xc8: {  	vm3 =	vgt.f32 v15, v14;
	v19 =	vperm.xlane v11, v7;
	v22 =	vperm.xlane v12, v7  }
0xc9: {  	v23 =	vld [tilespmem:s20+$0x460];
	vm4 =	vgt.f32 v29, v17;
	v27 =	vsel vm5, $0x9, v27;
	v18 =	vsel vm5, v18, v20  }
0xca: {  	vm2 =	vgt.f32 v16, v21;
	vm15 =	veq.f32 v19, v11;
	vm7 =	vlt.s32 v22, v12  }
0xcb: {  	v25 =	vld [tilespmem:s20+$0x470];
	v13 =	vsel vm3, $0xA, v13;
	vm8 =	vgt.f32 v19, v11;
	vm6 =	vmand vm15, vm7  }
0xcc: {  	v14 =	vsel vm3, v15, v14;
	v15 =	vld [tilespmem:s20+$0x450];
	v24 =	vsel vm2, $0xB, v28;
	vm3 =	vmor vm8, vm6  }
0xcd: {  	v28 =	vld [tilespmem:s20+$0x440];
	v16 =	vsel vm2, v16, v21;
	v11 =	vsel vm3, v19, v11;
	v12 =	vsel vm3, v22, v12  }
0xce: {  	vm2 =	vgt.f32 v23, v14;
	v19 =	vperm.xlane v11, v8;
	v21 =	vperm.xlane v12, v8  }
0xcf: {  	v26 =	vsel vm4, $0x8, v26;
	v17 =	vsel vm4, v29, v17;
	v13 =	vsel vm2, $0xE, v13  }
0xd0: {  	v14 =	vsel vm2, v23, v14;
	vm5 =	veq.f32 v19, v11;
	vm12 =	vlt.s32 v21, v12  }
0xd1: {  	v31 =	vld [tilespmem:s20+$0xC20];
	vm13 =	vgt.f32 v15, v18;
	vm14 =	vgt.f32 v19, v11;
	vm5 =	vmand vm5, vm12  }
0xd2: {  	v20 =	vld [tilespmem:s20+$0x820];
	vm3 =	vgt.f32 v25, v16;
	vm4 =	vgt.f32 v28, v17;
	vm5 =	vmor vm14, vm5  }
0xd3: {  	v22 =	vsel vm3, $0xF, v24;
	v24 =	vld [tilespmem:s20+$0x830];
	v11 =	vsel vm5, v19, v11;
	v12 =	vsel vm5, v21, v12  }
0xd4: {  	v29 =	vld [tilespmem:s20+$0x800];
	v19 =	vsel vm13, $0xD, v27;
	v27 =	vperm.xlane v11, v9;
	v30 =	vperm.xlane v12, v9  }
0xd5: {  	v23 =	vld [tilespmem:s20+$0x860];
	v18 =	vsel vm13, v15, v18;
	v26 =	vsel vm4, $0xC, v26;
	v17 =	vsel vm4, v28, v17  }
0xd6: {  	v16 =	vsel vm3, v25, v16;
	v21 =	vld [tilespmem:s20+$0x810];
	vm2 =	veq.f32 v27, v11;
	vm3 =	vlt.s32 v30, v12  }
0xd7: {  	vm4 =	vgt.f32 v20, v14;
	v28 =	vld [tilespmem:s20+$0x840];
	vm5 =	vgt.f32 v27, v11;
	vm2 =	vmand vm2, vm3  }
0xd8: {  	v25 =	vld [tilespmem:s20+$0x870];
	v13 =	vsel vm4, $0x12, v13;
	vm15 =	vgt.f32 v24, v16;
	vm2 =	vmor vm5, vm2  }
0xd9: {  	v63 =	vld [tilespmem:s20+$0xC30];
	v20 =	vsel vm4, v20, v14;
	v22 =	vsel vm15, $0x13, v22;
	v12 =	vsel vm2, v30, v12  }
0xda: {  	v16 =	vsel vm15, v24, v16;
	v11 =	vld [tilespmem:s20+$0x850];
	vm3 =	vgt.f32 v29, v17;
	(v2sf) =	vpush v12, $0x0  }
0xdb: {  	v15 =	vld [tilespmem:s20+$0xC00];
	vm5 =	vgt.f32 v21, v18;
	v26 =	vsel vm3, $0x10, v26;
	v17 =	vsel vm3, v29, v17  }
0xdc: {  	v14 =	vld [tilespmem:s20+$0xC70];
	v19 =	vsel vm5, $0x11, v19;
	v21 =	vsel vm5, v21, v18;
	vm3 =	vgt.f32 v28, v17  }
0xdd: {  	vm2 =	vgt.f32 v23, v20;
	v18 =	vld [tilespmem:s20+$0xC10];
	vm5 =	vgt.f32 v25, v16;
	v24 =	vsel vm3, $0x14, v26  }
0xde: {  	v12 =	vld [tilespmem:s20+$0xC60];
	v13 =	vsel vm2, $0x16, v13;
	v26 =	vsel vm5, $0x17, v22;
	v29 =	vsel vm2, v23, v20  }
0xdf: {  	v25 =	vsel vm5, v25, v16;
	v16 =	vld [tilespmem:s20+$0xC40];
	v20 =	vsel vm3, v28, v17;
	vm4 =	vgt.f32 v11, v21  }
0xe0: {  	vm2 =	vgt.f32 v15, v20;
	vm5 =	vgt.f32 v63, v25;
	v27 =	vsel vm4, $0x15, v19;
	v19 =	vld [tilespmem:s20+$0xC50]  }
0xe1: {  	v17 =	vld [tilespmem:s20+$0x1000];
	v21 =	vsel vm4, v11, v21;
	vm4 =	vgt.f32 v31, v29;
	v22 =	vsel vm2, $0x18, v24  }
0xe2: {  	v11 =	vld [tilespmem:s20+$0x1020];
	v24 =	vsel vm5, $0x1B, v26;
	v25 =	vsel vm5, v63, v25;
	vm3 =	vgt.f32 v18, v21  }
0xe3: {  	s21 =	simm.s32 $0x1;
	s23 =	simm.s32 $0x2;
	v23 =	vsel vm4, $0x1A, v13;
	v13 =	vld [tilespmem:s20+$0x1030];
	v26 =	vsel vm4, v31, v29;
	v27 =	vsel vm3, $0x19, v27  }
.LBB2_3:
0xe4: {  	p0 =	sne.s32 s23, $0xF;
	v15 =	vsel vm2, v15, v20;
	v18 =	vsel vm3, v18, v21;
	vm2 =	vgt.f32 v12, v26;
	v20 =	vld [tilespmem:s20+$0x1010]  }
0xe5: {  	vm5 =	vgt.f32 v14, v25;
	vm3 =	vgt.f32 v16, v15;
	vm4 =	vgt.f32 v19, v18;
	v21 =	vld [tilespmem:s20+$0x1060]  }
0xe6: {  	v23 =	vsel vm2, $0x1E, v23;
	v24 =	vsel vm5, $0x1F, v24;
	v22 =	vsel vm3, $0x1C, v22;
	v28 =	vld [tilespmem:s20+$0x1070]  }
0xe7: {  	v12 =	vsel vm2, v12, v26;
	v14 =	vsel vm5, v14, v25;
	v27 =	vsel vm4, $0x1D, v27;
	v25 =	vld [tilespmem:s20+$0x1040]  }
0xe8: {  	v15 =	vsel vm3, v16, v15;
	v16 =	vsel vm4, v19, v18;
	vm2 =	vgt.f32 v11, v12;
	v18 =	vld [tilespmem:s20+$0x1050]  }
0xe9: {  	vm5 =	vgt.f32 v13, v14;
	vm3 =	vgt.f32 v17, v15;
	vm4 =	vgt.f32 v20, v16;
	v19 =	vld [tilespmem:s20+$0x1420];
	s24 =	spop (v2sf)  }
0xea: {  	v23 =	vsel vm2, $0x22, v23;
	v24 =	vsel vm5, $0x23, v24;
	v22 =	vsel vm3, $0x20, v22;
	v26 =	vld.msk [tilespmem:s24+$0x8000 ss:$0x0], $0xffff  }
0xeb: {  	v11 =	vsel vm2, v11, v12;
	v12 =	vsel vm5, v13, v14;
	v27 =	vsel vm4, $0x21, v27;
	v13 =	vld [tilespmem:s20+$0x1430]  }
0xec: {  	v14 =	vsel vm3, v17, v15;
	v15 =	vsel vm4, v20, v16;
	vm2 =	vgt.f32 v21, v11;
	v16 =	vld [tilespmem:s20+$0x1400]  }
0xed: {  	vm5 =	vgt.f32 v28, v12;
	vm3 =	vgt.f32 v25, v14;
	vm4 =	vgt.f32 v18, v15;
	v17 =	vld [tilespmem:s20+$0x1410]  }
0xee: {  	v20 =	vsel vm3, $0x24, v22;
	v22 =	vsel vm2, $0x26, v23;
	v23 =	vsel vm5, $0x27, v24;
	v24 =	vld [tilespmem:s20+$0x1460]  }
0xef: {  	v11 =	vsel vm2, v21, v11;
	v12 =	vsel vm5, v28, v12;
	v27 =	vsel vm4, $0x25, v27;
	v21 =	vld [tilespmem:s20+$0x1470]  }
0xf0: {  	v14 =	vsel vm3, v25, v14;
	v15 =	vsel vm4, v18, v15;
	v10 =	vsel vm1, v26, v10;
	v18 =	vld [tilespmem:s20+$0x1440]  }
0xf1: {  	vm2 =	vgt.f32 v19, v11;
	vm3 =	vgt.f32 v13, v12;
	vm1 =	vgt.f32 v16, v14;
	v25 =	vld [tilespmem:s20+$0x1450]  }
0xf2: {  	v22 =	vsel vm2, $0x2A, v22;
	v23 =	vsel vm3, $0x2B, v23;
	vm4 =	vgt.f32 v17, v15;
	v26 =	vld [tilespmem:s20+$0x1820]  }
0xf3: {  	v11 =	vsel vm2, v19, v11;
	v20 =	vsel vm1, $0x28, v20;
	v27 =	vsel vm4, $0x29, v27;
	v19 =	vld [tilespmem:s20+$0x1830]  }
0xf4: {  	v12 =	vsel vm3, v13, v12;
	v14 =	vsel vm1, v16, v14;
	v15 =	vsel vm4, v17, v15;
	v13 =	vld [tilespmem:s20+$0x1800]  }
0xf5: {  	s18 =	sadd.s32 $0x1, s18;
	vm2 =	vgt.f32 v24, v11;
	vm3 =	vgt.f32 v21, v12;
	vm1 =	vgt.f32 v18, v14;
	v16 =	vld [tilespmem:s20+$0x1810]  }
0xf6: {  	s24 =	sand.u32 $0x7, s18;
	v17 =	vsel vm2, $0x2E, v22;
	v22 =	vsel vm3, $0x2F, v23;
	vm4 =	vgt.f32 v25, v15;
	v23 =	vld [tilespmem:s20+$0x1860]  }
0xf7: {  	s24 =	sshll.u32 s24, $0x7;
	v11 =	vsel vm2, v24, v11;
	v20 =	vsel vm1, $0x2C, v20;
	v27 =	vsel vm4, $0x2D, v27;
	v24 =	vld [tilespmem:s20+$0x1870]  }
0xf8: {  	s24 =	sadd.s32 s24, s19;
	v12 =	vsel vm3, v21, v12;
	v14 =	vsel vm1, v18, v14;
	v15 =	vsel vm4, v25, v15;
	v18 =	vld [tilespmem:s20+$0x1840]  }
0xf9: {  	vm2 =	vgt.f32 v26, v11;
	vm3 =	vgt.f32 v19, v12;
	vm1 =	vgt.f32 v13, v14;
	v21 =	vld [tilespmem:s20+$0x1850];
	s20 =	sor.u32 $0x1C20, s24  }
0xfa: {  	v17 =	vsel vm2, $0x32, v17;
	v22 =	vsel vm3, $0x33, v22;
	vm4 =	vgt.f32 v16, v15;
	v25 =	vld [tilespmem:s20+$0x0];
	s20 =	sor.u32 $0x1C30, s24  }
0xfb: {  	s25 =	sor.u32 $0x1C00, s24;
	v11 =	vsel vm2, v26, v11;
	v20 =	vsel vm1, $0x30, v20;
	v27 =	vsel vm4, $0x31, v27;
	v26 =	vld [tilespmem:s20+$0x0]  }
0xfc: {  	v12 =	vsel vm3, v19, v12;
	v13 =	vsel vm1, v13, v14;
	v14 =	vsel vm4, v16, v15;
	s20 =	sor.u32 $0x1C10, s24;
	v15 =	vld [tilespmem:s25+$0x0]  }
0xfd: {  	vm2 =	vgt.f32 v23, v11;
	vm3 =	vgt.f32 v24, v12;
	vm1 =	vgt.f32 v18, v13;
	v16 =	vld [tilespmem:s20+$0x0]  }
0xfe: {  	v17 =	vsel vm2, $0x36, v17;
	v19 =	vsel vm3, $0x37, v22;
	vm4 =	vgt.f32 v21, v14  }
0xff: {  	v11 =	vsel vm2, v23, v11;
	s20 =	sor.u32 $0x1C40, s24;
	v20 =	vsel vm1, $0x34, v20;
	v22 =	vsel vm4, $0x35, v27  }
0x100: {  	v12 =	vsel vm3, v24, v12;
	v13 =	vsel vm1, v18, v13;
	v14 =	vsel vm4, v21, v14;
	v18 =	vld [tilespmem:s20+$0x0];
	s20 =	sor.u32 $0x1C50, s24  }
0x101: {  	vm2 =	vgt.f32 v25, v11;
	vm3 =	vgt.f32 v26, v12;
	vm1 =	vgt.f32 v15, v13;
	v21 =	vld [tilespmem:s20+$0x0]  }
0x102: {  	s22 =	sadd.s32 $0x80, s22;
	s19 =	sadd.s32 $0x400, s19;
	v11 =	vsel vm2, v25, v11;
	v17 =	vsel vm2, $0x3A, v17;
	vm4 =	vgt.f32 v16, v14  }
0x103: {  	s25 =	sand.u32 $0x380, s22;
	s20 =	sand.u32 $0x2000, s19;
	v12 =	vsel vm3, v26, v12;
	v19 =	vsel vm3, $0x3B, v19;
	v20 =	vsel vm1, $0x38, v20  }
0x104: {  	s20 =	sor.u32 s25, s20;
	v13 =	vsel vm1, v15, v13;
	v14 =	vsel vm4, v16, v14;
	v15 =	vsel vm4, $0x39, v22  }
0x105: {  	vm2 =	vgt.f32 v12, v11;
	vm3 =	veq.f32 v12, v11;
	v16 =	vld [tilespmem:s20+$0x20];
	vm1 =	vgt.f32 v18, v13  }
0x106: {  	vm5 =	vlt.u32 v19, v17;
	v22 =	vld [tilespmem:s20+$0x30];
	v13 =	vsel vm1, v18, v13;
	vm4 =	vgt.f32 v21, v14  }
0x107: {  	v20 =	vsel vm1, $0x3C, v20;
	v18 =	vld [tilespmem:s20+$0x60];
	v14 =	vsel vm4, v21, v14;
	v15 =	vsel vm4, $0x3D, v15  }
0x108: {  	s24 =	sor.u32 $0x1C60, s24;
	vm3 =	vmand vm3, vm5;
	v23 =	vld [tilespmem:s20+$0x70];
	vm1 =	veq.f32 v14, v13;
	vm4 =	vlt.u32 v15, v20  }
0x109: {  	vm2 =	vmor vm2, vm3;
	vm5 =	vgt.f32 v14, v13;
	vm1 =	vmand vm1, vm4;
	v24 =	vld.msk [tilespmem:s24+$0x0], $0xff  }
0x10a: {  	v11 =	vsel vm2, v12, v11;
	v25 =	vld [tilespmem:s20+$0x0];
	vm1 =	vmor vm5, vm1  }
0x10b: {  	v12 =	vld [tilespmem:s20+$0x10];
	v13 =	vsel vm1, v14, v13;
	v14 =	vsel vm1, v15, v20;
	v15 =	vsel vm2, v19, v17  }
0x10c: {  	v19 =	vmov s21;
	s21 =	smov.u32 s23;
	v17 =	vld [tilespmem:s20+$0x40];
	vm1 =	veq.f32 v11, v13;
	vm2 =	vlt.u32 v15, v14  }
0x10d: {  	vm3 =	vgt.f32 v11, v13;
	v20 =	vld [tilespmem:s20+$0x50];
	vm2 =	vmand vm1, vm2;
	vm1 =	veq.s32 v19, v4  }
0x10e: {  	v19 =	vperm.xlane v21, v4;
	vm2 =	vmor vm3, vm2;
	v21 =	vperm.xlane v24, v4  }
0x10f: {  	vm4 =	vgt.f32 v23, v22;
	vm3 =	vgt.f32 v18, v16;
	v14 =	vsel vm2, v15, v14  }
0x110: {  	v11 =	vsel vm2, v11, v13;
	v13 =	vshll.u32 v14, $0x4;
	v14 =	vsel vm0, v21, v19  }
0x111: {  	vm2 =	vgt.f32 v17, v25;
	v13 =	vor.u32 v4, v13;
	vm5 =	vgt.f32 v14, v11  }
0x112: {  	vm6 =	vgt.f32 v20, v12;
	v15 =	vld [tilespmem:s20+$0x420];
	v11 =	vsel vm5, v14, v11;
	v13 =	vsel vm5, v5, v13  }
0x113: {  	v14 =	vsel vm3, $0x6, v2;
	v19 =	vld [tilespmem:s20+$0x430];
	v21 =	vperm.xlane v11, v6;
	v24 =	vperm.xlane v13, v6  }
0x114: {  	v28 =	vsel vm4, $0x7, v3;
	v26 =	vsel vm2, $0x4, v0;
	v27 =	vsel vm6, $0x5, v1;
	v29 =	vld [tilespmem:s20+$0x400]  }
0x115: {  	v16 =	vsel vm3, v18, v16;
	v18 =	vld [tilespmem:s20+$0x410];
	vm3 =	veq.f32 v21, v11;
	vm5 =	vlt.s32 v24, v13  }
0x116: {  	v22 =	vsel vm4, v23, v22;
	vm4 =	vgt.f32 v21, v11;
	vm3 =	vmand vm3, vm5  }
0x117: {  	v17 =	vsel vm2, v17, v25;
	v12 =	vsel vm6, v20, v12;
	vm2 =	vmor vm4, vm3  }
0x118: {  	vm3 =	vgt.f32 v15, v16;
	v11 =	vsel vm2, v21, v11;
	v13 =	vsel vm2, v24, v13  }
0x119: {  	vm2 =	vgt.f32 v19, v22;
	v20 =	vperm.xlane v11, v7;
	v21 =	vperm.xlane v13, v7  }
0x11a: {  	v14 =	vsel vm3, $0xA, v14;
	vm4 =	vgt.f32 v29, v17;
	vm5 =	vgt.f32 v18, v12;
	v23 =	vld [tilespmem:s20+$0x460]  }
0x11b: {  	v24 =	vsel vm2, $0xB, v28;
	v25 =	vld [tilespmem:s20+$0x470];
	vm6 =	veq.f32 v20, v11;
	vm7 =	vlt.s32 v21, v13  }
0x11c: {  	v26 =	vsel vm4, $0x8, v26;
	vm8 =	vgt.f32 v20, v11;
	v28 =	vld [tilespmem:s20+$0x440];
	vm6 =	vmand vm6, vm7  }
0x11d: {  	v15 =	vsel vm3, v15, v16;
	v27 =	vsel vm5, $0x9, v27;
	v16 =	vld [tilespmem:s20+$0x450];
	vm3 =	vmor vm8, vm6  }
0x11e: {  	v19 =	vsel vm2, v19, v22;
	v11 =	vsel vm3, v20, v11;
	v13 =	vsel vm3, v21, v13  }
0x11f: {  	v17 =	vsel vm4, v29, v17;
	v20 =	vperm.xlane v11, v8;
	v21 =	vperm.xlane v13, v8  }
0x120: {  	v12 =	vsel vm5, v18, v12;
	vm2 =	vgt.f32 v23, v15;
	vm3 =	vgt.f32 v25, v19  }
0x121: {  	vm4 =	vgt.f32 v28, v17;
	vm5 =	veq.f32 v20, v11;
	vm6 =	vlt.s32 v21, v13  }
0x122: {  	vm8 =	vgt.f32 v20, v11;
	vm7 =	vgt.f32 v16, v12;
	v18 =	vld [tilespmem:s20+$0x820];
	vm5 =	vmand vm5, vm6  }
0x123: {  	v14 =	vsel vm2, $0xE, v14;
	v22 =	vsel vm3, $0xF, v24;
	v24 =	vld [tilespmem:s20+$0x830];
	vm5 =	vmor vm8, vm5  }
0x124: {  	v26 =	vsel vm4, $0xC, v26;
	v29 =	vld [tilespmem:s20+$0x800];
	v11 =	vsel vm5, v20, v11;
	v13 =	vsel vm5, v21, v13  }
0x125: {  	v20 =	vsel vm7, $0xD, v27;
	v21 =	vld [tilespmem:s20+$0x810];
	v27 =	vperm.xlane v11, v9;
	v30 =	vperm.xlane v13, v9  }
0x126: {  	v15 =	vsel vm2, v23, v15;
	v19 =	vsel vm3, v25, v19;
	v17 =	vsel vm4, v28, v17;
	v23 =	vld [tilespmem:s20+$0x860]  }
0x127: {  	v12 =	vsel vm7, v16, v12;
	v16 =	vld [tilespmem:s20+$0x870];
	vm2 =	veq.f32 v27, v11;
	vm3 =	vlt.s32 v30, v13  }
0x128: {  	vm4 =	vgt.f32 v18, v15;
	vm5 =	vgt.f32 v27, v11;
	v25 =	vld [tilespmem:s20+$0x840];
	vm2 =	vmand vm2, vm3  }
0x129: {  	vm6 =	vgt.f32 v24, v19;
	vm3 =	vgt.f32 v29, v17;
	v11 =	vld [tilespmem:s20+$0x850];
	vm2 =	vmor vm5, vm2  }
0x12a: {  	v14 =	vsel vm4, $0x12, v14;
	vm5 =	vgt.f32 v21, v12;
	v28 =	vld [tilespmem:s20+$0xC20];
	v13 =	vsel vm2, v30, v13  }
0x12b: {  	v22 =	vsel vm6, $0x13, v22;
	v26 =	vsel vm3, $0x10, v26;
	v30 =	vld [tilespmem:s20+$0xC30];
	(v2sf) =	vpush v13, $0x0  }
0x12c: {  	v19 =	vsel vm6, v24, v19;
	v13 =	vsel vm5, $0x11, v20;
	v20 =	vsel vm4, v18, v15;
	v15 =	vld [tilespmem:s20+$0xC00]  }
0x12d: {  	v17 =	vsel vm3, v29, v17;
	v21 =	vsel vm5, v21, v12;
	vm2 =	vgt.f32 v23, v20;
	v18 =	vld [tilespmem:s20+$0xC10]  }
0x12e: {  	vm5 =	vgt.f32 v16, v19;
	vm3 =	vgt.f32 v25, v17;
	vm4 =	vgt.f32 v11, v21;
	v12 =	vld [tilespmem:s20+$0xC60]  }
0x12f: {  	v27 =	vsel vm5, $0x17, v22;
	v24 =	vsel vm3, $0x14, v26;
	v26 =	vsel vm2, $0x16, v14;
	v14 =	vld [tilespmem:s20+$0xC70]  }
.Ltmp2:
0x130: {  	v31 =	vsel vm2, v23, v20;
	v32 =	vsel vm5, v16, v19;
	v29 =	vsel vm4, $0x15, v13;
	v16 =	vld [tilespmem:s20+$0xC40];
	(pc) =	sbr.rel @p0 .LBB2_3-.Ltmp2, $4  }
0x131: {  	v20 =	vsel vm3, v25, v17;
	v21 =	vsel vm4, v11, v21;
	vm4 =	vgt.f32 v28, v31;
	v19 =	vld [tilespmem:s20+$0xC50]  }
0x132: {  	vm5 =	vgt.f32 v30, v32;
	vm2 =	vgt.f32 v15, v20;
	vm3 =	vgt.f32 v18, v21;
	v11 =	vld [tilespmem:s20+$0x1020]  }
0x133: {  	v23 =	vsel vm4, $0x1A, v26;
	v22 =	vsel vm2, $0x18, v24;
	v24 =	vsel vm5, $0x1B, v27;
	v13 =	vld [tilespmem:s20+$0x1030]  }
0x134: {  	s23 =	sadd.s32 $0x1, s23;
	v26 =	vsel vm4, v28, v31;
	v25 =	vsel vm5, v30, v32;
	v27 =	vsel vm3, $0x19, v29;
	v17 =	vld [tilespmem:s20+$0x1000]  }
0x135: {  	v15 =	vsel vm2, v15, v20;
	v18 =	vsel vm3, v18, v21  }
0x136: {  	v20 =	vld [tilespmem:s20+$0x1010];
	vm2 =	vgt.f32 v12, v26;
	vm5 =	vgt.f32 v14, v25;
	vm3 =	vgt.f32 v16, v15  }
0x137: {  	v21 =	vld [tilespmem:s20+$0x1060];
	vm4 =	vgt.f32 v19, v18;
	v23 =	vsel vm2, $0x1E, v23;
	v24 =	vsel vm5, $0x1F, v24  }
0x138: {  	v12 =	vsel vm2, v12, v26;
	v26 =	vld [tilespmem:s20+$0x1040];
	v14 =	vsel vm5, v14, v25;
	v22 =	vsel vm3, $0x1C, v22  }
0x139: {  	v15 =	vsel vm3, v16, v15;
	v16 =	vsel vm4, v19, v18;
	v18 =	vld [tilespmem:s20+$0x1050];
	vm2 =	vgt.f32 v11, v12  }
0x13a: {  	v27 =	vsel vm4, $0x1D, v27;
	v19 =	vld [tilespmem:s20+$0x1070];
	vm5 =	vgt.f32 v13, v14;
	v23 =	vsel vm2, $0x22, v23  }
0x13b: {  	v25 =	vld [tilespmem:s20+$0x1420];
	v11 =	vsel vm2, v11, v12;
	vm3 =	vgt.f32 v17, v15;
	v24 =	vsel vm5, $0x23, v24  }
0x13c: {  	v12 =	vld [tilespmem:s20+$0x1430];
	v13 =	vsel vm5, v13, v14;
	vm4 =	vgt.f32 v20, v16;
	v22 =	vsel vm3, $0x20, v22  }
0x13d: {  	v14 =	vsel vm3, v17, v15;
	vm2 =	vgt.f32 v21, v11;
	v17 =	vld [tilespmem:s20+$0x1410];
	v27 =	vsel vm4, $0x21, v27  }
0x13e: {  	v15 =	vsel vm4, v20, v16;
	v16 =	vld [tilespmem:s20+$0x1400];
	vm3 =	vgt.f32 v26, v14;
	v11 =	vsel vm2, v21, v11  }
0x13f: {  	v21 =	vld [tilespmem:s20+$0x1470];
	vm4 =	vgt.f32 v18, v15;
	vm5 =	vgt.f32 v19, v13;
	v20 =	vsel vm3, $0x24, v22  }
0x140: {  	v22 =	vsel vm2, $0x26, v23;
	v23 =	vld [tilespmem:s20+$0x1460];
	v14 =	vsel vm3, v26, v14;
	vm3 =	vgt.f32 v25, v11  }
0x141: {  	v24 =	vsel vm5, $0x27, v24;
	v13 =	vsel vm5, v19, v13;
	v15 =	vsel vm4, v18, v15;
	v18 =	vld [tilespmem:s20+$0x1440]  }
0x142: {  	v27 =	vsel vm4, $0x25, v27;
	v19 =	vld [tilespmem:s20+$0x1450];
	v22 =	vsel vm3, $0x2A, v22;
	vm4 =	vgt.f32 v12, v13  }
0x143: {  	v11 =	vsel vm3, v25, v11;
	v25 =	vld [tilespmem:s20+$0x1830];
	vm5 =	vgt.f32 v17, v15;
	v24 =	vsel vm4, $0x2B, v24  }
0x144: {  	v26 =	vld [tilespmem:s20+$0x1820];
	v12 =	vsel vm4, v12, v13;
	vm2 =	vgt.f32 v16, v14;
	v27 =	vsel vm5, $0x29, v27  }
0x145: {  	v13 =	vld [tilespmem:s20+$0x1800];
	v15 =	vsel vm5, v17, v15;
	vm4 =	vgt.f32 v21, v12;
	v20 =	vsel vm2, $0x28, v20  }
0x146: {  	v14 =	vsel vm2, v16, v14;
	vm3 =	vgt.f32 v23, v11;
	v16 =	vld [tilespmem:s20+$0x1810];
	v12 =	vsel vm4, v21, v12  }
0x147: {  	s18 =	sadd.s32 $0x1, s18;
	vm2 =	vgt.f32 v18, v14;
	v17 =	vsel vm3, $0x2E, v22;
	v22 =	vsel vm4, $0x2F, v24;
	v24 =	vld [tilespmem:s20+$0x1860]  }
0x148: {  	s18 =	sand.u32 $0x7, s18;
	vm5 =	vgt.f32 v19, v15;
	v11 =	vsel vm3, v23, v11;
	v23 =	vld [tilespmem:s20+$0x1870];
	vm4 =	vgt.f32 v25, v12  }
0x149: {  	s18 =	sshll.u32 s18, $0x7;
	v20 =	vsel vm2, $0x2C, v20;
	v27 =	vsel vm5, $0x2D, v27;
	v14 =	vsel vm2, v18, v14;
	v18 =	vld [tilespmem:s20+$0x1840]  }
0x14a: {  	s18 =	sadd.s32 s18, s19;
	v15 =	vsel vm5, v19, v15;
	vm3 =	vgt.f32 v26, v11;
	v19 =	vld [tilespmem:s20+$0x1850];
	v21 =	vsel vm4, $0x33, v22  }
0x14b: {  	s19 =	sor.u32 $0x1C20, s18;
	v12 =	vsel vm4, v25, v12;
	vm2 =	vgt.f32 v13, v14;
	v17 =	vsel vm3, $0x32, v17  }
0x14c: {  	s26 =	sor.u32 $0x1C30, s18;
	v22 =	vld [tilespmem:s19+$0x0];
	v11 =	vsel vm3, v26, v11;
	v20 =	vsel vm2, $0x30, v20;
	vm5 =	vgt.f32 v16, v15  }
0x14d: {  	v26 =	vld [tilespmem:s26+$0x0];
	v13 =	vsel vm2, v13, v14;
	v27 =	vsel vm5, $0x31, v27;
	v14 =	vsel vm5, v16, v15  }
0x14e: {  	s28 =	sor.u32 $0x1C00, s18;
	vm3 =	vgt.f32 v24, v11;
	vm4 =	vgt.f32 v23, v12;
	vm2 =	vgt.f32 v18, v13  }
0x14f: {  	s29 =	sor.u32 $0x1C10, s18;
	v15 =	vld [tilespmem:s28+$0x0];
	vm5 =	vgt.f32 v19, v14;
	v17 =	vsel vm3, $0x36, v17;
	v21 =	vsel vm4, $0x37, v21  }
0x150: {  	s30 =	sor.u32 $0x1C40, s18;
	v16 =	vld [tilespmem:s29+$0x0];
	v11 =	vsel vm3, v24, v11;
	v12 =	vsel vm4, v23, v12;
	v20 =	vsel vm2, $0x34, v20  }
0x151: {  	s31 =	sor.u32 $0x1C50, s18;
	v25 =	vsel vm5, $0x35, v27;
	v13 =	vsel vm2, v18, v13;
	v18 =	vld [tilespmem:s30+$0x0];
	vm3 =	vgt.f32 v22, v11  }
0x152: {  	v14 =	vsel vm5, v19, v14;
	vm4 =	vgt.f32 v26, v12;
	v19 =	vld [tilespmem:s31+$0x0];
	v11 =	vsel vm3, v22, v11  }
0x153: {  	v17 =	vsel vm3, $0x3A, v17;
	v12 =	vsel vm4, v26, v12;
	v21 =	vsel vm4, $0x3B, v21  }
0x154: {  	vm3 =	vgt.f32 v12, v11;
	vm4 =	veq.f32 v12, v11;
	vm2 =	vgt.f32 v15, v13  }
0x155: {  	vm6 =	vlt.u32 v21, v17;
	vm5 =	vgt.f32 v16, v14;
	v13 =	vsel vm2, v15, v13  }
0x156: {  	v20 =	vsel vm2, $0x38, v20;
	v14 =	vsel vm5, v16, v14;
	vm2 =	vgt.f32 v18, v13  }
0x157: {  	v15 =	vsel vm5, $0x39, v25;
	vm5 =	vgt.f32 v19, v14;
	v13 =	vsel vm2, v18, v13  }
0x158: {  	v16 =	vsel vm2, $0x3C, v20;
	v14 =	vsel vm5, v19, v14;
	v15 =	vsel vm5, $0x3D, v15  }
0x159: {  	s18 =	sor.u32 $0x1C60, s18;
	vm4 =	vmand vm4, vm6;
	vm2 =	veq.f32 v14, v13;
	vm5 =	vlt.u32 v15, v16  }
0x15a: {  	vm3 =	vmor vm3, vm4;
	v18 =	vld.msk [tilespmem:s18+$0x0], $0xff;
	vm13 =	vgt.f32 v14, v13;
	vm2 =	vmand vm2, vm5  }
0x15b: {  	v11 =	vsel vm3, v12, v11;
	vm2 =	vmor vm13, vm2  }
0x15c: {  	v12 =	vsel vm2, v14, v13;
	v13 =	vsel vm2, v15, v16;
	v14 =	vsel vm3, v21, v17  }
0x15d: {  	vm2 =	veq.f32 v11, v12;
	vm3 =	vlt.u32 v14, v13  }
0x15e: {  	vm4 =	vgt.f32 v11, v12;
	vm2 =	vmand vm2, vm3  }
0x15f: {  	v15 =	vperm.xlane v19, v4;
	v16 =	vperm.xlane v18, v4;
	vm2 =	vmor vm4, vm2  }
0x160: {  	v13 =	vsel vm2, v14, v13  }
0x161: {  	v11 =	vsel vm2, v11, v12;
	v12 =	vshll.u32 v13, $0x4;
	v13 =	vsel vm0, v16, v15  }
0x162: {  	v12 =	vor.u32 v4, v12;
	vm2 =	vgt.f32 v13, v11  }
0x163: {  	v11 =	vsel vm2, v13, v11;
	v12 =	vsel vm2, v5, v12  }
0x164: {  	v13 =	vperm.xlane v11, v6;
	v14 =	vperm.xlane v12, v6;
	_ =	sdelay $0x1  }
0x165: {  	vm2 =	veq.f32 v13, v11;
	vm3 =	vlt.s32 v14, v12  }
0x166: {  	vm4 =	vgt.f32 v13, v11;
	vm2 =	vmand vm2, vm3  }
0x167: {  	vm2 =	vmor vm4, vm2  }
0x168: {  	v11 =	vsel vm2, v13, v11;
	v12 =	vsel vm2, v14, v12  }
0x169: {  	v13 =	vperm.xlane v11, v7;
	v14 =	vperm.xlane v12, v7;
	_ =	sdelay $0x1  }
0x16a: {  	vm2 =	veq.f32 v13, v11;
	vm3 =	vlt.s32 v14, v12  }
0x16b: {  	vm4 =	vgt.f32 v13, v11;
	vm2 =	vmand vm2, vm3  }
0x16c: {  	vm2 =	vmor vm4, vm2  }
0x16d: {  	v11 =	vsel vm2, v13, v11;
	v12 =	vsel vm2, v14, v12  }
0x16e: {  	v13 =	vperm.xlane v11, v8;
	v14 =	vperm.xlane v12, v8;
	_ =	sdelay $0x1  }
0x16f: {  	vm2 =	veq.f32 v13, v11;
	vm3 =	vlt.s32 v14, v12  }
0x170: {  	vm4 =	vgt.f32 v13, v11;
	vm2 =	vmand vm2, vm3  }
0x171: {  	vm2 =	vmor vm4, vm2  }
0x172: {  	v11 =	vsel vm2, v13, v11;
	v12 =	vsel vm2, v14, v12  }
0x173: {  	v13 =	vperm.xlane v11, v9;
	v14 =	vperm.xlane v12, v9;
	_ =	sdelay $0x1  }
0x174: {  	vm2 =	veq.f32 v13, v11;
	vm3 =	vlt.s32 v14, v12  }
0x175: {  	vm4 =	vgt.f32 v13, v11;
	vm2 =	vmand vm2, vm3  }
0x176: {  	vm2 =	vmor vm4, vm2  }
0x177: {  	v11 =	vsel vm2, v14, v12  }
0x178: {  	(v2sf) =	vpush v11, $0x0;
	_ =	sdelay $0xd  }
0x179: {  	s19 =	spop (v2sf)  }
0x17a: {  	v11 =	vld.msk [tilespmem:s19+$0x8000 ss:$0x0], $0xffff;
	s20 =	spop (v2sf)  }
0x17b: {  	v12 =	vld.msk [tilespmem:s20+$0x8000 ss:$0x0], $0xffff;
	_ =	sdelay $0x2  }
0x17c: {  	v13 =	vmov s21  }
0x17d: {  	s21 =	sshll.u32 s17, $0x5;
	v10 =	vsel vm1, v11, v10;
	vm1 =	veq.s32 v13, v4  }
0x17e: {  	p0 =	seq.s32 s17, $0x7;
	s18 =	sshll.u32 s17, $0xC;
	s19 =	sand.u32 $0x3FFFFFE0, s21;
	v10 =	vsel vm1, v12, v10  }
0x17f: {  	s21 =	simm.s32 @!p0 $0x0;
	s20 =	sadd.s32 @!p0 s18, s6;
	[tilespmem:s19+$0x8400] =	vst v10  }
0x180: {  	[tilespmem:s21], [sflag:$0x1] =	stream.linear.gather @!p0 [hbm4b:s20+s21], $0x4000, $0x38;
	[tilespmem:$0x8500] =	vst v63  }
0x181: {  	s23 =	simm.s32 $0x0;
	_ =	swait.ge [sflag:s14], $0x4000  }
0x182: {  	s22 =	sand.u32 $0x2000, s23;
	s24 =	sand.u32 $0x380, s23;
	[sflag:s14] =	ssyncset.done $0x0  }
0x183: {  	s20 =	sor.u32 s24, s22;
	[sflag:s14] =	ssyncadd.s32 $0xFFFFC000  }
0x184: {  	v10 =	vld [tilespmem:s20+$0x4020]  }
0x185: {  	v11 =	vld [tilespmem:s20+$0x4030]  }
0x186: {  	v12 =	vld [tilespmem:s20+$0x4060]  }
0x187: {  	v13 =	vld [tilespmem:s20+$0x4070]  }
0x188: {  	v14 =	vld [tilespmem:s20+$0x4000]  }
0x189: {  	s25 =	sand.u32 $0xFFFFE000, s23;
	v15 =	vld [tilespmem:s20+$0x4010]  }
0x18a: {  	s21 =	sadd.s32 $0x0, s25;
	v16 =	vld [tilespmem:s20+$0x4040]  }
0x18b: {  	s22 =	sor.u32 $0x4400, s21;
	v17 =	vld [tilespmem:s20+$0x4050]  }
0x18c: {  	v18 =	vld [tilespmem:s22+$0x20]  }
0x18d: {  	v19 =	vld [tilespmem:s22+$0x30]  }
0x18e: {  	v20 =	vld [tilespmem:s22+$0x0]  }
0x18f: {  	v21 =	vld [tilespmem:s22+$0x10];
	vm1 =	vgt.f32 v12, v10;
	vm2 =	vgt.f32 v13, v11;
	vm3 =	vgt.f32 v16, v14  }
0x190: {  	v24 =	vld [tilespmem:s22+$0x60];
	vm4 =	vgt.f32 v17, v15;
	v22 =	vsel vm1, $0x6, v2;
	v23 =	vsel vm3, $0x4, v0  }
0x191: {  	v25 =	vsel vm4, $0x5, v1;
	v26 =	vsel vm2, $0x7, v3;
	v10 =	vsel vm1, v12, v10;
	v12 =	vld [tilespmem:s22+$0x70]  }
0x192: {  	v11 =	vsel vm2, v13, v11;
	v13 =	vsel vm3, v16, v14;
	v14 =	vsel vm4, v17, v15;
	v15 =	vld [tilespmem:s22+$0x40]  }
0x193: {  	v16 =	vld [tilespmem:s22+$0x50];
	vm1 =	vgt.f32 v18, v10;
	vm2 =	vgt.f32 v19, v11;
	vm3 =	vgt.f32 v20, v13  }
0x194: {  	vm4 =	vgt.f32 v21, v14;
	v17 =	vsel vm1, $0xA, v22;
	v22 =	vsel vm2, $0xB, v26;
	v26 =	vld [tilespmem:s20+$0x4820]  }
0x195: {  	v23 =	vsel vm3, $0x8, v23;
	v25 =	vsel vm4, $0x9, v25;
	v10 =	vsel vm1, v18, v10;
	v18 =	vld [tilespmem:s20+$0x4830]  }
0x196: {  	v11 =	vsel vm2, v19, v11;
	v13 =	vsel vm3, v20, v13;
	v19 =	vld [tilespmem:s20+$0x4800];
	vm1 =	vgt.f32 v24, v10  }
0x197: {  	v14 =	vsel vm4, v21, v14;
	v20 =	vld [tilespmem:s20+$0x4810];
	v17 =	vsel vm1, $0xE, v17;
	vm2 =	vgt.f32 v12, v11  }
0x198: {  	v10 =	vsel vm1, v24, v10;
	vm3 =	vgt.f32 v15, v13;
	v21 =	vsel vm2, $0xF, v22;
	v22 =	vld [tilespmem:s20+$0x4860]  }
0x199: {  	vm4 =	vgt.f32 v16, v14;
	v23 =	vsel vm3, $0xC, v23;
	v13 =	vsel vm3, v15, v13;
	v15 =	vld [tilespmem:s20+$0x4840]  }
0x19a: {  	v25 =	vsel vm4, $0xD, v25;
	v11 =	vsel vm2, v12, v11;
	v12 =	vsel vm4, v16, v14;
	v14 =	vld [tilespmem:s20+$0x4850]  }
0x19b: {  	s26 =	sor.u32 $0x4C00, s21;
	v16 =	vld [tilespmem:s20+$0x4870];
	vm1 =	vgt.f32 v26, v10;
	vm2 =	vgt.f32 v19, v13;
	vm3 =	vgt.f32 v18, v11  }
0x19c: {  	v24 =	vld [tilespmem:s26+$0x20];
	vm4 =	vgt.f32 v20, v12;
	v17 =	vsel vm1, $0x12, v17;
	v23 =	vsel vm2, $0x10, v23  }
0x19d: {  	v21 =	vsel vm3, $0x13, v21;
	v25 =	vsel vm4, $0x11, v25;
	v10 =	vsel vm1, v26, v10;
	v26 =	vld [tilespmem:s26+$0x0]  }
0x19e: {  	v11 =	vsel vm3, v18, v11;
	v13 =	vsel vm2, v19, v13;
	v12 =	vsel vm4, v20, v12;
	v18 =	vld [tilespmem:s26+$0x10]  }
0x19f: {  	v19 =	vld [tilespmem:s26+$0x30];
	vm1 =	vgt.f32 v22, v10;
	vm2 =	vgt.f32 v15, v13;
	vm3 =	vgt.f32 v14, v12  }
0x1a0: {  	v20 =	vld [tilespmem:s26+$0x60];
	vm4 =	vgt.f32 v16, v11;
	v23 =	vsel vm2, $0x14, v23;
	v17 =	vsel vm1, $0x16, v17  }
0x1a1: {  	v21 =	vsel vm4, $0x17, v21;
	v25 =	vsel vm3, $0x15, v25;
	v10 =	vsel vm1, v22, v10;
	v22 =	vld [tilespmem:s26+$0x40]  }
0x1a2: {  	v11 =	vsel vm4, v16, v11;
	v13 =	vsel vm2, v15, v13;
	v12 =	vsel vm3, v14, v12;
	v14 =	vld [tilespmem:s26+$0x50]  }
0x1a3: {  	v15 =	vld [tilespmem:s26+$0x70];
	vm1 =	vgt.f32 v24, v10;
	vm2 =	vgt.f32 v26, v13;
	vm3 =	vgt.f32 v18, v12  }
0x1a4: {  	v16 =	vld [tilespmem:s20+$0x5020];
	vm4 =	vgt.f32 v19, v11;
	v23 =	vsel vm2, $0x18, v23;
	v17 =	vsel vm1, $0x1A, v17  }
0x1a5: {  	v21 =	vsel vm4, $0x1B, v21;
	v25 =	vsel vm3, $0x19, v25;
	v10 =	vsel vm1, v24, v10;
	v24 =	vld [tilespmem:s20+$0x5000]  }
0x1a6: {  	v11 =	vsel vm4, v19, v11;
	v12 =	vsel vm3, v18, v12;
	v18 =	vld [tilespmem:s20+$0x5010];
	vm1 =	vgt.f32 v20, v10  }
0x1a7: {  	v13 =	vsel vm2, v26, v13;
	v19 =	vld [tilespmem:s20+$0x5030];
	v17 =	vsel vm1, $0x1E, v17;
	v10 =	vsel vm1, v20, v10  }
0x1a8: {  	v26 =	vld [tilespmem:s20+$0x5060];
	vm2 =	vgt.f32 v22, v13;
	vm3 =	vgt.f32 v14, v12;
	vm4 =	vgt.f32 v15, v11  }
0x1a9: {  	v20 =	vld [tilespmem:s20+$0x5040];
	vm1 =	vgt.f32 v16, v10;
	v23 =	vsel vm2, $0x1C, v23;
	v21 =	vsel vm4, $0x1F, v21  }
0x1aa: {  	v25 =	vsel vm3, $0x1D, v25;
	v11 =	vsel vm4, v15, v11;
	v12 =	vsel vm3, v14, v12;
	v14 =	vld [tilespmem:s20+$0x5050]  }
0x1ab: {  	s21 =	sor.u32 $0x5400, s21;
	v13 =	vsel vm2, v22, v13;
	v15 =	vld [tilespmem:s20+$0x5070];
	v17 =	vsel vm1, $0x22, v17;
	v10 =	vsel vm1, v16, v10  }
0x1ac: {  	v22 =	vld [tilespmem:s21+$0x20];
	vm2 =	vgt.f32 v24, v13;
	vm3 =	vgt.f32 v18, v12;
	vm4 =	vgt.f32 v19, v11  }
0x1ad: {  	v16 =	vld [tilespmem:s21+$0x30];
	vm1 =	vgt.f32 v26, v10;
	v23 =	vsel vm2, $0x20, v23;
	v21 =	vsel vm4, $0x23, v21  }
0x1ae: {  	v25 =	vsel vm3, $0x21, v25;
	v13 =	vsel vm2, v24, v13;
	v12 =	vsel vm3, v18, v12;
	v18 =	vld [tilespmem:s21+$0x0]  }
0x1af: {  	v11 =	vsel vm4, v19, v11;
	v19 =	vld [tilespmem:s21+$0x10];
	v17 =	vsel vm1, $0x26, v17;
	vm2 =	vgt.f32 v20, v13  }
0x1b0: {  	v24 =	vld [tilespmem:s21+$0x60];
	v10 =	vsel vm1, v26, v10;
	v23 =	vsel vm2, $0x24, v23;
	v13 =	vsel vm2, v20, v13  }
0x1b1: {  	v26 =	vld [tilespmem:s21+$0x70];
	vm3 =	vgt.f32 v14, v12;
	vm4 =	vgt.f32 v15, v11;
	vm2 =	vgt.f32 v22, v10  }
0x1b2: {  	v21 =	vsel vm4, $0x27, v21;
	v25 =	vsel vm3, $0x25, v25;
	v12 =	vsel vm3, v14, v12;
	v14 =	vld [tilespmem:s21+$0x40]  }
0x1b3: {  	v11 =	vsel vm4, v15, v11;
	v15 =	vld [tilespmem:s21+$0x50];
	v17 =	vsel vm2, $0x2A, v17;
	v10 =	vsel vm2, v22, v10  }
0x1b4: {  	v22 =	vld [tilespmem:s20+$0x5830];
	vm1 =	vgt.f32 v18, v13;
	vm3 =	vgt.f32 v16, v11;
	vm4 =	vgt.f32 v19, v12  }
0x1b5: {  	vm2 =	vgt.f32 v24, v10;
	v20 =	vsel vm3, $0x2B, v21;
	v21 =	vld [tilespmem:s20+$0x5820];
	v23 =	vsel vm1, $0x28, v23  }
0x1b6: {  	v25 =	vsel vm4, $0x29, v25;
	v13 =	vsel vm1, v18, v13;
	v11 =	vsel vm3, v16, v11;
	v16 =	vld [tilespmem:s20+$0x5800]  }
0x1b7: {  	v12 =	vsel vm4, v19, v12;
	v18 =	vld [tilespmem:s20+$0x5810];
	v17 =	vsel vm2, $0x2E, v17;
	vm3 =	vgt.f32 v26, v11  }
0x1b8: {  	s28 =	sor.u32 s23, s23;
	v10 =	vsel vm2, v24, v10;
	v24 =	vld [tilespmem:s20+$0x5870];
	v19 =	vsel vm3, $0x2F, v20;
	v11 =	vsel vm3, v26, v11  }
0x1b9: {  	s24 =	sor.u32 $0x5C00, s28;
	v20 =	vld [tilespmem:s20+$0x5860];
	vm1 =	vgt.f32 v14, v13;
	vm4 =	vgt.f32 v15, v12;
	vm3 =	vgt.f32 v22, v11  }
0x1ba: {  	v26 =	vld [tilespmem:s24+$0x20];
	v23 =	vsel vm1, $0x2C, v23;
	v25 =	vsel vm4, $0x2D, v25;
	v13 =	vsel vm1, v14, v13  }
0x1bb: {  	v12 =	vsel vm4, v15, v12;
	v14 =	vld [tilespmem:s20+$0x5840];
	v19 =	vsel vm3, $0x33, v19;
	v11 =	vsel vm3, v22, v11  }
0x1bc: {  	v15 =	vld [tilespmem:s20+$0x5850];
	vm1 =	vgt.f32 v16, v13;
	vm2 =	vgt.f32 v21, v10;
	vm4 =	vgt.f32 v18, v12  }
0x1bd: {  	vm3 =	vgt.f32 v24, v11;
	v17 =	vsel vm2, $0x32, v17;
	v10 =	vsel vm2, v21, v10;
	v21 =	vld [tilespmem:s24+$0x30]  }
0x1be: {  	v23 =	vsel vm1, $0x30, v23;
	v25 =	vsel vm4, $0x31, v25;
	v13 =	vsel vm1, v16, v13;
	v16 =	vld [tilespmem:s24+$0x0]  }
0x1bf: {  	v12 =	vsel vm4, v18, v12;
	v18 =	vld [tilespmem:s24+$0x10];
	v19 =	vsel vm3, $0x37, v19;
	vm2 =	vgt.f32 v20, v10  }
0x1c0: {  	v11 =	vsel vm3, v24, v11;
	v17 =	vsel vm2, $0x36, v17;
	v10 =	vsel vm2, v20, v10  }
0x1c1: {  	vm1 =	vgt.f32 v14, v13;
	vm4 =	vgt.f32 v15, v12;
	vm2 =	vgt.f32 v26, v10  }
0x1c2: {  	v22 =	vsel vm1, $0x34, v23;
	v23 =	vsel vm4, $0x35, v25;
	v13 =	vsel vm1, v14, v13;
	v14 =	vld [tilespmem:s24+$0x40]  }
0x1c3: {  	v12 =	vsel vm4, v15, v12;
	v15 =	vld [tilespmem:s24+$0x50];
	v20 =	vsel vm2, v26, v10;
	v17 =	vsel vm2, $0x3A, v17  }
0x1c4: {  	vm1 =	vgt.f32 v16, v13;
	vm3 =	vgt.f32 v21, v11;
	vm4 =	vgt.f32 v18, v12  }
0x1c5: {  	v10 =	vsel vm1, $0x38, v22;
	v11 =	vsel vm3, v21, v11;
	v19 =	vsel vm3, $0x3B, v19  }
0x1c6: {  	s21 =	simm.s32 $0x400;
	s20 =	simm.s32 $0x80;
	v13 =	vsel vm1, v16, v13;
	v12 =	vsel vm4, v18, v12;
	v16 =	vsel vm4, $0x39, v23  }
0x1c7: {  	s29 =	sand.u32 $0x2000, s21;
	s25 =	sand.u32 $0x380, s20;
	vm2 =	vgt.f32 v11, v20;
	vm3 =	veq.f32 v11, v20;
	vm1 =	vgt.f32 v14, v13  }
0x1c8: {  	s22 =	sor.u32 s25, s29;
	vm5 =	vlt.u32 v19, v17;
	vm4 =	vgt.f32 v15, v12;
	v13 =	vsel vm1, v14, v13  }
0x1c9: {  	v24 =	vld [tilespmem:s22+$0x4070];
	v22 =	vsel vm1, $0x3C, v10;
	v12 =	vsel vm4, v15, v12;
	v16 =	vsel vm4, $0x3D, v16  }
0x1ca: {  	v18 =	vld.msk [tilespmem:s24+$0x60], $0xff;
	vm3 =	vmand vm3, vm5;
	vm1 =	veq.f32 v12, v13;
	vm4 =	vlt.u32 v16, v22  }
0x1cb: {  	vm2 =	vmor vm2, vm3;
	v14 =	vld [tilespmem:s22+$0x4030];
	vm5 =	vgt.f32 v12, v13;
	vm1 =	vmand vm1, vm4  }
0x1cc: {  	v25 =	vld [tilespmem:s22+$0x4000];
	v10 =	vimm.f32 $0.0e+00;
	v11 =	vsel vm2, v11, v20;
	vm1 =	vmor vm5, vm1  }
0x1cd: {  	v21 =	vld [tilespmem:s22+$0x4020];
	v12 =	vsel vm1, v12, v13;
	v13 =	vsel vm1, v16, v22;
	v16 =	vsel vm2, v19, v17  }
0x1ce: {  	v23 =	vld [tilespmem:s22+$0x4060];
	v15 =	vperm.xlane v15, v4;
	vm1 =	veq.f32 v11, v12;
	vm2 =	vlt.u32 v16, v13  }
0x1cf: {  	v20 =	vld [tilespmem:s22+$0x4010];
	v18 =	vperm.xlane v18, v4;
	vm3 =	vgt.f32 v11, v12;
	vm2 =	vmand vm1, vm2  }
0x1d0: {  	v17 =	vld [tilespmem:s22+$0x4040];
	v19 =	vmov s23;
	vm4 =	vgt.f32 v24, v14;
	vm2 =	vmor vm3, vm2  }
0x1d1: {  	s30 =	sand.u32 $0xFFFFE000, s21;
	v22 =	vld [tilespmem:s22+$0x4050];
	vm1 =	veq.s32 v19, v4;
	v28 =	vsel vm4, $0x7, v3;
	v13 =	vsel vm2, v16, v13  }
0x1d2: {  	s25 =	sadd.s32 $0x80, s30;
	v11 =	vsel vm2, v11, v12;
	v12 =	vshll.u32 v13, $0x4;
	v13 =	vsel vm0, v18, v15  }
0x1d3: {  	s23 =	sor.u32 $0x4400, s25;
	vm3 =	vgt.f32 v23, v21;
	v12 =	vor.u32 v4, v12;
	vm5 =	vgt.f32 v13, v11  }
0x1d4: {  	v29 =	vld [tilespmem:s23+$0x0];
	v21 =	vsel vm3, v23, v21;
	v11 =	vsel vm5, v13, v11;
	v12 =	vsel vm5, v5, v12  }
0x1d5: {  	v23 =	vld [tilespmem:s23+$0x10];
	vm2 =	vgt.f32 v17, v25;
	v18 =	vperm.xlane v11, v6;
	v19 =	vperm.xlane v12, v6  }
0x1d6: {  	v14 =	vsel vm4, v24, v14;
	vm14 =	vgt.f32 v22, v20;
	v15 =	vld [tilespmem:s23+$0x20];
	v26 =	vsel vm2, $0x4, v0  }
0x1d7: {  	v16 =	vld [tilespmem:s23+$0x30];
	v13 =	vsel vm3, $0x6, v2;
	vm3 =	veq.f32 v18, v11;
	vm5 =	vlt.s32 v19, v12  }
0x1d8: {  	v27 =	vsel vm14, $0x5, v1;
	vm4 =	vgt.f32 v18, v11;
	vm3 =	vmand vm3, vm5  }
0x1d9: {  	v17 =	vsel vm2, v17, v25;
	v20 =	vsel vm14, v22, v20;
	vm2 =	vmor vm4, vm3  }
0x1da: {  	vm5 =	vgt.f32 v23, v20;
	v11 =	vsel vm2, v18, v11;
	v12 =	vsel vm2, v19, v12  }
0x1db: {  	vm3 =	vgt.f32 v15, v21;
	v18 =	vperm.xlane v11, v7;
	v19 =	vperm.xlane v12, v7  }
0x1dc: {  	v22 =	vld [tilespmem:s23+$0x60];
	vm4 =	vgt.f32 v29, v17;
	v27 =	vsel vm5, $0x9, v27;
	vm2 =	vgt.f32 v16, v14  }
0x1dd: {  	v13 =	vsel vm3, $0xA, v13;
	vm15 =	veq.f32 v18, v11;
	vm7 =	vlt.s32 v19, v12  }
0x1de: {  	v25 =	vld [tilespmem:s23+$0x70];
	v15 =	vsel vm3, v15, v21;
	vm8 =	vgt.f32 v18, v11;
	vm6 =	vmand vm15, vm7  }
0x1df: {  	v21 =	vld [tilespmem:s23+$0x50];
	v24 =	vsel vm2, $0xB, v28;
	v14 =	vsel vm2, v16, v14;
	vm3 =	vmor vm8, vm6  }
0x1e0: {  	v28 =	vld [tilespmem:s23+$0x40];
	v16 =	vsel vm4, v29, v17;
	v11 =	vsel vm3, v18, v11;
	v12 =	vsel vm3, v19, v12  }
0x1e1: {  	vm2 =	vgt.f32 v22, v15;
	v17 =	vperm.xlane v11, v8;
	v18 =	vperm.xlane v12, v8  }
0x1e2: {  	v26 =	vsel vm4, $0x8, v26;
	v13 =	vsel vm2, $0xE, v13;
	v15 =	vsel vm2, v22, v15  }
0x1e3: {  	s31 =	sor.u32 $0x4C00, s25;
	v19 =	vsel vm5, v23, v20;
	vm5 =	veq.f32 v17, v11;
	vm12 =	vlt.s32 v18, v12  }
0x1e4: {  	v31 =	vld [tilespmem:s31+$0x20];
	vm3 =	vgt.f32 v25, v14;
	vm14 =	vgt.f32 v17, v11;
	vm5 =	vmand vm5, vm12  }
0x1e5: {  	vm4 =	vgt.f32 v28, v16;
	v20 =	vld [tilespmem:s22+$0x4820];
	vm13 =	vgt.f32 v21, v19;
	vm5 =	vmor vm14, vm5  }
0x1e6: {  	v23 =	vsel vm3, $0xF, v24;
	v24 =	vld [tilespmem:s22+$0x4830];
	v11 =	vsel vm5, v17, v11;
	v12 =	vsel vm5, v18, v12  }
0x1e7: {  	v29 =	vld [tilespmem:s22+$0x4800];
	v17 =	vsel vm13, $0xD, v27;
	v27 =	vperm.xlane v11, v9;
	v30 =	vperm.xlane v12, v9  }
0x1e8: {  	v22 =	vld [tilespmem:s22+$0x4860];
	v26 =	vsel vm4, $0xC, v26;
	v28 =	vsel vm4, v28, v16;
	v14 =	vsel vm3, v25, v14  }
0x1e9: {  	v19 =	vsel vm13, v21, v19;
	v18 =	vld [tilespmem:s22+$0x4810];
	vm2 =	veq.f32 v27, v11;
	vm3 =	vlt.s32 v30, v12  }
0x1ea: {  	v25 =	vld [tilespmem:s22+$0x4840];
	vm4 =	vgt.f32 v20, v15;
	vm5 =	vgt.f32 v27, v11;
	vm2 =	vmand vm2, vm3  }
0x1eb: {  	v21 =	vld [tilespmem:s22+$0x4870];
	vm15 =	vgt.f32 v24, v14;
	v13 =	vsel vm4, $0x12, v13;
	vm2 =	vmor vm5, vm2  }
0x1ec: {  	v15 =	vsel vm4, v20, v15;
	v23 =	vsel vm15, $0x13, v23;
	v11 =	vld [tilespmem:s22+$0x4850];
	v12 =	vsel vm2, v30, v12  }
0x1ed: {  	v63 =	vld [tilespmem:s31+$0x30];
	v20 =	vsel vm15, v24, v14;
	vm3 =	vgt.f32 v29, v28;
	(v2sf) =	vpush v12, $0x0  }
0x1ee: {  	v16 =	vld [tilespmem:s31+$0x0];
	vm5 =	vgt.f32 v18, v19;
	v26 =	vsel vm3, $0x10, v26;
	v24 =	vsel vm3, v29, v28  }
0x1ef: {  	v14 =	vld [tilespmem:s31+$0x70];
	v17 =	vsel vm5, $0x11, v17;
	v19 =	vsel vm5, v18, v19;
	vm3 =	vgt.f32 v25, v24  }
0x1f0: {  	vm2 =	vgt.f32 v22, v15;
	v18 =	vld [tilespmem:s31+$0x10];
	vm5 =	vgt.f32 v21, v20;
	v26 =	vsel vm3, $0x14, v26  }
0x1f1: {  	v12 =	vld [tilespmem:s31+$0x60];
	v13 =	vsel vm2, $0x16, v13;
	v27 =	vsel vm5, $0x17, v23;
	vm4 =	vgt.f32 v11, v19  }
0x1f2: {  	v29 =	vsel vm5, v21, v20;
	v20 =	vsel vm3, v25, v24;
	v28 =	vsel vm4, $0x15, v17;
	v17 =	vld [tilespmem:s31+$0x40]  }
0x1f3: {  	v15 =	vsel vm2, v22, v15;
	vm2 =	vgt.f32 v16, v20;
	v21 =	vsel vm4, v11, v19;
	v19 =	vld [tilespmem:s31+$0x50]  }
0x1f4: {  	vm5 =	vgt.f32 v63, v29;
	vm4 =	vgt.f32 v31, v15;
	v11 =	vld [tilespmem:s22+$0x5020];
	v22 =	vsel vm2, $0x18, v26  }
0x1f5: {  	v24 =	vsel vm5, $0x1B, v27;
	v23 =	vsel vm4, $0x1A, v13;
	v13 =	vld [tilespmem:s22+$0x5030];
	vm3 =	vgt.f32 v18, v21  }
0x1f6: {  	s24 =	simm.s32 $0x2;
	s23 =	simm.s32 $0x1;
	v25 =	vsel vm5, v63, v29;
	v26 =	vsel vm4, v31, v15;
	v15 =	vld [tilespmem:s22+$0x5000];
	v27 =	vsel vm3, $0x19, v28  }
.LBB2_5:
0x1f7: {  	p1 =	sne.s32 s24, $0xF;
	v16 =	vsel vm2, v16, v20;
	v18 =	vsel vm3, v18, v21;
	vm2 =	vgt.f32 v12, v26;
	v20 =	vld [tilespmem:s22+$0x5010]  }
0x1f8: {  	vm5 =	vgt.f32 v14, v25;
	vm3 =	vgt.f32 v17, v16;
	vm4 =	vgt.f32 v19, v18;
	v21 =	vld [tilespmem:s22+$0x5060]  }
0x1f9: {  	v23 =	vsel vm2, $0x1E, v23;
	v24 =	vsel vm5, $0x1F, v24;
	v22 =	vsel vm3, $0x1C, v22;
	v28 =	vld [tilespmem:s22+$0x5070]  }
0x1fa: {  	v12 =	vsel vm2, v12, v26;
	v14 =	vsel vm5, v14, v25;
	v27 =	vsel vm4, $0x1D, v27;
	v25 =	vld [tilespmem:s22+$0x5040]  }
0x1fb: {  	s25 =	sor.u32 $0x5400, s25;
	v16 =	vsel vm3, v17, v16;
	v17 =	vsel vm4, v19, v18;
	vm2 =	vgt.f32 v11, v12;
	v18 =	vld [tilespmem:s22+$0x5050]  }
0x1fc: {  	vm5 =	vgt.f32 v13, v14;
	vm3 =	vgt.f32 v15, v16;
	vm4 =	vgt.f32 v20, v17;
	v19 =	vld [tilespmem:s25+$0x20];
	s26 =	spop (v2sf)  }
0x1fd: {  	v23 =	vsel vm2, $0x22, v23;
	v24 =	vsel vm5, $0x23, v24;
	v22 =	vsel vm3, $0x20, v22;
	v26 =	vld.msk [tilespmem:s26+$0x8000 ss:$0x0], $0xffff  }
0x1fe: {  	v11 =	vsel vm2, v11, v12;
	v12 =	vsel vm5, v13, v14;
	v27 =	vsel vm4, $0x21, v27;
	v13 =	vld [tilespmem:s25+$0x30]  }
0x1ff: {  	v14 =	vsel vm3, v15, v16;
	v15 =	vsel vm4, v20, v17;
	vm2 =	vgt.f32 v21, v11;
	v16 =	vld [tilespmem:s25+$0x0]  }
0x200: {  	vm5 =	vgt.f32 v28, v12;
	vm3 =	vgt.f32 v25, v14;
	vm4 =	vgt.f32 v18, v15;
	v17 =	vld [tilespmem:s25+$0x10]  }
0x201: {  	v20 =	vsel vm3, $0x24, v22;
	v22 =	vsel vm2, $0x26, v23;
	v23 =	vsel vm5, $0x27, v24;
	v24 =	vld [tilespmem:s25+$0x60]  }
0x202: {  	v11 =	vsel vm2, v21, v11;
	v12 =	vsel vm5, v28, v12;
	v27 =	vsel vm4, $0x25, v27;
	v21 =	vld [tilespmem:s25+$0x70]  }
0x203: {  	v14 =	vsel vm3, v25, v14;
	v15 =	vsel vm4, v18, v15;
	v10 =	vsel vm1, v26, v10;
	v18 =	vld [tilespmem:s25+$0x40]  }
0x204: {  	vm2 =	vgt.f32 v19, v11;
	vm3 =	vgt.f32 v13, v12;
	vm1 =	vgt.f32 v16, v14;
	v25 =	vld [tilespmem:s25+$0x50]  }
0x205: {  	v22 =	vsel vm2, $0x2A, v22;
	v23 =	vsel vm3, $0x2B, v23;
	vm4 =	vgt.f32 v17, v15;
	v26 =	vld [tilespmem:s22+$0x5820]  }
0x206: {  	v11 =	vsel vm2, v19, v11;
	v20 =	vsel vm1, $0x28, v20;
	v27 =	vsel vm4, $0x29, v27;
	v19 =	vld [tilespmem:s22+$0x5830]  }
0x207: {  	v12 =	vsel vm3, v13, v12;
	v14 =	vsel vm1, v16, v14;
	v15 =	vsel vm4, v17, v15;
	v13 =	vld [tilespmem:s22+$0x5800]  }
0x208: {  	vm2 =	vgt.f32 v24, v11;
	vm3 =	vgt.f32 v21, v12;
	vm1 =	vgt.f32 v18, v14;
	v16 =	vld [tilespmem:s22+$0x5810]  }
0x209: {  	v17 =	vsel vm2, $0x2E, v22;
	v22 =	vsel vm3, $0x2F, v23;
	vm4 =	vgt.f32 v25, v15;
	v23 =	vld [tilespmem:s22+$0x5860]  }
0x20a: {  	v11 =	vsel vm2, v24, v11;
	v20 =	vsel vm1, $0x2C, v20;
	v27 =	vsel vm4, $0x2D, v27;
	v24 =	vld [tilespmem:s22+$0x5870]  }
0x20b: {  	s25 =	sor.u32 s21, s20;
	v12 =	vsel vm3, v21, v12;
	v14 =	vsel vm1, v18, v14;
	v15 =	vsel vm4, v25, v15;
	v18 =	vld [tilespmem:s22+$0x5840]  }
0x20c: {  	s25 =	sor.u32 $0x5C00, s25;
	vm2 =	vgt.f32 v26, v11;
	vm3 =	vgt.f32 v19, v12;
	vm1 =	vgt.f32 v13, v14;
	v21 =	vld [tilespmem:s22+$0x5850]  }
0x20d: {  	v17 =	vsel vm2, $0x32, v17;
	v22 =	vsel vm3, $0x33, v22;
	vm4 =	vgt.f32 v16, v15;
	v25 =	vld [tilespmem:s25+$0x20]  }
0x20e: {  	v11 =	vsel vm2, v26, v11;
	v20 =	vsel vm1, $0x30, v20;
	v27 =	vsel vm4, $0x31, v27;
	v26 =	vld [tilespmem:s25+$0x30]  }
0x20f: {  	v12 =	vsel vm3, v19, v12;
	v13 =	vsel vm1, v13, v14;
	v14 =	vsel vm4, v16, v15;
	v15 =	vld [tilespmem:s25+$0x0]  }
0x210: {  	vm2 =	vgt.f32 v23, v11;
	vm3 =	vgt.f32 v24, v12;
	vm1 =	vgt.f32 v18, v13;
	v16 =	vld [tilespmem:s25+$0x10]  }
0x211: {  	v17 =	vsel vm2, $0x36, v17;
	v19 =	vsel vm3, $0x37, v22;
	vm4 =	vgt.f32 v21, v14  }
0x212: {  	v11 =	vsel vm2, v23, v11;
	v20 =	vsel vm1, $0x34, v20;
	v22 =	vsel vm4, $0x35, v27  }
0x213: {  	v12 =	vsel vm3, v24, v12;
	v13 =	vsel vm1, v18, v13;
	v14 =	vsel vm4, v21, v14;
	v18 =	vld [tilespmem:s25+$0x40]  }
0x214: {  	vm2 =	vgt.f32 v25, v11;
	vm3 =	vgt.f32 v26, v12;
	vm1 =	vgt.f32 v15, v13;
	v21 =	vld [tilespmem:s25+$0x50]  }
0x215: {  	v11 =	vsel vm2, v25, v11;
	v17 =	vsel vm2, $0x3A, v17;
	vm4 =	vgt.f32 v16, v14  }
0x216: {  	s20 =	sadd.s32 $0x80, s20;
	s21 =	sadd.s32 $0x400, s21;
	v12 =	vsel vm3, v26, v12;
	v19 =	vsel vm3, $0x3B, v19;
	v20 =	vsel vm1, $0x38, v20  }
0x217: {  	s26 =	sand.u32 $0x380, s20;
	s22 =	sand.u32 $0x2000, s21;
	v13 =	vsel vm1, v15, v13;
	v14 =	vsel vm4, v16, v14;
	v15 =	vsel vm4, $0x39, v22  }
0x218: {  	s22 =	sor.u32 s26, s22;
	vm2 =	vgt.f32 v12, v11;
	vm3 =	veq.f32 v12, v11;
	vm1 =	vgt.f32 v18, v13;
	v16 =	vld.msk [tilespmem:s25+$0x60], $0xff  }
0x219: {  	vm5 =	vlt.u32 v19, v17;
	v22 =	vld [tilespmem:s22+$0x4020];
	v13 =	vsel vm1, v18, v13;
	vm4 =	vgt.f32 v21, v14  }
0x21a: {  	v20 =	vsel vm1, $0x3C, v20;
	v18 =	vld [tilespmem:s22+$0x4030];
	v14 =	vsel vm4, v21, v14;
	v15 =	vsel vm4, $0x3D, v15  }
0x21b: {  	vm3 =	vmand vm3, vm5;
	v23 =	vld [tilespmem:s22+$0x4060];
	vm1 =	veq.f32 v14, v13;
	vm4 =	vlt.u32 v15, v20  }
0x21c: {  	vm2 =	vmor vm2, vm3;
	vm5 =	vgt.f32 v14, v13;
	v24 =	vld [tilespmem:s22+$0x4070];
	vm1 =	vmand vm1, vm4  }
0x21d: {  	v11 =	vsel vm2, v12, v11;
	v25 =	vld [tilespmem:s22+$0x4000];
	vm1 =	vmor vm5, vm1  }
0x21e: {  	v12 =	vld [tilespmem:s22+$0x4010];
	v13 =	vsel vm1, v14, v13;
	v14 =	vsel vm1, v15, v20;
	v15 =	vsel vm2, v19, v17  }
0x21f: {  	v19 =	vmov s23;
	s23 =	smov.u32 s24;
	v17 =	vld [tilespmem:s22+$0x4040];
	vm1 =	veq.f32 v11, v13;
	vm2 =	vlt.u32 v15, v14  }
0x220: {  	vm3 =	vgt.f32 v11, v13;
	v20 =	vld [tilespmem:s22+$0x4050];
	vm2 =	vmand vm1, vm2;
	vm1 =	veq.s32 v19, v4  }
0x221: {  	v16 =	vperm.xlane v16, v4;
	v19 =	vperm.xlane v21, v4;
	vm3 =	vmor vm3, vm2  }
0x222: {  	s25 =	sand.u32 $0xFFFFE000, s21;
	vm4 =	vgt.f32 v23, v22;
	vm2 =	vgt.f32 v24, v18;
	v14 =	vsel vm3, v15, v14  }
0x223: {  	s25 =	sadd.s32 s25, s20;
	v11 =	vsel vm3, v11, v13;
	v13 =	vshll.u32 v14, $0x4;
	v14 =	vsel vm0, v16, v19  }
0x224: {  	s26 =	sor.u32 $0x4400, s25;
	vm3 =	vgt.f32 v17, v25;
	v13 =	vor.u32 v4, v13;
	vm5 =	vgt.f32 v14, v11  }
0x225: {  	vm6 =	vgt.f32 v20, v12;
	v15 =	vld [tilespmem:s26+$0x20];
	v11 =	vsel vm5, v14, v11;
	v13 =	vsel vm5, v5, v13  }
0x226: {  	v14 =	vsel vm4, $0x6, v2;
	v16 =	vld [tilespmem:s26+$0x30];
	v19 =	vperm.xlane v11, v6;
	v21 =	vperm.xlane v13, v6  }
0x227: {  	v28 =	vsel vm2, $0x7, v3;
	v26 =	vsel vm3, $0x4, v0;
	v27 =	vsel vm6, $0x5, v1;
	v29 =	vld [tilespmem:s26+$0x0]  }
0x228: {  	v22 =	vsel vm4, v23, v22;
	v23 =	vld [tilespmem:s26+$0x10];
	vm4 =	veq.f32 v19, v11;
	vm5 =	vlt.s32 v21, v13  }
0x229: {  	v18 =	vsel vm2, v24, v18;
	vm2 =	vgt.f32 v19, v11;
	vm4 =	vmand vm4, vm5  }
0x22a: {  	v17 =	vsel vm3, v17, v25;
	v12 =	vsel vm6, v20, v12;
	vm2 =	vmor vm2, vm4  }
0x22b: {  	vm3 =	vgt.f32 v15, v22;
	v11 =	vsel vm2, v19, v11;
	v13 =	vsel vm2, v21, v13  }
0x22c: {  	vm2 =	vgt.f32 v16, v18;
	v19 =	vperm.xlane v11, v7;
	v20 =	vperm.xlane v13, v7  }
0x22d: {  	v14 =	vsel vm3, $0xA, v14;
	vm4 =	vgt.f32 v29, v17;
	vm5 =	vgt.f32 v23, v12;
	v21 =	vld [tilespmem:s26+$0x60]  }
0x22e: {  	v24 =	vsel vm2, $0xB, v28;
	v25 =	vld [tilespmem:s26+$0x70];
	vm6 =	veq.f32 v19, v11;
	vm7 =	vlt.s32 v20, v13  }
0x22f: {  	v26 =	vsel vm4, $0x8, v26;
	vm8 =	vgt.f32 v19, v11;
	v28 =	vld [tilespmem:s26+$0x40];
	vm6 =	vmand vm6, vm7  }
0x230: {  	v15 =	vsel vm3, v15, v22;
	v27 =	vsel vm5, $0x9, v27;
	v22 =	vld [tilespmem:s26+$0x50];
	vm3 =	vmor vm8, vm6  }
0x231: {  	v16 =	vsel vm2, v16, v18;
	v11 =	vsel vm3, v19, v11;
	v13 =	vsel vm3, v20, v13  }
0x232: {  	v17 =	vsel vm4, v29, v17;
	v18 =	vperm.xlane v11, v8;
	v19 =	vperm.xlane v13, v8  }
0x233: {  	v12 =	vsel vm5, v23, v12;
	vm2 =	vgt.f32 v21, v15;
	vm3 =	vgt.f32 v25, v16  }
0x234: {  	vm4 =	vgt.f32 v28, v17;
	vm5 =	veq.f32 v18, v11;
	vm6 =	vlt.s32 v19, v13  }
0x235: {  	vm8 =	vgt.f32 v18, v11;
	vm7 =	vgt.f32 v22, v12;
	v20 =	vld [tilespmem:s22+$0x4820];
	vm5 =	vmand vm5, vm6  }
0x236: {  	v14 =	vsel vm2, $0xE, v14;
	v23 =	vsel vm3, $0xF, v24;
	v24 =	vld [tilespmem:s22+$0x4830];
	vm5 =	vmor vm8, vm5  }
0x237: {  	v26 =	vsel vm4, $0xC, v26;
	v29 =	vld [tilespmem:s22+$0x4800];
	v11 =	vsel vm5, v18, v11;
	v13 =	vsel vm5, v19, v13  }
0x238: {  	v18 =	vsel vm7, $0xD, v27;
	v19 =	vld [tilespmem:s22+$0x4810];
	v27 =	vperm.xlane v11, v9;
	v30 =	vperm.xlane v13, v9  }
0x239: {  	v15 =	vsel vm2, v21, v15;
	v16 =	vsel vm3, v25, v16;
	v17 =	vsel vm4, v28, v17;
	v21 =	vld [tilespmem:s22+$0x4860]  }
0x23a: {  	v12 =	vsel vm7, v22, v12;
	v22 =	vld [tilespmem:s22+$0x4870];
	vm2 =	veq.f32 v27, v11;
	vm3 =	vlt.s32 v30, v13  }
0x23b: {  	vm4 =	vgt.f32 v20, v15;
	vm5 =	vgt.f32 v27, v11;
	v25 =	vld [tilespmem:s22+$0x4840];
	vm2 =	vmand vm2, vm3  }
0x23c: {  	s26 =	sor.u32 $0x4C00, s25;
	vm6 =	vgt.f32 v24, v16;
	vm3 =	vgt.f32 v29, v17;
	v11 =	vld [tilespmem:s22+$0x4850];
	vm2 =	vmor vm5, vm2  }
0x23d: {  	v14 =	vsel vm4, $0x12, v14;
	vm5 =	vgt.f32 v19, v12;
	v28 =	vld [tilespmem:s26+$0x20];
	v13 =	vsel vm2, v30, v13  }
0x23e: {  	v23 =	vsel vm6, $0x13, v23;
	v26 =	vsel vm3, $0x10, v26;
	v30 =	vld [tilespmem:s26+$0x30];
	(v2sf) =	vpush v13, $0x0  }
0x23f: {  	v15 =	vsel vm4, v20, v15;
	v20 =	vsel vm6, v24, v16;
	v13 =	vsel vm5, $0x11, v18;
	v16 =	vld [tilespmem:s26+$0x0]  }
0x240: {  	v24 =	vsel vm3, v29, v17;
	v19 =	vsel vm5, v19, v12;
	vm2 =	vgt.f32 v21, v15;
	v18 =	vld [tilespmem:s26+$0x10]  }
0x241: {  	vm5 =	vgt.f32 v22, v20;
	vm3 =	vgt.f32 v25, v24;
	vm4 =	vgt.f32 v11, v19;
	v12 =	vld [tilespmem:s26+$0x60]  }
0x242: {  	v27 =	vsel vm2, $0x16, v14;
	v29 =	vsel vm5, $0x17, v23;
	v26 =	vsel vm3, $0x14, v26;
	v14 =	vld [tilespmem:s26+$0x70]  }
.Ltmp3:
0x243: {  	v15 =	vsel vm2, v21, v15;
	v32 =	vsel vm5, v22, v20;
	v31 =	vsel vm4, $0x15, v13;
	v17 =	vld [tilespmem:s26+$0x40];
	(pc) =	sbr.rel @p1 .LBB2_5-.Ltmp3, $4  }
0x244: {  	v20 =	vsel vm3, v25, v24;
	v21 =	vsel vm4, v11, v19;
	vm4 =	vgt.f32 v28, v15;
	v19 =	vld [tilespmem:s26+$0x50]  }
0x245: {  	vm5 =	vgt.f32 v30, v32;
	vm2 =	vgt.f32 v16, v20;
	vm3 =	vgt.f32 v18, v21;
	v11 =	vld [tilespmem:s22+$0x5020]  }
0x246: {  	v23 =	vsel vm4, $0x1A, v27;
	v24 =	vsel vm5, $0x1B, v29;
	v22 =	vsel vm2, $0x18, v26;
	v13 =	vld [tilespmem:s22+$0x5030]  }
0x247: {  	s24 =	sadd.s32 $0x1, s24;
	v25 =	vsel vm5, v30, v32;
	v26 =	vsel vm4, v28, v15;
	v27 =	vsel vm3, $0x19, v31;
	v15 =	vld [tilespmem:s22+$0x5000]  }
0x248: {  	v16 =	vsel vm2, v16, v20;
	v18 =	vsel vm3, v18, v21  }
0x249: {  	v48 =	vld [tilespmem:s22+$0x5010];
	vm2 =	vgt.f32 v12, v26;
	vm5 =	vgt.f32 v14, v25;
	vm3 =	vgt.f32 v17, v16  }
0x24a: {  	v49 =	vld [tilespmem:s22+$0x5060];
	vm4 =	vgt.f32 v19, v18;
	v23 =	vsel vm2, $0x1E, v23;
	v24 =	vsel vm5, $0x1F, v24  }
0x24b: {  	v53 =	vld [tilespmem:s22+$0x5070];
	v12 =	vsel vm2, v12, v26;
	v14 =	vsel vm5, v14, v25;
	v22 =	vsel vm3, $0x1C, v22  }
0x24c: {  	v50 =	vld [tilespmem:s22+$0x5040];
	v27 =	vsel vm4, $0x1D, v27;
	v16 =	vsel vm3, v17, v16;
	vm2 =	vgt.f32 v11, v12  }
0x24d: {  	v52 =	vld [tilespmem:s22+$0x5050];
	s24 =	sor.u32 $0x5400, s25;
	v51 =	vsel vm4, v19, v18;
	vm5 =	vgt.f32 v13, v14;
	v23 =	vsel vm2, $0x22, v23  }
0x24e: {  	v54 =	vld [tilespmem:s24+$0x20];
	v11 =	vsel vm2, v11, v12;
	vm3 =	vgt.f32 v15, v16;
	v24 =	vsel vm5, $0x23, v24  }
0x24f: {  	v55 =	vld [tilespmem:s24+$0x30];
	v13 =	vsel vm5, v13, v14;
	vm4 =	vgt.f32 v48, v51;
	v22 =	vsel vm3, $0x20, v22  }
0x250: {  	v58 =	vld [tilespmem:s24+$0x0];
	v56 =	vsel vm3, v15, v16;
	vm2 =	vgt.f32 v49, v11;
	vm5 =	vgt.f32 v53, v13  }
0x251: {  	v59 =	vld [tilespmem:s24+$0x10];
	v27 =	vsel vm4, $0x21, v27;
	v57 =	vsel vm4, v48, v51;
	vm3 =	vgt.f32 v50, v56  }
0x252: {  	v62 =	vld [tilespmem:s24+$0x60];
	v61 =	vsel vm2, $0x26, v23;
	v24 =	vsel vm5, $0x27, v24;
	v11 =	vsel vm2, v49, v11  }
0x253: {  	v63 =	vld [tilespmem:s24+$0x70];
	v13 =	vsel vm5, v53, v13;
	vm4 =	vgt.f32 v52, v57;
	v60 =	vsel vm3, $0x24, v22  }
0x254: {  	v30 =	vld [tilespmem:s24+$0x40];
	v14 =	vsel vm3, v50, v56;
	vm3 =	vgt.f32 v54, v11;
	vm12 =	vgt.f32 v55, v13  }
0x255: {  	v32 =	vld [tilespmem:s22+$0x5820];
	v27 =	vsel vm4, $0x25, v27;
	v15 =	vsel vm4, v52, v57;
	vm2 =	vgt.f32 v58, v14  }
0x256: {  	v31 =	vld [tilespmem:s24+$0x50];
	v22 =	vsel vm3, $0x2A, v61;
	v24 =	vsel vm12, $0x2B, v24;
	v11 =	vsel vm3, v54, v11  }
0x257: {  	v33 =	vld [tilespmem:s22+$0x5830];
	v12 =	vsel vm12, v55, v13;
	vm13 =	vgt.f32 v59, v15;
	v20 =	vsel vm2, $0x28, v60  }
0x258: {  	v34 =	vld [tilespmem:s22+$0x5800];
	v14 =	vsel vm2, v58, v14;
	vm3 =	vgt.f32 v62, v11;
	vm4 =	vgt.f32 v63, v12  }
0x259: {  	v35 =	vld [tilespmem:s22+$0x5810];
	v27 =	vsel vm13, $0x29, v27;
	v15 =	vsel vm13, v59, v15;
	vm2 =	vgt.f32 v30, v14  }
0x25a: {  	v38 =	vld [tilespmem:s22+$0x5860];
	v36 =	vsel vm3, $0x2E, v22;
	v37 =	vsel vm4, $0x2F, v24;
	v11 =	vsel vm3, v62, v11  }
0x25b: {  	v39 =	vld [tilespmem:s22+$0x5870];
	v12 =	vsel vm4, v63, v12;
	vm5 =	vgt.f32 v31, v15;
	v20 =	vsel vm2, $0x2C, v20  }
0x25c: {  	v40 =	vld [tilespmem:s22+$0x5840];
	s20 =	sor.u32 s21, s20;
	v14 =	vsel vm2, v30, v14;
	vm3 =	vgt.f32 v32, v11;
	vm4 =	vgt.f32 v33, v12  }
0x25d: {  	v41 =	vld [tilespmem:s22+$0x5850];
	s20 =	sor.u32 $0x5C00, s20;
	v27 =	vsel vm5, $0x2D, v27;
	v15 =	vsel vm5, v31, v15;
	vm2 =	vgt.f32 v34, v14  }
0x25e: {  	v43 =	vld [tilespmem:s20+$0x20];
	v17 =	vsel vm3, $0x32, v36;
	v42 =	vsel vm4, $0x33, v37;
	v11 =	vsel vm3, v32, v11  }
0x25f: {  	v44 =	vld [tilespmem:s20+$0x30];
	v12 =	vsel vm4, v33, v12;
	vm5 =	vgt.f32 v35, v15;
	v20 =	vsel vm2, $0x30, v20  }
0x260: {  	v46 =	vld [tilespmem:s20+$0x0];
	v13 =	vsel vm2, v34, v14;
	vm3 =	vgt.f32 v38, v11;
	vm4 =	vgt.f32 v39, v12  }
0x261: {  	v27 =	vsel vm5, $0x31, v27;
	v45 =	vsel vm5, v35, v15;
	vm2 =	vgt.f32 v40, v13  }
0x262: {  	v47 =	vld [tilespmem:s20+$0x10];
	v17 =	vsel vm3, $0x36, v17;
	v21 =	vsel vm4, $0x37, v42;
	v11 =	vsel vm3, v38, v11  }
0x263: {  	v12 =	vsel vm4, v39, v12;
	vm5 =	vgt.f32 v41, v45;
	v20 =	vsel vm2, $0x34, v20  }
0x264: {  	v49 =	vld [tilespmem:s20+$0x40];
	v13 =	vsel vm2, v40, v13;
	vm3 =	vgt.f32 v43, v11;
	vm4 =	vgt.f32 v44, v12  }
0x265: {  	v50 =	vld [tilespmem:s20+$0x50];
	v48 =	vsel vm5, $0x35, v27;
	v14 =	vsel vm5, v41, v45;
	vm2 =	vgt.f32 v46, v13  }
0x266: {  	v11 =	vsel vm3, v43, v11;
	v17 =	vsel vm3, $0x3A, v17;
	v12 =	vsel vm4, v44, v12  }
0x267: {  	v21 =	vsel vm4, $0x3B, v21;
	vm5 =	vgt.f32 v47, v14;
	v20 =	vsel vm2, $0x38, v20  }
0x268: {  	v13 =	vsel vm2, v46, v13;
	vm3 =	vgt.f32 v12, v11;
	vm14 =	veq.f32 v12, v11  }
0x269: {  	v14 =	vsel vm5, v47, v14;
	v51 =	vsel vm5, $0x39, v48;
	vm2 =	vgt.f32 v49, v13  }
0x26a: {  	v13 =	vsel vm2, v49, v13;
	vm15 =	vgt.f32 v50, v14;
	v52 =	vsel vm2, $0x3C, v20  }
0x26b: {  	vm2 =	vlt.u32 v21, v17;
	v14 =	vsel vm15, v50, v14;
	v15 =	vsel vm15, $0x3D, v51  }
0x26c: {  	vm2 =	vmand vm14, vm2;
	vm8 =	veq.f32 v14, v13;
	vm9 =	vlt.u32 v15, v52  }
0x26d: {  	v53 =	vld.msk [tilespmem:s20+$0x60], $0xff;
	vm10 =	vgt.f32 v14, v13;
	vm2 =	vmor vm3, vm2;
	vm4 =	vmand vm8, vm9  }
0x26e: {  	v11 =	vsel vm2, v12, v11;
	vm3 =	vmor vm10, vm4  }
0x26f: {  	v56 =	vsel vm2, v21, v17;
	v54 =	vsel vm3, v14, v13;
	v55 =	vsel vm3, v15, v52  }
0x270: {  	vm2 =	veq.f32 v11, v54;
	vm3 =	vlt.u32 v56, v55  }
0x271: {  	vm11 =	vgt.f32 v11, v54;
	vm2 =	vmand vm2, vm3  }
0x272: {  	v58 =	vperm.xlane v53, v4;
	v57 =	vperm.xlane v50, v4;
	vm2 =	vmor vm11, vm2  }
0x273: {  	v13 =	vsel vm2, v56, v55  }
0x274: {  	v60 =	vsel vm0, v58, v57;
	v11 =	vsel vm2, v11, v54;
	v59 =	vshll.u32 v13, $0x4  }
0x275: {  	vm2 =	vgt.f32 v60, v11;
	v12 =	vor.u32 v4, v59  }
0x276: {  	v11 =	vsel vm2, v60, v11;
	v12 =	vsel vm2, v5, v12  }
0x277: {  	v13 =	vperm.xlane v11, v6;
	v61 =	vperm.xlane v12, v6;
	_ =	sdelay $0x1  }
0x278: {  	vm2 =	veq.f32 v13, v11;
	vm3 =	vlt.s32 v61, v12  }
0x279: {  	vm12 =	vgt.f32 v13, v11;
	vm2 =	vmand vm2, vm3  }
0x27a: {  	vm2 =	vmor vm12, vm2  }
0x27b: {  	v11 =	vsel vm2, v13, v11;
	v12 =	vsel vm2, v61, v12  }
0x27c: {  	v13 =	vperm.xlane v11, v7;
	v14 =	vperm.xlane v12, v7;
	_ =	sdelay $0x1  }
0x27d: {  	vm2 =	veq.f32 v13, v11;
	vm3 =	vlt.s32 v14, v12  }
0x27e: {  	vm13 =	vgt.f32 v13, v11;
	vm2 =	vmand vm2, vm3  }
0x27f: {  	vm2 =	vmor vm13, vm2  }
0x280: {  	v11 =	vsel vm2, v13, v11;
	v12 =	vsel vm2, v14, v12  }
0x281: {  	v13 =	vperm.xlane v11, v8;
	v14 =	vperm.xlane v12, v8;
	_ =	sdelay $0x1  }
0x282: {  	vm2 =	veq.f32 v13, v11;
	vm3 =	vlt.s32 v14, v12  }
0x283: {  	vm14 =	vgt.f32 v13, v11;
	vm2 =	vmand vm2, vm3  }
0x284: {  	vm2 =	vmor vm14, vm2  }
0x285: {  	v11 =	vsel vm2, v13, v11;
	v12 =	vsel vm2, v14, v12  }
0x286: {  	v13 =	vperm.xlane v11, v9;
	v14 =	vperm.xlane v12, v9;
	_ =	sdelay $0x1  }
0x287: {  	vm2 =	veq.f32 v13, v11;
	vm3 =	vlt.s32 v14, v12  }
0x288: {  	vm15 =	vgt.f32 v13, v11;
	vm2 =	vmand vm2, vm3  }
0x289: {  	vm2 =	vmor vm15, vm2  }
0x28a: {  	v11 =	vsel vm2, v14, v12  }
0x28b: {  	(v2sf) =	vpush v11, $0x0;
	_ =	sdelay $0xd  }
0x28c: {  	s30 =	spop (v2sf)  }
0x28d: {  	v11 =	vld.msk [tilespmem:s30+$0x8000 ss:$0x0], $0xffff;
	s31 =	spop (v2sf)  }
0x28e: {  	v62 =	vld.msk [tilespmem:s31+$0x8000 ss:$0x0], $0xffff;
	_ =	sdelay $0x1  }
.Ltmp4:
0x28f: {  	_ = 	snop;
	(pc) =	sbr.rel @p0 .LBB2_8-.Ltmp4, $4  }
0x290: {  	v63 =	vmov s23  }
0x291: {  	v10 =	vsel vm1, v11, v10;
	vm1 =	veq.s32 v63, v4  }
0x292: {  	v10 =	vsel vm1, v62, v10  }
0x293: {  	[tilespmem:s19+$0x8410] =	vst v10  }
.Ltmp5:
0x294: {  	(pc) =	sbr.rel .LBB2_2-.Ltmp5, $3  }
0x295: {  	_ =	sdelay $0x1  }
0x296: {  	s18 =	sadd.s32 s18, s7;
	s17 =	sadd.s32 $0x1, s17  }
0x297: {  	[tilespmem:s12], [sflag:$0x2] =	stream.linear.gather [hbm4b:s18+s3], $0x4000, $0x38;
	[tilespmem:$0x8500] =	vst v63  }
.LBB2_9:
0x298: {  	_ =	sfence.sel $0x180000  }
0x299: {  	[bflag:$0x0] =	sbarrier.arrive $0xFFFF  }
0x29a: {  	p0 =	sne.s32 s2, $0x0;
	_ =	strace $0x90000047  }
0x29b: {  	s0 =	sadd.s32 @!p0 $0x100000, s0;
	[bflag:$0x2] =	sbarrier.arrive $0xFFFF  }
0x29c: {  	[sflag:s0] =	ssyncadd.tile.s32 @!p0 $0x1;
	_ =	shalt  }
.Lfunc_end2:
_tile_overlayer_lowered:
.L_overlay_start_2:
0x29d: {  	(tag) =	ssettag $0x2  }
0x29e: {  	s0 =	rddreg [dreg:$0x0];
	s2 =	stileid.u32  }
0x29f: {  	s1 =	rddreg [dreg:$0x1];
	p0 =	sne.s32 s2, $0x0  }
0x2a0: {  	s3 =	rddreg [dreg:$0x2];
	[bflag:$0x3] =	sbarrier.arrive $0xFFFF;
	s2 =	simm.s32 @!p0 $0x1C03  }
0x2a1: {  	[timem:s3], [sflag:s2] =	dma.local @!p0 [hbm:s0], s1  }
0x2a2: {  	s0 =	simm.s32 @!p0 $0x3  }
0x2a3: {  	_ =	swait.ge @!p0 [sflag:s0], s1  }
0x2a4: {  	s1 =	ssub.s32 @!p0 $0x0, s1;
	[sflag:s0] =	ssyncset.done @!p0 $0x0  }
0x2a5: {  	[sflag:s0] =	ssyncadd.s32 @!p0 s1  }
0x2a6: {  	[bflag:$0x3] =	sbarrier.arrive $0xFFFF  }
0x2a7: {  	_ =	shalt  }

</sc_bundles>
